<compile_context>
chip_gen: v7x
topology: tpu7x:2x2x1
jax: 0.10.2.dev20260603
libtpu: 0.0.44.dev20260713+nightly
codegen_flags: <defaults>
</compile_context>

<pallas_src>
import functools

import jax
import jax.numpy as jnp
from jax import lax
from jax.experimental import pallas as pl
from jax.experimental.pallas import tpu as pltpu
from jax.experimental.pallas import tpu_sc as plsc

_B = 16384
_K = 128
_NC = 2
_NS = 16
_NW = _NC * _NS
_BPW = _B // _NW
_CH = 128
_NCH = _BPW // _CH


def _sc_gather_body(uidx_hbm, iidx_hbm, didx_hbm, utab_hbm, itab_hbm,
                    c0_hbm, c1_hbm, c2_hbm,
                    inter_hbm, bvals_hbm,
                    uidx_v, iidx_v, didx_v, b0_v, b1_v, b2_v, bbuf_v,
                    ubuf_v, ibuf_v,
                    semgu, semgi, semb, sems0, sems1, sems2, sembst):
    wid = lax.axis_index("s") * _NC + lax.axis_index("c")
    base = wid * _BPW

    ldu = pltpu.async_copy(uidx_hbm.at[pl.ds(base, _BPW)], uidx_v, sems0)
    ldi = pltpu.async_copy(iidx_hbm.at[pl.ds(base, _BPW)], iidx_v, sems1)
    ldd = pltpu.async_copy(didx_hbm.at[pl.ds(base, _BPW)], didx_v, sembst)
    ldu.wait()
    ldi.wait()

    sems = (sems0, sems1, sems2)
    st = [None] * _NCH

    def fire(c):
        b = c % 3
        sl = pl.ds(c * _CH, _CH)
        return (
            pltpu.async_copy(utab_hbm.at[uidx_v.at[sl]], ubuf_v.at[b], semgu),
            pltpu.async_copy(itab_hbm.at[iidx_v.at[sl]], ibuf_v.at[b], semgi),
        )

    g = {0: fire(0)}

    bcopies = []
    for c in range(_NCH):
        sl = pl.ds(c * _CH, _CH)
        isl = uidx_v.at[sl]
        bcopies.append(pltpu.async_copy(c0_hbm.at[isl], b0_v.at[sl], semb))
        bcopies.append(pltpu.async_copy(c1_hbm.at[isl], b1_v.at[sl], semb))
        bcopies.append(pltpu.async_copy(c2_hbm.at[isl], b2_v.at[sl], semb))
    ldd.wait()
    g[1] = fire(1)
    for c in range(_NCH):
        b = c % 3
        g[c][0].wait()
        g[c][1].wait()
        if c + 2 < _NCH:
            if c >= 1:
                st[c - 1].wait()
            g[c + 2] = fire(c + 2)

        def _mul(r, carry):
            for j in range(_K // 16):
                s = pl.ds(j * 16, 16)
                ubuf_v[b, r, s] = ubuf_v[b, r, s] * ibuf_v[b, r, s]
            return carry
        lax.fori_loop(0, _CH, _mul, 0)
        osl = pl.ds(base + c * _CH, _CH)
        st[c] = pltpu.async_copy(ubuf_v.at[b], inter_hbm.at[osl], sems[b])

    for bc in bcopies:
        bc.wait()

    def _sel(j, carry):
        s = pl.ds(j * 16, 16)
        d = didx_v[s]
        bbuf_v[s] = jnp.where(d == 0, b0_v[s],
                              jnp.where(d == 1, b1_v[s], b2_v[s]))
        return carry
    lax.fori_loop(0, _BPW // 16, _sel, 0)
    bst = pltpu.async_copy(bbuf_v, bvals_hbm.at[pl.ds(base, _BPW)], sembst)

    st[_NCH - 3].wait()
    st[_NCH - 2].wait()
    st[_NCH - 1].wait()
    bst.wait()


@functools.cache
def _make_sc_gather():
    return functools.partial(
        pl.kernel,
        out_type=[
            jax.ShapeDtypeStruct((_B, _K), jnp.float32),
            jax.ShapeDtypeStruct((_B,), jnp.float32),
        ],
        mesh=plsc.VectorSubcoreMesh(core_axis_name="c", subcore_axis_name="s"),
        scratch_types=[
            pltpu.VMEM((_BPW,), jnp.int32),
            pltpu.VMEM((_BPW,), jnp.int32),
            pltpu.VMEM((_BPW,), jnp.int32),
            pltpu.VMEM((_BPW,), jnp.float32),
            pltpu.VMEM((_BPW,), jnp.float32),
            pltpu.VMEM((_BPW,), jnp.float32),
            pltpu.VMEM((_BPW,), jnp.float32),
            pltpu.VMEM((3, _CH, _K), jnp.float32),
            pltpu.VMEM((3, _CH, _K), jnp.float32),
            pltpu.SemaphoreType.DMA,
            pltpu.SemaphoreType.DMA,
            pltpu.SemaphoreType.DMA,
            pltpu.SemaphoreType.DMA,
            pltpu.SemaphoreType.DMA,
            pltpu.SemaphoreType.DMA,
            pltpu.SemaphoreType.DMA,
        ],
    )(_sc_gather_body)


_BLK = 8192


_NCODE = 120


def _tc_mlp_body(inter_ref, code_ref, bias_ref,
                 dt_ref, wk_ref, yr_ref, w1a_ref, w1t_ref, b1_ref,
                 w2_ref, b2_ref, out_ref):
    f32 = jnp.float32
    inter = inter_ref[...]
    w1t = w1t_ref[...]
    pd = jnp.dot(dt_ref[...], w1t[0:10], preferred_element_type=f32)
    pw = jnp.dot(wk_ref[...], w1t[10:20], preferred_element_type=f32)
    py = jnp.dot(yr_ref[...], w1t[20:30], preferred_element_type=f32)
    c0 = lax.broadcasted_iota(jnp.int32, (_NCODE, 1), 0)
    e3 = (c0 % 3 == lax.broadcasted_iota(jnp.int32, (_NCODE, 3), 1)).astype(f32)
    e2 = ((c0 // 3) % 2
          == lax.broadcasted_iota(jnp.int32, (_NCODE, 2), 1)).astype(f32)
    e20 = (c0 // 6
           == lax.broadcasted_iota(jnp.int32, (_NCODE, 20), 1)).astype(f32)
    p = jnp.dot(e3, pd, preferred_element_type=f32) \
        + jnp.dot(e2, pw, preferred_element_type=f32) \
        + jnp.dot(e20, py, preferred_element_type=f32)
    code = code_ref[...]
    hot_t = (jnp.broadcast_to(code, (_NCODE, _BLK))
             == lax.broadcasted_iota(jnp.int32, (_NCODE, _BLK), 0)).astype(f32)
    acc = jnp.dot(inter, w1a_ref[...], preferred_element_type=f32)
    acc = acc + lax.dot_general(hot_t, p, (((0,), (0,)), ((), ())),
                                preferred_element_type=f32)
    h = jnp.maximum(acc + b1_ref[...], 0.0)
    w2 = w2_ref[...]
    parts = [
        lax.dot_general(w2, h[k * 128:(k + 1) * 128, :],
                        (((0,), (1,)), ((), ())), preferred_element_type=f32)
        for k in range(_BLK // 128)
    ]
    out_t = jnp.concatenate(parts, axis=0)
    out_ref[...] = out_t.reshape(_BLK) + b2_ref[0, 0] + bias_ref[...]


def _tc_mlp(inter, code, bvals, dt, wk, yr, w1a, w1t, b1, w2, b2):
    grid = (_B // _BLK,)
    row_spec = pl.BlockSpec((_BLK, _K), lambda i: (i, 0))
    vec_spec = pl.BlockSpec((_BLK,), lambda i: (i,))

    def full(a):
        return pl.BlockSpec(a.shape, lambda i: tuple(0 for _ in a.shape))

    return pl.pallas_call(
        _tc_mlp_body,
        grid=grid,
        in_specs=[row_spec, vec_spec, vec_spec,
                  full(dt), full(wk), full(yr), full(w1a), full(w1t),
                  full(b1), full(w2), full(b2)],
        out_specs=vec_spec,
        out_shape=jax.ShapeDtypeStruct((_B,), jnp.float32),
    )(inter, code, bvals, dt, wk, yr, w1a, w1t, b1, w2, b2)


def kernel(user_input, item_input, daytime_input, weekend_input, year_input,
           user_table, item_table, daytime_table, weekend_table, year_table,
           user_time_bias, W1, b1, W2, b2):
    ui = user_input.astype(jnp.int32)
    di = daytime_input.astype(jnp.int32)
    inter, bvals = _make_sc_gather()(
        ui, item_input.astype(jnp.int32), di, user_table, item_table,
        user_time_bias[:, 0], user_time_bias[:, 1], user_time_bias[:, 2])
    code = di + 3 * weekend_input.astype(jnp.int32) \
        + 6 * year_input.astype(jnp.int32)
    return _tc_mlp(
        inter, code, bvals,
        daytime_table, weekend_table, year_table,
        W1[0:_K], W1[_K:], b1.reshape(1, -1), W2, b2.reshape(1, 1))

# --- scband reference (transcript-rebuilt; emitter-appended) ---
"""Pipeline reference for scband-cfmodel-89824946029367 (READ-ONLY COPY).

The authoritative reference and input builder live on the scoring server;
editing this copy changes nothing except your own understanding.
"""

import jax, jax.numpy as jnp
import numpy as np

N_USERS = 100000
M_ITEMS = 1000000
K = 128
T = 10
B = 16384

def setup_inputs(seed: int = 0) -> dict:
    key = jax.random.key(seed)
    ks = jax.random.split(key, 16)
    inp = {}
    inp['user_input'] = jax.random.randint(ks[0], (B,), 0, N_USERS)
    inp['item_input'] = jax.random.randint(ks[1], (B,), 0, M_ITEMS)
    inp['daytime_input'] = jax.random.randint(ks[2], (B,), 0, 3)
    inp['weekend_input'] = jax.random.randint(ks[3], (B,), 0, 2)
    inp['year_input'] = jax.random.randint(ks[4], (B,), 0, 20)
    inp['user_table'] = jax.random.normal(ks[5], (N_USERS, K), dtype=jnp.float32) * 0.01
    inp['item_table'] = jax.random.normal(ks[6], (M_ITEMS, K), dtype=jnp.float32) * 0.01
    inp['daytime_table'] = jax.random.normal(ks[7], (3, T), dtype=jnp.float32) * 0.01
    inp['weekend_table'] = jax.random.normal(ks[8], (2, T), dtype=jnp.float32) * 0.01
    inp['year_table'] = jax.random.normal(ks[9], (20, T), dtype=jnp.float32) * 0.01
    inp['user_time_bias'] = jax.random.normal(ks[10], (N_USERS, 3), dtype=jnp.float32) * 0.01
    d_in = K + 3 * T
    d_hid = K // 2
    inp['W1'] = jax.random.normal(ks[11], (d_in, d_hid), dtype=jnp.float32) * (1.0 / np.sqrt(d_in))
    inp['b1'] = jnp.zeros((d_hid,), dtype=jnp.float32)
    inp['W2'] = jax.random.normal(ks[12], (d_hid, 1), dtype=jnp.float32) * (1.0 / np.sqrt(d_hid))
    inp['b2'] = jnp.zeros((1,), dtype=jnp.float32)
    return inp

def reference(user_input, item_input, daytime_input, weekend_input, year_input,
              user_table, item_table, daytime_table, weekend_table, year_table,
              user_time_bias, W1, b1, W2, b2):
    user_embedded = jnp.take(user_table, user_input, axis=0)
    item_embedded = jnp.take(item_table, item_input, axis=0)
    daytime_embedded = jnp.take(daytime_table, daytime_input, axis=0)
    weekend_embedded = jnp.take(weekend_table, weekend_input, axis=0)
    year_embedded = jnp.take(year_table, year_input, axis=0)
    user_item_interaction = user_embedded * item_embedded
    time_bias = jnp.take(user_time_bias, user_input, axis=0)  # [B, 3]
    # torch.gather(time_bias, 1, daytime.unsqueeze(1)).squeeze()
    user_daytime_bias = jnp.take_along_axis(time_bias, daytime_input[:, None], axis=1)[:, 0]
    combined = jnp.concatenate([user_item_interaction, daytime_embedded, weekend_embedded, year_embedded], axis=1)
    h = jnp.maximum(combined @ W1 + b1, 0.0)  # ReLU; Dropout is identity in eval
    base_rating = (h @ W2 + b2)[:, 0]
    final_rating = base_rating + user_daytime_bias
    return final_rating

if __name__ == "__main__":
    import jax
    _d = setup_inputs()
    print(jax.jit(kernel)(*tuple(_d.values())))

</pallas_src>

<mosaic_0001>
#map = affine_map<(d0, d1) -> (0)>
#map1 = affine_map<(d0, d1) -> (0, 0)>
module attributes {stable_mosaic.version = 14 : i64} {
  func.func @_sc_gather_body(%arg0: i32, %arg1: i32, %arg2: memref<16384xi32, #tpu.memory_space<hbm>>, %arg3: memref<16384xi32, #tpu.memory_space<hbm>>, %arg4: memref<16384xi32, #tpu.memory_space<hbm>>, %arg5: memref<100000x128xf32, #tpu.memory_space<hbm>>, %arg6: memref<1000000x128xf32, #tpu.memory_space<hbm>>, %arg7: memref<100000xf32, #tpu.memory_space<hbm>>, %arg8: memref<100000xf32, #tpu.memory_space<hbm>>, %arg9: memref<100000xf32, #tpu.memory_space<hbm>>, %arg10: memref<16384x128xf32, #tpu.memory_space<hbm>>, %arg11: memref<16384xf32, #tpu.memory_space<hbm>>, %arg12: memref<512xi32, #tpu.memory_space<vmem>>, %arg13: memref<512xi32, #tpu.memory_space<vmem>>, %arg14: memref<512xi32, #tpu.memory_space<vmem>>, %arg15: memref<512xf32, #tpu.memory_space<vmem>>, %arg16: memref<512xf32, #tpu.memory_space<vmem>>, %arg17: memref<512xf32, #tpu.memory_space<vmem>>, %arg18: memref<512xf32, #tpu.memory_space<vmem>>, %arg19: memref<3x128x128xf32, #tpu.memory_space<vmem>>, %arg20: memref<3x128x128xf32, #tpu.memory_space<vmem>>, %arg21: memref<!tpu.dma_semaphore, #tpu.memory_space<semaphore_mem>>, %arg22: memref<!tpu.dma_semaphore, #tpu.memory_space<semaphore_mem>>, %arg23: memref<!tpu.dma_semaphore, #tpu.memory_space<semaphore_mem>>, %arg24: memref<!tpu.dma_semaphore, #tpu.memory_space<semaphore_mem>>, %arg25: memref<!tpu.dma_semaphore, #tpu.memory_space<semaphore_mem>>, %arg26: memref<!tpu.dma_semaphore, #tpu.memory_space<semaphore_mem>>, %arg27: memref<!tpu.dma_semaphore, #tpu.memory_space<semaphore_mem>>) attributes {dimension_semantics = [#tpu.dimension_semantics<core_parallel>, #tpu.dimension_semantics<subcore_parallel>], iteration_bounds = array<i64: 2, 16>, scalar_prefetch = 0 : i64, scratch_operands = 16 : i64, tpu.core_type = #tpu.core_type<sc_vector_subcore>, window_params = [{transform_indices = #map}, {transform_indices = #map}, {transform_indices = #map}, {transform_indices = #map1}, {transform_indices = #map1}, {transform_indices = #map}, {transform_indices = #map}, {transform_indices = #map}, {transform_indices = #map1}, {transform_indices = #map}]} {
    %mul3A = arith.constant 2 : i32
    %mul3A_0 = arith.muli %arg1, %mul3A : i32
    %add3A = arith.addi %mul3A_0, %arg0 : i32
    %mul3A_1 = arith.constant 512 : i32
    %mul3A_2 = arith.muli %add3A, %mul3A_1 : i32
    %dma_start3A = tpu.memref_slice %arg2[%mul3A_2] : memref<16384xi32, #tpu.memory_space<hbm>> -> memref<512xi32, #tpu.memory_space<hbm>>
    %dma_start3A_3 = tpu.memref_slice %arg2[%mul3A_2] : memref<16384xi32, #tpu.memory_space<hbm>> -> memref<512xi32, #tpu.memory_space<hbm>>
    tpu.enqueue_dma source(%dma_start3A_3 : memref<512xi32, #tpu.memory_space<hbm>>) target(%arg12 : memref<512xi32, #tpu.memory_space<vmem>>) target_semaphore(%arg24 : memref<!tpu.dma_semaphore, #tpu.memory_space<semaphore_mem>>)
    %dma_start3A_4 = tpu.memref_slice %arg3[%mul3A_2] : memref<16384xi32, #tpu.memory_space<hbm>> -> memref<512xi32, #tpu.memory_space<hbm>>
    %dma_start3A_5 = tpu.memref_slice %arg3[%mul3A_2] : memref<16384xi32, #tpu.memory_space<hbm>> -> memref<512xi32, #tpu.memory_space<hbm>>
    tpu.enqueue_dma source(%dma_start3A_5 : memref<512xi32, #tpu.memory_space<hbm>>) target(%arg13 : memref<512xi32, #tpu.memory_space<vmem>>) target_semaphore(%arg25 : memref<!tpu.dma_semaphore, #tpu.memory_space<semaphore_mem>>)
    %dma_start3A_6 = tpu.memref_slice %arg4[%mul3A_2] : memref<16384xi32, #tpu.memory_space<hbm>> -> memref<512xi32, #tpu.memory_space<hbm>>
    %dma_start3A_7 = tpu.memref_slice %arg4[%mul3A_2] : memref<16384xi32, #tpu.memory_space<hbm>> -> memref<512xi32, #tpu.memory_space<hbm>>
    tpu.enqueue_dma source(%dma_start3A_7 : memref<512xi32, #tpu.memory_space<hbm>>) target(%arg14 : memref<512xi32, #tpu.memory_space<vmem>>) target_semaphore(%arg27 : memref<!tpu.dma_semaphore, #tpu.memory_space<semaphore_mem>>)
    %dma_wait3A = tpu.memref_slice %arg2[%mul3A_2] : memref<16384xi32, #tpu.memory_space<hbm>> -> memref<512xi32, #tpu.memory_space<hbm>>
    %dma_wait3A_8 = tpu.memref_slice %arg2[%mul3A_2] : memref<16384xi32, #tpu.memory_space<hbm>> -> memref<512xi32, #tpu.memory_space<hbm>>
    tpu.wait_dma2 semaphore(%arg24 : memref<!tpu.dma_semaphore, #tpu.memory_space<semaphore_mem>>) src(%dma_wait3A_8 : memref<512xi32, #tpu.memory_space<hbm>>) dst(%arg12 : memref<512xi32, #tpu.memory_space<vmem>>)
    %dma_wait3A_9 = tpu.memref_slice %arg3[%mul3A_2] : memref<16384xi32, #tpu.memory_space<hbm>> -> memref<512xi32, #tpu.memory_space<hbm>>
    %dma_wait3A_10 = tpu.memref_slice %arg3[%mul3A_2] : memref<16384xi32, #tpu.memory_space<hbm>> -> memref<512xi32, #tpu.memory_space<hbm>>
    tpu.wait_dma2 semaphore(%arg25 : memref<!tpu.dma_semaphore, #tpu.memory_space<semaphore_mem>>) src(%dma_wait3A_10 : memref<512xi32, #tpu.memory_space<hbm>>) dst(%arg13 : memref<512xi32, #tpu.memory_space<vmem>>)
    %dma_start3A_11 = arith.constant 0 : i32
    %dma_start3A_12 = arith.constant 0 : i32
    %dma_start3A_13 = arith.constant 0 : i32
    %dma_start3A_14 = tpu.memref_slice %arg19[%dma_start3A_11, %dma_start3A_12, %dma_start3A_13] : memref<3x128x128xf32, #tpu.memory_space<vmem>> -> memref<1x128x128xf32, #tpu.memory_space<vmem>>
    %dma_start3A_15 = tpu.memref_squeeze %dma_start3A_14 : memref<1x128x128xf32, #tpu.memory_space<vmem>> -> memref<128x128xf32, #tpu.memory_space<vmem>>
    %dma_start3A_16 = arith.constant 0 : i32
    %dma_start3A_17 = tpu.memref_slice %arg12[%dma_start3A_16] : memref<512xi32, #tpu.memory_space<vmem>> -> memref<128xi32, #tpu.memory_space<vmem>>
    %dma_start3A_18 = arith.constant 0 : i32
    %dma_start3A_19 = arith.constant 0 : i32
    %dma_start3A_20 = tpu.memref_slice %arg5[%dma_start3A_18, %dma_start3A_19] : memref<100000x128xf32, #tpu.memory_space<hbm>> -> memref<100000x128xf32, #tpu.memory_space<hbm>>
    tpu.enqueue_indirect_dma source(%dma_start3A_20 : memref<100000x128xf32, #tpu.memory_space<hbm>>) target(%dma_start3A_15 : memref<128x128xf32, #tpu.memory_space<vmem>>) offsets(%dma_start3A_17 : memref<128xi32, #tpu.memory_space<vmem>>) semaphore(%arg21 : memref<!tpu.dma_semaphore, #tpu.memory_space<semaphore_mem>>)
    %dma_start3A_21 = arith.constant 0 : i32
    %dma_start3A_22 = arith.constant 0 : i32
    %dma_start3A_23 = arith.constant 0 : i32
    %dma_start3A_24 = tpu.memref_slice %arg20[%dma_start3A_21, %dma_start3A_22, %dma_start3A_23] : memref<3x128x128xf32, #tpu.memory_space<vmem>> -> memref<1x128x128xf32, #tpu.memory_space<vmem>>
    %dma_start3A_25 = tpu.memref_squeeze %dma_start3A_24 : memref<1x128x128xf32, #tpu.memory_space<vmem>> -> memref<128x128xf32, #tpu.memory_space<vmem>>
    %dma_start3A_26 = arith.constant 0 : i32
    %dma_start3A_27 = tpu.memref_slice %arg13[%dma_start3A_26] : memref<512xi32, #tpu.memory_space<vmem>> -> memref<128xi32, #tpu.memory_space<vmem>>
    %dma_start3A_28 = arith.constant 0 : i32
    %dma_start3A_29 = arith.constant 0 : i32
    %dma_start3A_30 = tpu.memref_slice %arg6[%dma_start3A_28, %dma_start3A_29] : memref<1000000x128xf32, #tpu.memory_space<hbm>> -> memref<1000000x128xf32, #tpu.memory_space<hbm>>
    tpu.enqueue_indirect_dma source(%dma_start3A_30 : memref<1000000x128xf32, #tpu.memory_space<hbm>>) target(%dma_start3A_25 : memref<128x128xf32, #tpu.memory_space<vmem>>) offsets(%dma_start3A_27 : memref<128xi32, #tpu.memory_space<vmem>>) semaphore(%arg22 : memref<!tpu.dma_semaphore, #tpu.memory_space<semaphore_mem>>)
    %dma_start3A_31 = arith.constant 0 : i32
    %dma_start3A_32 = tpu.memref_slice %arg15[%dma_start3A_31] : memref<512xf32, #tpu.memory_space<vmem>> -> memref<128xf32, #tpu.memory_space<vmem>>
    %dma_start3A_33 = arith.constant 0 : i32
    %dma_start3A_34 = tpu.memref_slice %arg12[%dma_start3A_33] : memref<512xi32, #tpu.memory_space<vmem>> -> memref<128xi32, #tpu.memory_space<vmem>>
    %dma_start3A_35 = arith.constant 0 : i32
    %dma_start3A_36 = tpu.memref_slice %arg7[%dma_start3A_35] : memref<100000xf32, #tpu.memory_space<hbm>> -> memref<100000xf32, #tpu.memory_space<hbm>>
    tpu.enqueue_indirect_dma source(%dma_start3A_36 : memref<100000xf32, #tpu.memory_space<hbm>>) target(%dma_start3A_32 : memref<128xf32, #tpu.memory_space<vmem>>) offsets(%dma_start3A_34 : memref<128xi32, #tpu.memory_space<vmem>>) semaphore(%arg23 : memref<!tpu.dma_semaphore, #tpu.memory_space<semaphore_mem>>)
    %dma_start3A_37 = arith.constant 0 : i32
    %dma_start3A_38 = tpu.memref_slice %arg16[%dma_start3A_37] : memref<512xf32, #tpu.memory_space<vmem>> -> memref<128xf32, #tpu.memory_space<vmem>>
    %dma_start3A_39 = arith.constant 0 : i32
    %dma_start3A_40 = tpu.memref_slice %arg12[%dma_start3A_39] : memref<512xi32, #tpu.memory_space<vmem>> -> memref<128xi32, #tpu.memory_space<vmem>>
    %dma_start3A_41 = arith.constant 0 : i32
    %dma_start3A_42 = tpu.memref_slice %arg8[%dma_start3A_41] : memref<100000xf32, #tpu.memory_space<hbm>> -> memref<100000xf32, #tpu.memory_space<hbm>>
    tpu.enqueue_indirect_dma source(%dma_start3A_42 : memref<100000xf32, #tpu.memory_space<hbm>>) target(%dma_start3A_38 : memref<128xf32, #tpu.memory_space<vmem>>) offsets(%dma_start3A_40 : memref<128xi32, #tpu.memory_space<vmem>>) semaphore(%arg23 : memref<!tpu.dma_semaphore, #tpu.memory_space<semaphore_mem>>)
    %dma_start3A_43 = arith.constant 0 : i32
    %dma_start3A_44 = tpu.memref_slice %arg17[%dma_start3A_43] : memref<512xf32, #tpu.memory_space<vmem>> -> memref<128xf32, #tpu.memory_space<vmem>>
    %dma_start3A_45 = arith.constant 0 : i32
    %dma_start3A_46 = tpu.memref_slice %arg12[%dma_start3A_45] : memref<512xi32, #tpu.memory_space<vmem>> -> memref<128xi32, #tpu.memory_space<vmem>>
    %dma_start3A_47 = arith.constant 0 : i32
    %dma_start3A_48 = tpu.memref_slice %arg9[%dma_start3A_47] : memref<100000xf32, #tpu.memory_space<hbm>> -> memref<100000xf32, #tpu.memory_space<hbm>>
    tpu.enqueue_indirect_dma source(%dma_start3A_48 : memref<100000xf32, #tpu.memory_space<hbm>>) target(%dma_start3A_44 : memref<128xf32, #tpu.memory_space<vmem>>) offsets(%dma_start3A_46 : memref<128xi32, #tpu.memory_space<vmem>>) semaphore(%arg23 : memref<!tpu.dma_semaphore, #tpu.memory_space<semaphore_mem>>)
    %dma_start3A_49 = arith.constant 128 : i32
    %dma_start3A_50 = tpu.memref_slice %arg15[%dma_start3A_49] : memref<512xf32, #tpu.memory_space<vmem>> -> memref<128xf32, #tpu.memory_space<vmem>>
    %dma_start3A_51 = arith.constant 128 : i32
    %dma_start3A_52 = tpu.memref_slice %arg12[%dma_start3A_51] : memref<512xi32, #tpu.memory_space<vmem>> -> memref<128xi32, #tpu.memory_space<vmem>>
    %dma_start3A_53 = arith.constant 0 : i32
    %dma_start3A_54 = tpu.memref_slice %arg7[%dma_start3A_53] : memref<100000xf32, #tpu.memory_space<hbm>> -> memref<100000xf32, #tpu.memory_space<hbm>>
    tpu.enqueue_indirect_dma source(%dma_start3A_54 : memref<100000xf32, #tpu.memory_space<hbm>>) target(%dma_start3A_50 : memref<128xf32, #tpu.memory_space<vmem>>) offsets(%dma_start3A_52 : memref<128xi32, #tpu.memory_space<vmem>>) semaphore(%arg23 : memref<!tpu.dma_semaphore, #tpu.memory_space<semaphore_mem>>)
    %dma_start3A_55 = arith.constant 128 : i32
    %dma_start3A_56 = tpu.memref_slice %arg16[%dma_start3A_55] : memref<512xf32, #tpu.memory_space<vmem>> -> memref<128xf32, #tpu.memory_space<vmem>>
    %dma_start3A_57 = arith.constant 128 : i32
    %dma_start3A_58 = tpu.memref_slice %arg12[%dma_start3A_57] : memref<512xi32, #tpu.memory_space<vmem>> -> memref<128xi32, #tpu.memory_space<vmem>>
    %dma_start3A_59 = arith.constant 0 : i32
    %dma_start3A_60 = tpu.memref_slice %arg8[%dma_start3A_59] : memref<100000xf32, #tpu.memory_space<hbm>> -> memref<100000xf32, #tpu.memory_space<hbm>>
    tpu.enqueue_indirect_dma source(%dma_start3A_60 : memref<100000xf32, #tpu.memory_space<hbm>>) target(%dma_start3A_56 : memref<128xf32, #tpu.memory_space<vmem>>) offsets(%dma_start3A_58 : memref<128xi32, #tpu.memory_space<vmem>>) semaphore(%arg23 : memref<!tpu.dma_semaphore, #tpu.memory_space<semaphore_mem>>)
    %dma_start3A_61 = arith.constant 128 : i32
    %dma_start3A_62 = tpu.memref_slice %arg17[%dma_start3A_61] : memref<512xf32, #tpu.memory_space<vmem>> -> memref<128xf32, #tpu.memory_space<vmem>>
    %dma_start3A_63 = arith.constant 128 : i32
    %dma_start3A_64 = tpu.memref_slice %arg12[%dma_start3A_63] : memref<512xi32, #tpu.memory_space<vmem>> -> memref<128xi32, #tpu.memory_space<vmem>>
    %dma_start3A_65 = arith.constant 0 : i32
    %dma_start3A_66 = tpu.memref_slice %arg9[%dma_start3A_65] : memref<100000xf32, #tpu.memory_space<hbm>> -> memref<100000xf32, #tpu.memory_space<hbm>>
    tpu.enqueue_indirect_dma source(%dma_start3A_66 : memref<100000xf32, #tpu.memory_space<hbm>>) target(%dma_start3A_62 : memref<128xf32, #tpu.memory_space<vmem>>) offsets(%dma_start3A_64 : memref<128xi32, #tpu.memory_space<vmem>>) semaphore(%arg23 : memref<!tpu.dma_semaphore, #tpu.memory_space<semaphore_mem>>)
    %dma_start3A_67 = arith.constant 256 : i32
    %dma_start3A_68 = tpu.memref_slice %arg15[%dma_start3A_67] : memref<512xf32, #tpu.memory_space<vmem>> -> memref<128xf32, #tpu.memory_space<vmem>>
    %dma_start3A_69 = arith.constant 256 : i32
    %dma_start3A_70 = tpu.memref_slice %arg12[%dma_start3A_69] : memref<512xi32, #tpu.memory_space<vmem>> -> memref<128xi32, #tpu.memory_space<vmem>>
    %dma_start3A_71 = arith.constant 0 : i32
    %dma_start3A_72 = tpu.memref_slice %arg7[%dma_start3A_71] : memref<100000xf32, #tpu.memory_space<hbm>> -> memref<100000xf32, #tpu.memory_space<hbm>>
    tpu.enqueue_indirect_dma source(%dma_start3A_72 : memref<100000xf32, #tpu.memory_space<hbm>>) target(%dma_start3A_68 : memref<128xf32, #tpu.memory_space<vmem>>) offsets(%dma_start3A_70 : memref<128xi32, #tpu.memory_space<vmem>>) semaphore(%arg23 : memref<!tpu.dma_semaphore, #tpu.memory_space<semaphore_mem>>)
    %dma_start3A_73 = arith.constant 256 : i32
    %dma_start3A_74 = tpu.memref_slice %arg16[%dma_start3A_73] : memref<512xf32, #tpu.memory_space<vmem>> -> memref<128xf32, #tpu.memory_space<vmem>>
    %dma_start3A_75 = arith.constant 256 : i32
    %dma_start3A_76 = tpu.memref_slice %arg12[%dma_start3A_75] : memref<512xi32, #tpu.memory_space<vmem>> -> memref<128xi32, #tpu.memory_space<vmem>>
    %dma_start3A_77 = arith.constant 0 : i32
    %dma_start3A_78 = tpu.memref_slice %arg8[%dma_start3A_77] : memref<100000xf32, #tpu.memory_space<hbm>> -> memref<100000xf32, #tpu.memory_space<hbm>>
    tpu.enqueue_indirect_dma source(%dma_start3A_78 : memref<100000xf32, #tpu.memory_space<hbm>>) target(%dma_start3A_74 : memref<128xf32, #tpu.memory_space<vmem>>) offsets(%dma_start3A_76 : memref<128xi32, #tpu.memory_space<vmem>>) semaphore(%arg23 : memref<!tpu.dma_semaphore, #tpu.memory_space<semaphore_mem>>)
    %dma_start3A_79 = arith.constant 256 : i32
    %dma_start3A_80 = tpu.memref_slice %arg17[%dma_start3A_79] : memref<512xf32, #tpu.memory_space<vmem>> -> memref<128xf32, #tpu.memory_space<vmem>>
    %dma_start3A_81 = arith.constant 256 : i32
    %dma_start3A_82 = tpu.memref_slice %arg12[%dma_start3A_81] : memref<512xi32, #tpu.memory_space<vmem>> -> memref<128xi32, #tpu.memory_space<vmem>>
    %dma_start3A_83 = arith.constant 0 : i32
    %dma_start3A_84 = tpu.memref_slice %arg9[%dma_start3A_83] : memref<100000xf32, #tpu.memory_space<hbm>> -> memref<100000xf32, #tpu.memory_space<hbm>>
    tpu.enqueue_indirect_dma source(%dma_start3A_84 : memref<100000xf32, #tpu.memory_space<hbm>>) target(%dma_start3A_80 : memref<128xf32, #tpu.memory_space<vmem>>) offsets(%dma_start3A_82 : memref<128xi32, #tpu.memory_space<vmem>>) semaphore(%arg23 : memref<!tpu.dma_semaphore, #tpu.memory_space<semaphore_mem>>)
    %dma_start3A_85 = arith.constant 384 : i32
    %dma_start3A_86 = tpu.memref_slice %arg15[%dma_start3A_85] : memref<512xf32, #tpu.memory_space<vmem>> -> memref<128xf32, #tpu.memory_space<vmem>>
    %dma_start3A_87 = arith.constant 384 : i32
    %dma_start3A_88 = tpu.memref_slice %arg12[%dma_start3A_87] : memref<512xi32, #tpu.memory_space<vmem>> -> memref<128xi32, #tpu.memory_space<vmem>>
    %dma_start3A_89 = arith.constant 0 : i32
    %dma_start3A_90 = tpu.memref_slice %arg7[%dma_start3A_89] : memref<100000xf32, #tpu.memory_space<hbm>> -> memref<100000xf32, #tpu.memory_space<hbm>>
    tpu.enqueue_indirect_dma source(%dma_start3A_90 : memref<100000xf32, #tpu.memory_space<hbm>>) target(%dma_start3A_86 : memref<128xf32, #tpu.memory_space<vmem>>) offsets(%dma_start3A_88 : memref<128xi32, #tpu.memory_space<vmem>>) semaphore(%arg23 : memref<!tpu.dma_semaphore, #tpu.memory_space<semaphore_mem>>)
    %dma_start3A_91 = arith.constant 384 : i32
    %dma_start3A_92 = tpu.memref_slice %arg16[%dma_start3A_91] : memref<512xf32, #tpu.memory_space<vmem>> -> memref<128xf32, #tpu.memory_space<vmem>>
    %dma_start3A_93 = arith.constant 384 : i32
    %dma_start3A_94 = tpu.memref_slice %arg12[%dma_start3A_93] : memref<512xi32, #tpu.memory_space<vmem>> -> memref<128xi32, #tpu.memory_space<vmem>>
    %dma_start3A_95 = arith.constant 0 : i32
    %dma_start3A_96 = tpu.memref_slice %arg8[%dma_start3A_95] : memref<100000xf32, #tpu.memory_space<hbm>> -> memref<100000xf32, #tpu.memory_space<hbm>>
    tpu.enqueue_indirect_dma source(%dma_start3A_96 : memref<100000xf32, #tpu.memory_space<hbm>>) target(%dma_start3A_92 : memref<128xf32, #tpu.memory_space<vmem>>) offsets(%dma_start3A_94 : memref<128xi32, #tpu.memory_space<vmem>>) semaphore(%arg23 : memref<!tpu.dma_semaphore, #tpu.memory_space<semaphore_mem>>)
    %dma_start3A_97 = arith.constant 384 : i32
    %dma_start3A_98 = tpu.memref_slice %arg17[%dma_start3A_97] : memref<512xf32, #tpu.memory_space<vmem>> -> memref<128xf32, #tpu.memory_space<vmem>>
    %dma_start3A_99 = arith.constant 384 : i32
    %dma_start3A_100 = tpu.memref_slice %arg12[%dma_start3A_99] : memref<512xi32, #tpu.memory_space<vmem>> -> memref<128xi32, #tpu.memory_space<vmem>>
    %dma_start3A_101 = arith.constant 0 : i32
    %dma_start3A_102 = tpu.memref_slice %arg9[%dma_start3A_101] : memref<100000xf32, #tpu.memory_space<hbm>> -> memref<100000xf32, #tpu.memory_space<hbm>>
    tpu.enqueue_indirect_dma source(%dma_start3A_102 : memref<100000xf32, #tpu.memory_space<hbm>>) target(%dma_start3A_98 : memref<128xf32, #tpu.memory_space<vmem>>) offsets(%dma_start3A_100 : memref<128xi32, #tpu.memory_space<vmem>>) semaphore(%arg23 : memref<!tpu.dma_semaphore, #tpu.memory_space<semaphore_mem>>)
    %dma_wait3A_103 = tpu.memref_slice %arg4[%mul3A_2] : memref<16384xi32, #tpu.memory_space<hbm>> -> memref<512xi32, #tpu.memory_space<hbm>>
    %dma_wait3A_104 = tpu.memref_slice %arg4[%mul3A_2] : memref<16384xi32, #tpu.memory_space<hbm>> -> memref<512xi32, #tpu.memory_space<hbm>>
    tpu.wait_dma2 semaphore(%arg27 : memref<!tpu.dma_semaphore, #tpu.memory_space<semaphore_mem>>) src(%dma_wait3A_104 : memref<512xi32, #tpu.memory_space<hbm>>) dst(%arg14 : memref<512xi32, #tpu.memory_space<vmem>>)
    %dma_start3A_105 = arith.constant 1 : i32
    %dma_start3A_106 = arith.constant 0 : i32
    %dma_start3A_107 = arith.constant 0 : i32
    %dma_start3A_108 = tpu.memref_slice %arg19[%dma_start3A_105, %dma_start3A_106, %dma_start3A_107] : memref<3x128x128xf32, #tpu.memory_space<vmem>> -> memref<1x128x128xf32, #tpu.memory_space<vmem>>
    %dma_start3A_109 = tpu.memref_squeeze %dma_start3A_108 : memref<1x128x128xf32, #tpu.memory_space<vmem>> -> memref<128x128xf32, #tpu.memory_space<vmem>>
    %dma_start3A_110 = arith.constant 128 : i32
    %dma_start3A_111 = tpu.memref_slice %arg12[%dma_start3A_110] : memref<512xi32, #tpu.memory_space<vmem>> -> memref<128xi32, #tpu.memory_space<vmem>>
    %dma_start3A_112 = arith.constant 0 : i32
    %dma_start3A_113 = arith.constant 0 : i32
    %dma_start3A_114 = tpu.memref_slice %arg5[%dma_start3A_112, %dma_start3A_113] : memref<100000x128xf32, #tpu.memory_space<hbm>> -> memref<100000x128xf32, #tpu.memory_space<hbm>>
    tpu.enqueue_indirect_dma source(%dma_start3A_114 : memref<100000x128xf32, #tpu.memory_space<hbm>>) target(%dma_start3A_109 : memref<128x128xf32, #tpu.memory_space<vmem>>) offsets(%dma_start3A_111 : memref<128xi32, #tpu.memory_space<vmem>>) semaphore(%arg21 : memref<!tpu.dma_semaphore, #tpu.memory_space<semaphore_mem>>)
    %dma_start3A_115 = arith.constant 1 : i32
    %dma_start3A_116 = arith.constant 0 : i32
    %dma_start3A_117 = arith.constant 0 : i32
    %dma_start3A_118 = tpu.memref_slice %arg20[%dma_start3A_115, %dma_start3A_116, %dma_start3A_117] : memref<3x128x128xf32, #tpu.memory_space<vmem>> -> memref<1x128x128xf32, #tpu.memory_space<vmem>>
    %dma_start3A_119 = tpu.memref_squeeze %dma_start3A_118 : memref<1x128x128xf32, #tpu.memory_space<vmem>> -> memref<128x128xf32, #tpu.memory_space<vmem>>
    %dma_start3A_120 = arith.constant 128 : i32
    %dma_start3A_121 = tpu.memref_slice %arg13[%dma_start3A_120] : memref<512xi32, #tpu.memory_space<vmem>> -> memref<128xi32, #tpu.memory_space<vmem>>
    %dma_start3A_122 = arith.constant 0 : i32
    %dma_start3A_123 = arith.constant 0 : i32
    %dma_start3A_124 = tpu.memref_slice %arg6[%dma_start3A_122, %dma_start3A_123] : memref<1000000x128xf32, #tpu.memory_space<hbm>> -> memref<1000000x128xf32, #tpu.memory_space<hbm>>
    tpu.enqueue_indirect_dma source(%dma_start3A_124 : memref<1000000x128xf32, #tpu.memory_space<hbm>>) target(%dma_start3A_119 : memref<128x128xf32, #tpu.memory_space<vmem>>) offsets(%dma_start3A_121 : memref<128xi32, #tpu.memory_space<vmem>>) semaphore(%arg22 : memref<!tpu.dma_semaphore, #tpu.memory_space<semaphore_mem>>)
    %dma_wait3A_125 = arith.constant 0 : i32
    %dma_wait3A_126 = arith.constant 0 : i32
    %dma_wait3A_127 = arith.constant 0 : i32
    %dma_wait3A_128 = tpu.memref_slice %arg19[%dma_wait3A_125, %dma_wait3A_126, %dma_wait3A_127] : memref<3x128x128xf32, #tpu.memory_space<vmem>> -> memref<1x128x128xf32, #tpu.memory_space<vmem>>
    %dma_wait3A_129 = tpu.memref_squeeze %dma_wait3A_128 : memref<1x128x128xf32, #tpu.memory_space<vmem>> -> memref<128x128xf32, #tpu.memory_space<vmem>>
    %dma_wait3A_130 = arith.constant 0 : i32
    %dma_wait3A_131 = tpu.memref_slice %arg12[%dma_wait3A_130] : memref<512xi32, #tpu.memory_space<vmem>> -> memref<128xi32, #tpu.memory_space<vmem>>
    %dma_wait3A_132 = arith.constant 0 : i32
    %dma_wait3A_133 = arith.constant 0 : i32
    %dma_wait3A_134 = tpu.memref_slice %arg5[%dma_wait3A_132, %dma_wait3A_133] : memref<100000x128xf32, #tpu.memory_space<hbm>> -> memref<100000x128xf32, #tpu.memory_space<hbm>>
    tpu.wait_indirect_dma semaphore(%arg21 : memref<!tpu.dma_semaphore, #tpu.memory_space<semaphore_mem>>) src(%dma_wait3A_134 : memref<100000x128xf32, #tpu.memory_space<hbm>>) dst(%dma_wait3A_129 : memref<128x128xf32, #tpu.memory_space<vmem>>)
    %dma_wait3A_135 = arith.constant 0 : i32
    %dma_wait3A_136 = arith.constant 0 : i32
    %dma_wait3A_137 = arith.constant 0 : i32
    %dma_wait3A_138 = tpu.memref_slice %arg20[%dma_wait3A_135, %dma_wait3A_136, %dma_wait3A_137] : memref<3x128x128xf32, #tpu.memory_space<vmem>> -> memref<1x128x128xf32, #tpu.memory_space<vmem>>
    %dma_wait3A_139 = tpu.memref_squeeze %dma_wait3A_138 : memref<1x128x128xf32, #tpu.memory_space<vmem>> -> memref<128x128xf32, #tpu.memory_space<vmem>>
    %dma_wait3A_140 = arith.constant 0 : i32
    %dma_wait3A_141 = tpu.memref_slice %arg13[%dma_wait3A_140] : memref<512xi32, #tpu.memory_space<vmem>> -> memref<128xi32, #tpu.memory_space<vmem>>
    %dma_wait3A_142 = arith.constant 0 : i32
    %dma_wait3A_143 = arith.constant 0 : i32
    %dma_wait3A_144 = tpu.memref_slice %arg6[%dma_wait3A_142, %dma_wait3A_143] : memref<1000000x128xf32, #tpu.memory_space<hbm>> -> memref<1000000x128xf32, #tpu.memory_space<hbm>>
    tpu.wait_indirect_dma semaphore(%arg22 : memref<!tpu.dma_semaphore, #tpu.memory_space<semaphore_mem>>) src(%dma_wait3A_144 : memref<1000000x128xf32, #tpu.memory_space<hbm>>) dst(%dma_wait3A_139 : memref<128x128xf32, #tpu.memory_space<vmem>>)
    %dma_start3A_145 = arith.constant 2 : i32
    %dma_start3A_146 = arith.constant 0 : i32
    %dma_start3A_147 = arith.constant 0 : i32
    %dma_start3A_148 = tpu.memref_slice %arg19[%dma_start3A_145, %dma_start3A_146, %dma_start3A_147] : memref<3x128x128xf32, #tpu.memory_space<vmem>> -> memref<1x128x128xf32, #tpu.memory_space<vmem>>
    %dma_start3A_149 = tpu.memref_squeeze %dma_start3A_148 : memref<1x128x128xf32, #tpu.memory_space<vmem>> -> memref<128x128xf32, #tpu.memory_space<vmem>>
    %dma_start3A_150 = arith.constant 256 : i32
    %dma_start3A_151 = tpu.memref_slice %arg12[%dma_start3A_150] : memref<512xi32, #tpu.memory_space<vmem>> -> memref<128xi32, #tpu.memory_space<vmem>>
    %dma_start3A_152 = arith.constant 0 : i32
    %dma_start3A_153 = arith.constant 0 : i32
    %dma_start3A_154 = tpu.memref_slice %arg5[%dma_start3A_152, %dma_start3A_153] : memref<100000x128xf32, #tpu.memory_space<hbm>> -> memref<100000x128xf32, #tpu.memory_space<hbm>>
    tpu.enqueue_indirect_dma source(%dma_start3A_154 : memref<100000x128xf32, #tpu.memory_space<hbm>>) target(%dma_start3A_149 : memref<128x128xf32, #tpu.memory_space<vmem>>) offsets(%dma_start3A_151 : memref<128xi32, #tpu.memory_space<vmem>>) semaphore(%arg21 : memref<!tpu.dma_semaphore, #tpu.memory_space<semaphore_mem>>)
    %dma_start3A_155 = arith.constant 2 : i32
    %dma_start3A_156 = arith.constant 0 : i32
    %dma_start3A_157 = arith.constant 0 : i32
    %dma_start3A_158 = tpu.memref_slice %arg20[%dma_start3A_155, %dma_start3A_156, %dma_start3A_157] : memref<3x128x128xf32, #tpu.memory_space<vmem>> -> memref<1x128x128xf32, #tpu.memory_space<vmem>>
    %dma_start3A_159 = tpu.memref_squeeze %dma_start3A_158 : memref<1x128x128xf32, #tpu.memory_space<vmem>> -> memref<128x128xf32, #tpu.memory_space<vmem>>
    %dma_start3A_160 = arith.constant 256 : i32
    %dma_start3A_161 = tpu.memref_slice %arg13[%dma_start3A_160] : memref<512xi32, #tpu.memory_space<vmem>> -> memref<128xi32, #tpu.memory_space<vmem>>
    %dma_start3A_162 = arith.constant 0 : i32
    %dma_start3A_163 = arith.constant 0 : i32
    %dma_start3A_164 = tpu.memref_slice %arg6[%dma_start3A_162, %dma_start3A_163] : memref<1000000x128xf32, #tpu.memory_space<hbm>> -> memref<1000000x128xf32, #tpu.memory_space<hbm>>
    tpu.enqueue_indirect_dma source(%dma_start3A_164 : memref<1000000x128xf32, #tpu.memory_space<hbm>>) target(%dma_start3A_159 : memref<128x128xf32, #tpu.memory_space<vmem>>) offsets(%dma_start3A_161 : memref<128xi32, #tpu.memory_space<vmem>>) semaphore(%arg22 : memref<!tpu.dma_semaphore, #tpu.memory_space<semaphore_mem>>)
    %scan3A = arith.constant 0 : i32
    %scan3A_165 = arith.constant 0 : i32
    %scan3A_166 = arith.constant 128 : i32
    %scan3A_167 = arith.addi %scan3A_165, %scan3A_166 : i32
    %scan3A_168 = arith.constant 1 : i32
    scf.for %scan3A_462 = %scan3A_165 to %scan3A_167 step %scan3A_168  : i32 {
      %get3A = arith.constant 0 : i32
      %get3A_463 = arith.index_cast %get3A : i32 to index
      %get3A_464 = arith.index_cast %scan3A_462 : i32 to index
      %get3A_465 = arith.constant 0 : index
      %get3A_466 = tpu.vector_load %arg19[%get3A_463, %get3A_464, %get3A_465] {strides = array<i32>} : memref<3x128x128xf32, #tpu.memory_space<vmem>>, vector<1x1x16xf32>,
      %get3A_467 = vector.shape_cast %get3A_466 : vector<1x1x16xf32> to vector<16xf32>
      %get3A_468 = arith.constant 0 : i32
      %get3A_469 = arith.index_cast %get3A_468 : i32 to index
      %get3A_470 = arith.index_cast %scan3A_462 : i32 to index
      %get3A_471 = arith.constant 0 : index
      %get3A_472 = tpu.vector_load %arg20[%get3A_469, %get3A_470, %get3A_471] {strides = array<i32>} : memref<3x128x128xf32, #tpu.memory_space<vmem>>, vector<1x1x16xf32>,
      %get3A_473 = vector.shape_cast %get3A_472 : vector<1x1x16xf32> to vector<16xf32>
      %mul3A_474 = arith.mulf %get3A_467, %get3A_473 : vector<16xf32>
      %swap3A = arith.constant 0 : i32
      %swap3A_475 = arith.index_cast %swap3A : i32 to index
      %swap3A_476 = arith.index_cast %scan3A_462 : i32 to index
      %swap3A_477 = arith.constant 0 : index
      %swap3A_478 = tpu.vector_load %arg19[%swap3A_475, %swap3A_476, %swap3A_477] {strides = array<i32>} : memref<3x128x128xf32, #tpu.memory_space<vmem>>, vector<1x1x16xf32>,
      %swap3A_479 = vector.shape_cast %swap3A_478 : vector<1x1x16xf32> to vector<16xf32>
      %swap3A_480 = vector.shape_cast %mul3A_474 : vector<16xf32> to vector<1x1x16xf32>
      tpu.vector_store %arg19[%swap3A_475, %swap3A_476, %swap3A_477], %swap3A_480 {strides = array<i32>} : memref<3x128x128xf32, #tpu.memory_space<vmem>>, vector<1x1x16xf32>,
      %get3A_481 = arith.constant 0 : i32
      %get3A_482 = arith.index_cast %get3A_481 : i32 to index
      %get3A_483 = arith.index_cast %scan3A_462 : i32 to index
      %get3A_484 = arith.constant 16 : index
      %get3A_485 = tpu.vector_load %arg19[%get3A_482, %get3A_483, %get3A_484] {strides = array<i32>} : memref<3x128x128xf32, #tpu.memory_space<vmem>>, vector<1x1x16xf32>,
      %get3A_486 = vector.shape_cast %get3A_485 : vector<1x1x16xf32> to vector<16xf32>
      %get3A_487 = arith.constant 0 : i32
      %get3A_488 = arith.index_cast %get3A_487 : i32 to index
      %get3A_489 = arith.index_cast %scan3A_462 : i32 to index
      %get3A_490 = arith.constant 16 : index
      %get3A_491 = tpu.vector_load %arg20[%get3A_488, %get3A_489, %get3A_490] {strides = array<i32>} : memref<3x128x128xf32, #tpu.memory_space<vmem>>, vector<1x1x16xf32>,
      %get3A_492 = vector.shape_cast %get3A_491 : vector<1x1x16xf32> to vector<16xf32>
      %mul3A_493 = arith.mulf %get3A_486, %get3A_492 : vector<16xf32>
      %swap3A_494 = arith.constant 0 : i32
      %swap3A_495 = arith.index_cast %swap3A_494 : i32 to index
      %swap3A_496 = arith.index_cast %scan3A_462 : i32 to index
      %swap3A_497 = arith.constant 16 : index
      %swap3A_498 = tpu.vector_load %arg19[%swap3A_495, %swap3A_496, %swap3A_497] {strides = array<i32>} : memref<3x128x128xf32, #tpu.memory_space<vmem>>, vector<1x1x16xf32>,
      %swap3A_499 = vector.shape_cast %swap3A_498 : vector<1x1x16xf32> to vector<16xf32>
      %swap3A_500 = vector.shape_cast %mul3A_493 : vector<16xf32> to vector<1x1x16xf32>
      tpu.vector_store %arg19[%swap3A_495, %swap3A_496, %swap3A_497], %swap3A_500 {strides = array<i32>} : memref<3x128x128xf32, #tpu.memory_space<vmem>>, vector<1x1x16xf32>,
      %get3A_501 = arith.constant 0 : i32
      %get3A_502 = arith.index_cast %get3A_501 : i32 to index
      %get3A_503 = arith.index_cast %scan3A_462 : i32 to index
      %get3A_504 = arith.constant 32 : index
      %get3A_505 = tpu.vector_load %arg19[%get3A_502, %get3A_503, %get3A_504] {strides = array<i32>} : memref<3x128x128xf32, #tpu.memory_space<vmem>>, vector<1x1x16xf32>,
      %get3A_506 = vector.shape_cast %get3A_505 : vector<1x1x16xf32> to vector<16xf32>
      %get3A_507 = arith.constant 0 : i32
      %get3A_508 = arith.index_cast %get3A_507 : i32 to index
      %get3A_509 = arith.index_cast %scan3A_462 : i32 to index
      %get3A_510 = arith.constant 32 : index
      %get3A_511 = tpu.vector_load %arg20[%get3A_508, %get3A_509, %get3A_510] {strides = array<i32>} : memref<3x128x128xf32, #tpu.memory_space<vmem>>, vector<1x1x16xf32>,
      %get3A_512 = vector.shape_cast %get3A_511 : vector<1x1x16xf32> to vector<16xf32>
      %mul3A_513 = arith.mulf %get3A_506, %get3A_512 : vector<16xf32>
      %swap3A_514 = arith.constant 0 : i32
      %swap3A_515 = arith.index_cast %swap3A_514 : i32 to index
      %swap3A_516 = arith.index_cast %scan3A_462 : i32 to index
      %swap3A_517 = arith.constant 32 : index
      %swap3A_518 = tpu.vector_load %arg19[%swap3A_515, %swap3A_516, %swap3A_517] {strides = array<i32>} : memref<3x128x128xf32, #tpu.memory_space<vmem>>, vector<1x1x16xf32>,
      %swap3A_519 = vector.shape_cast %swap3A_518 : vector<1x1x16xf32> to vector<16xf32>
      %swap3A_520 = vector.shape_cast %mul3A_513 : vector<16xf32> to vector<1x1x16xf32>
      tpu.vector_store %arg19[%swap3A_515, %swap3A_516, %swap3A_517], %swap3A_520 {strides = array<i32>} : memref<3x128x128xf32, #tpu.memory_space<vmem>>, vector<1x1x16xf32>,
      %get3A_521 = arith.constant 0 : i32
      %get3A_522 = arith.index_cast %get3A_521 : i32 to index
      %get3A_523 = arith.index_cast %scan3A_462 : i32 to index
      %get3A_524 = arith.constant 48 : index
      %get3A_525 = tpu.vector_load %arg19[%get3A_522, %get3A_523, %get3A_524] {strides = array<i32>} : memref<3x128x128xf32, #tpu.memory_space<vmem>>, vector<1x1x16xf32>,
      %get3A_526 = vector.shape_cast %get3A_525 : vector<1x1x16xf32> to vector<16xf32>
      %get3A_527 = arith.constant 0 : i32
      %get3A_528 = arith.index_cast %get3A_527 : i32 to index
      %get3A_529 = arith.index_cast %scan3A_462 : i32 to index
      %get3A_530 = arith.constant 48 : index
      %get3A_531 = tpu.vector_load %arg20[%get3A_528, %get3A_529, %get3A_530] {strides = array<i32>} : memref<3x128x128xf32, #tpu.memory_space<vmem>>, vector<1x1x16xf32>,
      %get3A_532 = vector.shape_cast %get3A_531 : vector<1x1x16xf32> to vector<16xf32>
      %mul3A_533 = arith.mulf %get3A_526, %get3A_532 : vector<16xf32>
      %swap3A_534 = arith.constant 0 : i32
      %swap3A_535 = arith.index_cast %swap3A_534 : i32 to index
      %swap3A_536 = arith.index_cast %scan3A_462 : i32 to index
      %swap3A_537 = arith.constant 48 : index
      %swap3A_538 = tpu.vector_load %arg19[%swap3A_535, %swap3A_536, %swap3A_537] {strides = array<i32>} : memref<3x128x128xf32, #tpu.memory_space<vmem>>, vector<1x1x16xf32>,
      %swap3A_539 = vector.shape_cast %swap3A_538 : vector<1x1x16xf32> to vector<16xf32>
      %swap3A_540 = vector.shape_cast %mul3A_533 : vector<16xf32> to vector<1x1x16xf32>
      tpu.vector_store %arg19[%swap3A_535, %swap3A_536, %swap3A_537], %swap3A_540 {strides = array<i32>} : memref<3x128x128xf32, #tpu.memory_space<vmem>>, vector<1x1x16xf32>,
      %get3A_541 = arith.constant 0 : i32
      %get3A_542 = arith.index_cast %get3A_541 : i32 to index
      %get3A_543 = arith.index_cast %scan3A_462 : i32 to index
      %get3A_544 = arith.constant 64 : index
      %get3A_545 = tpu.vector_load %arg19[%get3A_542, %get3A_543, %get3A_544] {strides = array<i32>} : memref<3x128x128xf32, #tpu.memory_space<vmem>>, vector<1x1x16xf32>,
      %get3A_546 = vector.shape_cast %get3A_545 : vector<1x1x16xf32> to vector<16xf32>
      %get3A_547 = arith.constant 0 : i32
      %get3A_548 = arith.index_cast %get3A_547 : i32 to index
      %get3A_549 = arith.index_cast %scan3A_462 : i32 to index
      %get3A_550 = arith.constant 64 : index
      %get3A_551 = tpu.vector_load %arg20[%get3A_548, %get3A_549, %get3A_550] {strides = array<i32>} : memref<3x128x128xf32, #tpu.memory_space<vmem>>, vector<1x1x16xf32>,
      %get3A_552 = vector.shape_cast %get3A_551 : vector<1x1x16xf32> to vector<16xf32>
      %mul3A_553 = arith.mulf %get3A_546, %get3A_552 : vector<16xf32>
      %swap3A_554 = arith.constant 0 : i32
      %swap3A_555 = arith.index_cast %swap3A_554 : i32 to index
      %swap3A_556 = arith.index_cast %scan3A_462 : i32 to index
      %swap3A_557 = arith.constant 64 : index
      %swap3A_558 = tpu.vector_load %arg19[%swap3A_555, %swap3A_556, %swap3A_557] {strides = array<i32>} : memref<3x128x128xf32, #tpu.memory_space<vmem>>, vector<1x1x16xf32>,
      %swap3A_559 = vector.shape_cast %swap3A_558 : vector<1x1x16xf32> to vector<16xf32>
      %swap3A_560 = vector.shape_cast %mul3A_553 : vector<16xf32> to vector<1x1x16xf32>
      tpu.vector_store %arg19[%swap3A_555, %swap3A_556, %swap3A_557], %swap3A_560 {strides = array<i32>} : memref<3x128x128xf32, #tpu.memory_space<vmem>>, vector<1x1x16xf32>,
      %get3A_561 = arith.constant 0 : i32
      %get3A_562 = arith.index_cast %get3A_561 : i32 to index
      %get3A_563 = arith.index_cast %scan3A_462 : i32 to index
      %get3A_564 = arith.constant 80 : index
      %get3A_565 = tpu.vector_load %arg19[%get3A_562, %get3A_563, %get3A_564] {strides = array<i32>} : memref<3x128x128xf32, #tpu.memory_space<vmem>>, vector<1x1x16xf32>,
      %get3A_566 = vector.shape_cast %get3A_565 : vector<1x1x16xf32> to vector<16xf32>
      %get3A_567 = arith.constant 0 : i32
      %get3A_568 = arith.index_cast %get3A_567 : i32 to index
      %get3A_569 = arith.index_cast %scan3A_462 : i32 to index
      %get3A_570 = arith.constant 80 : index
      %get3A_571 = tpu.vector_load %arg20[%get3A_568, %get3A_569, %get3A_570] {strides = array<i32>} : memref<3x128x128xf32, #tpu.memory_space<vmem>>, vector<1x1x16xf32>,
      %get3A_572 = vector.shape_cast %get3A_571 : vector<1x1x16xf32> to vector<16xf32>
      %mul3A_573 = arith.mulf %get3A_566, %get3A_572 : vector<16xf32>
      %swap3A_574 = arith.constant 0 : i32
      %swap3A_575 = arith.index_cast %swap3A_574 : i32 to index
      %swap3A_576 = arith.index_cast %scan3A_462 : i32 to index
      %swap3A_577 = arith.constant 80 : index
      %swap3A_578 = tpu.vector_load %arg19[%swap3A_575, %swap3A_576, %swap3A_577] {strides = array<i32>} : memref<3x128x128xf32, #tpu.memory_space<vmem>>, vector<1x1x16xf32>,
      %swap3A_579 = vector.shape_cast %swap3A_578 : vector<1x1x16xf32> to vector<16xf32>
      %swap3A_580 = vector.shape_cast %mul3A_573 : vector<16xf32> to vector<1x1x16xf32>
      tpu.vector_store %arg19[%swap3A_575, %swap3A_576, %swap3A_577], %swap3A_580 {strides = array<i32>} : memref<3x128x128xf32, #tpu.memory_space<vmem>>, vector<1x1x16xf32>,
      %get3A_581 = arith.constant 0 : i32
      %get3A_582 = arith.index_cast %get3A_581 : i32 to index
      %get3A_583 = arith.index_cast %scan3A_462 : i32 to index
      %get3A_584 = arith.constant 96 : index
      %get3A_585 = tpu.vector_load %arg19[%get3A_582, %get3A_583, %get3A_584] {strides = array<i32>} : memref<3x128x128xf32, #tpu.memory_space<vmem>>, vector<1x1x16xf32>,
      %get3A_586 = vector.shape_cast %get3A_585 : vector<1x1x16xf32> to vector<16xf32>
      %get3A_587 = arith.constant 0 : i32
      %get3A_588 = arith.index_cast %get3A_587 : i32 to index
      %get3A_589 = arith.index_cast %scan3A_462 : i32 to index
      %get3A_590 = arith.constant 96 : index
      %get3A_591 = tpu.vector_load %arg20[%get3A_588, %get3A_589, %get3A_590] {strides = array<i32>} : memref<3x128x128xf32, #tpu.memory_space<vmem>>, vector<1x1x16xf32>,
      %get3A_592 = vector.shape_cast %get3A_591 : vector<1x1x16xf32> to vector<16xf32>
      %mul3A_593 = arith.mulf %get3A_586, %get3A_592 : vector<16xf32>
      %swap3A_594 = arith.constant 0 : i32
      %swap3A_595 = arith.index_cast %swap3A_594 : i32 to index
      %swap3A_596 = arith.index_cast %scan3A_462 : i32 to index
      %swap3A_597 = arith.constant 96 : index
      %swap3A_598 = tpu.vector_load %arg19[%swap3A_595, %swap3A_596, %swap3A_597] {strides = array<i32>} : memref<3x128x128xf32, #tpu.memory_space<vmem>>, vector<1x1x16xf32>,
      %swap3A_599 = vector.shape_cast %swap3A_598 : vector<1x1x16xf32> to vector<16xf32>
      %swap3A_600 = vector.shape_cast %mul3A_593 : vector<16xf32> to vector<1x1x16xf32>
      tpu.vector_store %arg19[%swap3A_595, %swap3A_596, %swap3A_597], %swap3A_600 {strides = array<i32>} : memref<3x128x128xf32, #tpu.memory_space<vmem>>, vector<1x1x16xf32>,
      %get3A_601 = arith.constant 0 : i32
      %get3A_602 = arith.index_cast %get3A_601 : i32 to index
      %get3A_603 = arith.index_cast %scan3A_462 : i32 to index
      %get3A_604 = arith.constant 112 : index
      %get3A_605 = tpu.vector_load %arg19[%get3A_602, %get3A_603, %get3A_604] {strides = array<i32>} : memref<3x128x128xf32, #tpu.memory_space<vmem>>, vector<1x1x16xf32>,
      %get3A_606 = vector.shape_cast %get3A_605 : vector<1x1x16xf32> to vector<16xf32>
      %get3A_607 = arith.constant 0 : i32
      %get3A_608 = arith.index_cast %get3A_607 : i32 to index
      %get3A_609 = arith.index_cast %scan3A_462 : i32 to index
      %get3A_610 = arith.constant 112 : index
      %get3A_611 = tpu.vector_load %arg20[%get3A_608, %get3A_609, %get3A_610] {strides = array<i32>} : memref<3x128x128xf32, #tpu.memory_space<vmem>>, vector<1x1x16xf32>,
      %get3A_612 = vector.shape_cast %get3A_611 : vector<1x1x16xf32> to vector<16xf32>
      %mul3A_613 = arith.mulf %get3A_606, %get3A_612 : vector<16xf32>
      %swap3A_614 = arith.constant 0 : i32
      %swap3A_615 = arith.index_cast %swap3A_614 : i32 to index
      %swap3A_616 = arith.index_cast %scan3A_462 : i32 to index
      %swap3A_617 = arith.constant 112 : index
      %swap3A_618 = tpu.vector_load %arg19[%swap3A_615, %swap3A_616, %swap3A_617] {strides = array<i32>} : memref<3x128x128xf32, #tpu.memory_space<vmem>>, vector<1x1x16xf32>,
      %swap3A_619 = vector.shape_cast %swap3A_618 : vector<1x1x16xf32> to vector<16xf32>
      %swap3A_620 = vector.shape_cast %mul3A_613 : vector<16xf32> to vector<1x1x16xf32>
      tpu.vector_store %arg19[%swap3A_615, %swap3A_616, %swap3A_617], %swap3A_620 {strides = array<i32>} : memref<3x128x128xf32, #tpu.memory_space<vmem>>, vector<1x1x16xf32>,
    }
    %scan3A_169 = arith.constant 128 : i32
    %add3A_170 = arith.constant 0 : i32
    %add3A_171 = arith.addi %mul3A_2, %add3A_170 : i32
    %dma_start3A_172 = arith.constant 0 : i32
    %dma_start3A_173 = arith.constant 0 : i32
    %dma_start3A_174 = arith.constant 0 : i32
    %dma_start3A_175 = tpu.memref_slice %arg19[%dma_start3A_172, %dma_start3A_173, %dma_start3A_174] : memref<3x128x128xf32, #tpu.memory_space<vmem>> -> memref<1x128x128xf32, #tpu.memory_space<vmem>>
    %dma_start3A_176 = tpu.memref_squeeze %dma_start3A_175 : memref<1x128x128xf32, #tpu.memory_space<vmem>> -> memref<128x128xf32, #tpu.memory_space<vmem>>
    %dma_start3A_177 = arith.constant 0 : i32
    %dma_start3A_178 = tpu.memref_slice %arg10[%add3A_171, %dma_start3A_177] : memref<16384x128xf32, #tpu.memory_space<hbm>> -> memref<128x128xf32, #tpu.memory_space<hbm>>
    %dma_start3A_179 = arith.constant 0 : i32
    %dma_start3A_180 = tpu.memref_slice %arg10[%add3A_171, %dma_start3A_179] : memref<16384x128xf32, #tpu.memory_space<hbm>> -> memref<128x128xf32, #tpu.memory_space<hbm>>
    %dma_start3A_181 = arith.constant 0 : i32
    %dma_start3A_182 = arith.constant 0 : i32
    %dma_start3A_183 = tpu.memref_slice %arg19[%dma_start3A_172, %dma_start3A_181, %dma_start3A_182] : memref<3x128x128xf32, #tpu.memory_space<vmem>> -> memref<1x128x128xf32, #tpu.memory_space<vmem>>
    %dma_start3A_184 = tpu.memref_squeeze %dma_start3A_183 : memref<1x128x128xf32, #tpu.memory_space<vmem>> -> memref<128x128xf32, #tpu.memory_space<vmem>>
    tpu.enqueue_dma source(%dma_start3A_184 : memref<128x128xf32, #tpu.memory_space<vmem>>) target(%dma_start3A_180 : memref<128x128xf32, #tpu.memory_space<hbm>>) target_semaphore(%arg24 : memref<!tpu.dma_semaphore, #tpu.memory_space<semaphore_mem>>)
    %dma_wait3A_185 = arith.constant 1 : i32
    %dma_wait3A_186 = arith.constant 0 : i32
    %dma_wait3A_187 = arith.constant 0 : i32
    %dma_wait3A_188 = tpu.memref_slice %arg19[%dma_wait3A_185, %dma_wait3A_186, %dma_wait3A_187] : memref<3x128x128xf32, #tpu.memory_space<vmem>> -> memref<1x128x128xf32, #tpu.memory_space<vmem>>
    %dma_wait3A_189 = tpu.memref_squeeze %dma_wait3A_188 : memref<1x128x128xf32, #tpu.memory_space<vmem>> -> memref<128x128xf32, #tpu.memory_space<vmem>>
    %dma_wait3A_190 = arith.constant 128 : i32
    %dma_wait3A_191 = tpu.memref_slice %arg12[%dma_wait3A_190] : memref<512xi32, #tpu.memory_space<vmem>> -> memref<128xi32, #tpu.memory_space<vmem>>
    %dma_wait3A_192 = arith.constant 0 : i32
    %dma_wait3A_193 = arith.constant 0 : i32
    %dma_wait3A_194 = tpu.memref_slice %arg5[%dma_wait3A_192, %dma_wait3A_193] : memref<100000x128xf32, #tpu.memory_space<hbm>> -> memref<100000x128xf32, #tpu.memory_space<hbm>>
    tpu.wait_indirect_dma semaphore(%arg21 : memref<!tpu.dma_semaphore, #tpu.memory_space<semaphore_mem>>) src(%dma_wait3A_194 : memref<100000x128xf32, #tpu.memory_space<hbm>>) dst(%dma_wait3A_189 : memref<128x128xf32, #tpu.memory_space<vmem>>)
    %dma_wait3A_195 = arith.constant 1 : i32
    %dma_wait3A_196 = arith.constant 0 : i32
    %dma_wait3A_197 = arith.constant 0 : i32
    %dma_wait3A_198 = tpu.memref_slice %arg20[%dma_wait3A_195, %dma_wait3A_196, %dma_wait3A_197] : memref<3x128x128xf32, #tpu.memory_space<vmem>> -> memref<1x128x128xf32, #tpu.memory_space<vmem>>
    %dma_wait3A_199 = tpu.memref_squeeze %dma_wait3A_198 : memref<1x128x128xf32, #tpu.memory_space<vmem>> -> memref<128x128xf32, #tpu.memory_space<vmem>>
    %dma_wait3A_200 = arith.constant 128 : i32
    %dma_wait3A_201 = tpu.memref_slice %arg13[%dma_wait3A_200] : memref<512xi32, #tpu.memory_space<vmem>> -> memref<128xi32, #tpu.memory_space<vmem>>
    %dma_wait3A_202 = arith.constant 0 : i32
    %dma_wait3A_203 = arith.constant 0 : i32
    %dma_wait3A_204 = tpu.memref_slice %arg6[%dma_wait3A_202, %dma_wait3A_203] : memref<1000000x128xf32, #tpu.memory_space<hbm>> -> memref<1000000x128xf32, #tpu.memory_space<hbm>>
    tpu.wait_indirect_dma semaphore(%arg22 : memref<!tpu.dma_semaphore, #tpu.memory_space<semaphore_mem>>) src(%dma_wait3A_204 : memref<1000000x128xf32, #tpu.memory_space<hbm>>) dst(%dma_wait3A_199 : memref<128x128xf32, #tpu.memory_space<vmem>>)
    %dma_wait3A_205 = arith.constant 0 : i32
    %dma_wait3A_206 = arith.constant 0 : i32
    %dma_wait3A_207 = arith.constant 0 : i32
    %dma_wait3A_208 = tpu.memref_slice %arg19[%dma_wait3A_205, %dma_wait3A_206, %dma_wait3A_207] : memref<3x128x128xf32, #tpu.memory_space<vmem>> -> memref<1x128x128xf32, #tpu.memory_space<vmem>>
    %dma_wait3A_209 = tpu.memref_squeeze %dma_wait3A_208 : memref<1x128x128xf32, #tpu.memory_space<vmem>> -> memref<128x128xf32, #tpu.memory_space<vmem>>
    %dma_wait3A_210 = arith.constant 0 : i32
    %dma_wait3A_211 = tpu.memref_slice %arg10[%add3A_171, %dma_wait3A_210] : memref<16384x128xf32, #tpu.memory_space<hbm>> -> memref<128x128xf32, #tpu.memory_space<hbm>>
    %dma_wait3A_212 = arith.constant 0 : i32
    %dma_wait3A_213 = tpu.memref_slice %arg10[%add3A_171, %dma_wait3A_212] : memref<16384x128xf32, #tpu.memory_space<hbm>> -> memref<128x128xf32, #tpu.memory_space<hbm>>
    %dma_wait3A_214 = arith.constant 0 : i32
    %dma_wait3A_215 = arith.constant 0 : i32
    %dma_wait3A_216 = tpu.memref_slice %arg19[%dma_wait3A_205, %dma_wait3A_214, %dma_wait3A_215] : memref<3x128x128xf32, #tpu.memory_space<vmem>> -> memref<1x128x128xf32, #tpu.memory_space<vmem>>
    %dma_wait3A_217 = tpu.memref_squeeze %dma_wait3A_216 : memref<1x128x128xf32, #tpu.memory_space<vmem>> -> memref<128x128xf32, #tpu.memory_space<vmem>>
    tpu.wait_dma2 semaphore(%arg24 : memref<!tpu.dma_semaphore, #tpu.memory_space<semaphore_mem>>) src(%dma_wait3A_217 : memref<128x128xf32, #tpu.memory_space<vmem>>) dst(%dma_wait3A_213 : memref<128x128xf32, #tpu.memory_space<hbm>>)
    %dma_start3A_218 = arith.constant 0 : i32
    %dma_start3A_219 = arith.constant 0 : i32
    %dma_start3A_220 = arith.constant 0 : i32
    %dma_start3A_221 = tpu.memref_slice %arg19[%dma_start3A_218, %dma_start3A_219, %dma_start3A_220] : memref<3x128x128xf32, #tpu.memory_space<vmem>> -> memref<1x128x128xf32, #tpu.memory_space<vmem>>
    %dma_start3A_222 = tpu.memref_squeeze %dma_start3A_221 : memref<1x128x128xf32, #tpu.memory_space<vmem>> -> memref<128x128xf32, #tpu.memory_space<vmem>>
    %dma_start3A_223 = arith.constant 384 : i32
    %dma_start3A_224 = tpu.memref_slice %arg12[%dma_start3A_223] : memref<512xi32, #tpu.memory_space<vmem>> -> memref<128xi32, #tpu.memory_space<vmem>>
    %dma_start3A_225 = arith.constant 0 : i32
    %dma_start3A_226 = arith.constant 0 : i32
    %dma_start3A_227 = tpu.memref_slice %arg5[%dma_start3A_225, %dma_start3A_226] : memref<100000x128xf32, #tpu.memory_space<hbm>> -> memref<100000x128xf32, #tpu.memory_space<hbm>>
    tpu.enqueue_indirect_dma source(%dma_start3A_227 : memref<100000x128xf32, #tpu.memory_space<hbm>>) target(%dma_start3A_222 : memref<128x128xf32, #tpu.memory_space<vmem>>) offsets(%dma_start3A_224 : memref<128xi32, #tpu.memory_space<vmem>>) semaphore(%arg21 : memref<!tpu.dma_semaphore, #tpu.memory_space<semaphore_mem>>)
    %dma_start3A_228 = arith.constant 0 : i32
    %dma_start3A_229 = arith.constant 0 : i32
    %dma_start3A_230 = arith.constant 0 : i32
    %dma_start3A_231 = tpu.memref_slice %arg20[%dma_start3A_228, %dma_start3A_229, %dma_start3A_230] : memref<3x128x128xf32, #tpu.memory_space<vmem>> -> memref<1x128x128xf32, #tpu.memory_space<vmem>>
    %dma_start3A_232 = tpu.memref_squeeze %dma_start3A_231 : memref<1x128x128xf32, #tpu.memory_space<vmem>> -> memref<128x128xf32, #tpu.memory_space<vmem>>
    %dma_start3A_233 = arith.constant 384 : i32
    %dma_start3A_234 = tpu.memref_slice %arg13[%dma_start3A_233] : memref<512xi32, #tpu.memory_space<vmem>> -> memref<128xi32, #tpu.memory_space<vmem>>
    %dma_start3A_235 = arith.constant 0 : i32
    %dma_start3A_236 = arith.constant 0 : i32
    %dma_start3A_237 = tpu.memref_slice %arg6[%dma_start3A_235, %dma_start3A_236] : memref<1000000x128xf32, #tpu.memory_space<hbm>> -> memref<1000000x128xf32, #tpu.memory_space<hbm>>
    tpu.enqueue_indirect_dma source(%dma_start3A_237 : memref<1000000x128xf32, #tpu.memory_space<hbm>>) target(%dma_start3A_232 : memref<128x128xf32, #tpu.memory_space<vmem>>) offsets(%dma_start3A_234 : memref<128xi32, #tpu.memory_space<vmem>>) semaphore(%arg22 : memref<!tpu.dma_semaphore, #tpu.memory_space<semaphore_mem>>)
    %scan3A_238 = arith.constant 0 : i32
    %scan3A_239 = arith.constant 0 : i32
    %scan3A_240 = arith.constant 128 : i32
    %scan3A_241 = arith.addi %scan3A_239, %scan3A_240 : i32
    %scan3A_242 = arith.constant 1 : i32
    scf.for %scan3A_462 = %scan3A_239 to %scan3A_241 step %scan3A_242  : i32 {
      %get3A = arith.constant 1 : i32
      %get3A_463 = arith.index_cast %get3A : i32 to index
      %get3A_464 = arith.index_cast %scan3A_462 : i32 to index
      %get3A_465 = arith.constant 0 : index
      %get3A_466 = tpu.vector_load %arg19[%get3A_463, %get3A_464, %get3A_465] {strides = array<i32>} : memref<3x128x128xf32, #tpu.memory_space<vmem>>, vector<1x1x16xf32>,
      %get3A_467 = vector.shape_cast %get3A_466 : vector<1x1x16xf32> to vector<16xf32>
      %get3A_468 = arith.constant 1 : i32
      %get3A_469 = arith.index_cast %get3A_468 : i32 to index
      %get3A_470 = arith.index_cast %scan3A_462 : i32 to index
      %get3A_471 = arith.constant 0 : index
      %get3A_472 = tpu.vector_load %arg20[%get3A_469, %get3A_470, %get3A_471] {strides = array<i32>} : memref<3x128x128xf32, #tpu.memory_space<vmem>>, vector<1x1x16xf32>,
      %get3A_473 = vector.shape_cast %get3A_472 : vector<1x1x16xf32> to vector<16xf32>
      %mul3A_474 = arith.mulf %get3A_467, %get3A_473 : vector<16xf32>
      %swap3A = arith.constant 1 : i32
      %swap3A_475 = arith.index_cast %swap3A : i32 to index
      %swap3A_476 = arith.index_cast %scan3A_462 : i32 to index
      %swap3A_477 = arith.constant 0 : index
      %swap3A_478 = tpu.vector_load %arg19[%swap3A_475, %swap3A_476, %swap3A_477] {strides = array<i32>} : memref<3x128x128xf32, #tpu.memory_space<vmem>>, vector<1x1x16xf32>,
      %swap3A_479 = vector.shape_cast %swap3A_478 : vector<1x1x16xf32> to vector<16xf32>
      %swap3A_480 = vector.shape_cast %mul3A_474 : vector<16xf32> to vector<1x1x16xf32>
      tpu.vector_store %arg19[%swap3A_475, %swap3A_476, %swap3A_477], %swap3A_480 {strides = array<i32>} : memref<3x128x128xf32, #tpu.memory_space<vmem>>, vector<1x1x16xf32>,
      %get3A_481 = arith.constant 1 : i32
      %get3A_482 = arith.index_cast %get3A_481 : i32 to index
      %get3A_483 = arith.index_cast %scan3A_462 : i32 to index
      %get3A_484 = arith.constant 16 : index
      %get3A_485 = tpu.vector_load %arg19[%get3A_482, %get3A_483, %get3A_484] {strides = array<i32>} : memref<3x128x128xf32, #tpu.memory_space<vmem>>, vector<1x1x16xf32>,
      %get3A_486 = vector.shape_cast %get3A_485 : vector<1x1x16xf32> to vector<16xf32>
      %get3A_487 = arith.constant 1 : i32
      %get3A_488 = arith.index_cast %get3A_487 : i32 to index
      %get3A_489 = arith.index_cast %scan3A_462 : i32 to index
      %get3A_490 = arith.constant 16 : index
      %get3A_491 = tpu.vector_load %arg20[%get3A_488, %get3A_489, %get3A_490] {strides = array<i32>} : memref<3x128x128xf32, #tpu.memory_space<vmem>>, vector<1x1x16xf32>,
      %get3A_492 = vector.shape_cast %get3A_491 : vector<1x1x16xf32> to vector<16xf32>
      %mul3A_493 = arith.mulf %get3A_486, %get3A_492 : vector<16xf32>
      %swap3A_494 = arith.constant 1 : i32
      %swap3A_495 = arith.index_cast %swap3A_494 : i32 to index
      %swap3A_496 = arith.index_cast %scan3A_462 : i32 to index
      %swap3A_497 = arith.constant 16 : index
      %swap3A_498 = tpu.vector_load %arg19[%swap3A_495, %swap3A_496, %swap3A_497] {strides = array<i32>} : memref<3x128x128xf32, #tpu.memory_space<vmem>>, vector<1x1x16xf32>,
      %swap3A_499 = vector.shape_cast %swap3A_498 : vector<1x1x16xf32> to vector<16xf32>
      %swap3A_500 = vector.shape_cast %mul3A_493 : vector<16xf32> to vector<1x1x16xf32>
      tpu.vector_store %arg19[%swap3A_495, %swap3A_496, %swap3A_497], %swap3A_500 {strides = array<i32>} : memref<3x128x128xf32, #tpu.memory_space<vmem>>, vector<1x1x16xf32>,
      %get3A_501 = arith.constant 1 : i32
      %get3A_502 = arith.index_cast %get3A_501 : i32 to index
      %get3A_503 = arith.index_cast %scan3A_462 : i32 to index
      %get3A_504 = arith.constant 32 : index
      %get3A_505 = tpu.vector_load %arg19[%get3A_502, %get3A_503, %get3A_504] {strides = array<i32>} : memref<3x128x128xf32, #tpu.memory_space<vmem>>, vector<1x1x16xf32>,
      %get3A_506 = vector.shape_cast %get3A_505 : vector<1x1x16xf32> to vector<16xf32>
      %get3A_507 = arith.constant 1 : i32
      %get3A_508 = arith.index_cast %get3A_507 : i32 to index
      %get3A_509 = arith.index_cast %scan3A_462 : i32 to index
      %get3A_510 = arith.constant 32 : index
      %get3A_511 = tpu.vector_load %arg20[%get3A_508, %get3A_509, %get3A_510] {strides = array<i32>} : memref<3x128x128xf32, #tpu.memory_space<vmem>>, vector<1x1x16xf32>,
      %get3A_512 = vector.shape_cast %get3A_511 : vector<1x1x16xf32> to vector<16xf32>
      %mul3A_513 = arith.mulf %get3A_506, %get3A_512 : vector<16xf32>
      %swap3A_514 = arith.constant 1 : i32
      %swap3A_515 = arith.index_cast %swap3A_514 : i32 to index
      %swap3A_516 = arith.index_cast %scan3A_462 : i32 to index
      %swap3A_517 = arith.constant 32 : index
      %swap3A_518 = tpu.vector_load %arg19[%swap3A_515, %swap3A_516, %swap3A_517] {strides = array<i32>} : memref<3x128x128xf32, #tpu.memory_space<vmem>>, vector<1x1x16xf32>,
      %swap3A_519 = vector.shape_cast %swap3A_518 : vector<1x1x16xf32> to vector<16xf32>
      %swap3A_520 = vector.shape_cast %mul3A_513 : vector<16xf32> to vector<1x1x16xf32>
      tpu.vector_store %arg19[%swap3A_515, %swap3A_516, %swap3A_517], %swap3A_520 {strides = array<i32>} : memref<3x128x128xf32, #tpu.memory_space<vmem>>, vector<1x1x16xf32>,
      %get3A_521 = arith.constant 1 : i32
      %get3A_522 = arith.index_cast %get3A_521 : i32 to index
      %get3A_523 = arith.index_cast %scan3A_462 : i32 to index
      %get3A_524 = arith.constant 48 : index
      %get3A_525 = tpu.vector_load %arg19[%get3A_522, %get3A_523, %get3A_524] {strides = array<i32>} : memref<3x128x128xf32, #tpu.memory_space<vmem>>, vector<1x1x16xf32>,
      %get3A_526 = vector.shape_cast %get3A_525 : vector<1x1x16xf32> to vector<16xf32>
      %get3A_527 = arith.constant 1 : i32
      %get3A_528 = arith.index_cast %get3A_527 : i32 to index
      %get3A_529 = arith.index_cast %scan3A_462 : i32 to index
      %get3A_530 = arith.constant 48 : index
      %get3A_531 = tpu.vector_load %arg20[%get3A_528, %get3A_529, %get3A_530] {strides = array<i32>} : memref<3x128x128xf32, #tpu.memory_space<vmem>>, vector<1x1x16xf32>,
      %get3A_532 = vector.shape_cast %get3A_531 : vector<1x1x16xf32> to vector<16xf32>
      %mul3A_533 = arith.mulf %get3A_526, %get3A_532 : vector<16xf32>
      %swap3A_534 = arith.constant 1 : i32
      %swap3A_535 = arith.index_cast %swap3A_534 : i32 to index
      %swap3A_536 = arith.index_cast %scan3A_462 : i32 to index
      %swap3A_537 = arith.constant 48 : index
      %swap3A_538 = tpu.vector_load %arg19[%swap3A_535, %swap3A_536, %swap3A_537] {strides = array<i32>} : memref<3x128x128xf32, #tpu.memory_space<vmem>>, vector<1x1x16xf32>,
      %swap3A_539 = vector.shape_cast %swap3A_538 : vector<1x1x16xf32> to vector<16xf32>
      %swap3A_540 = vector.shape_cast %mul3A_533 : vector<16xf32> to vector<1x1x16xf32>
      tpu.vector_store %arg19[%swap3A_535, %swap3A_536, %swap3A_537], %swap3A_540 {strides = array<i32>} : memref<3x128x128xf32, #tpu.memory_space<vmem>>, vector<1x1x16xf32>,
      %get3A_541 = arith.constant 1 : i32
      %get3A_542 = arith.index_cast %get3A_541 : i32 to index
      %get3A_543 = arith.index_cast %scan3A_462 : i32 to index
      %get3A_544 = arith.constant 64 : index
      %get3A_545 = tpu.vector_load %arg19[%get3A_542, %get3A_543, %get3A_544] {strides = array<i32>} : memref<3x128x128xf32, #tpu.memory_space<vmem>>, vector<1x1x16xf32>,
      %get3A_546 = vector.shape_cast %get3A_545 : vector<1x1x16xf32> to vector<16xf32>
      %get3A_547 = arith.constant 1 : i32
      %get3A_548 = arith.index_cast %get3A_547 : i32 to index
      %get3A_549 = arith.index_cast %scan3A_462 : i32 to index
      %get3A_550 = arith.constant 64 : index
      %get3A_551 = tpu.vector_load %arg20[%get3A_548, %get3A_549, %get3A_550] {strides = array<i32>} : memref<3x128x128xf32, #tpu.memory_space<vmem>>, vector<1x1x16xf32>,
      %get3A_552 = vector.shape_cast %get3A_551 : vector<1x1x16xf32> to vector<16xf32>
      %mul3A_553 = arith.mulf %get3A_546, %get3A_552 : vector<16xf32>
      %swap3A_554 = arith.constant 1 : i32
      %swap3A_555 = arith.index_cast %swap3A_554 : i32 to index
      %swap3A_556 = arith.index_cast %scan3A_462 : i32 to index
      %swap3A_557 = arith.constant 64 : index
      %swap3A_558 = tpu.vector_load %arg19[%swap3A_555, %swap3A_556, %swap3A_557] {strides = array<i32>} : memref<3x128x128xf32, #tpu.memory_space<vmem>>, vector<1x1x16xf32>,
      %swap3A_559 = vector.shape_cast %swap3A_558 : vector<1x1x16xf32> to vector<16xf32>
      %swap3A_560 = vector.shape_cast %mul3A_553 : vector<16xf32> to vector<1x1x16xf32>
      tpu.vector_store %arg19[%swap3A_555, %swap3A_556, %swap3A_557], %swap3A_560 {strides = array<i32>} : memref<3x128x128xf32, #tpu.memory_space<vmem>>, vector<1x1x16xf32>,
      %get3A_561 = arith.constant 1 : i32
      %get3A_562 = arith.index_cast %get3A_561 : i32 to index
      %get3A_563 = arith.index_cast %scan3A_462 : i32 to index
      %get3A_564 = arith.constant 80 : index
      %get3A_565 = tpu.vector_load %arg19[%get3A_562, %get3A_563, %get3A_564] {strides = array<i32>} : memref<3x128x128xf32, #tpu.memory_space<vmem>>, vector<1x1x16xf32>,
      %get3A_566 = vector.shape_cast %get3A_565 : vector<1x1x16xf32> to vector<16xf32>
      %get3A_567 = arith.constant 1 : i32
      %get3A_568 = arith.index_cast %get3A_567 : i32 to index
      %get3A_569 = arith.index_cast %scan3A_462 : i32 to index
      %get3A_570 = arith.constant 80 : index
      %get3A_571 = tpu.vector_load %arg20[%get3A_568, %get3A_569, %get3A_570] {strides = array<i32>} : memref<3x128x128xf32, #tpu.memory_space<vmem>>, vector<1x1x16xf32>,
      %get3A_572 = vector.shape_cast %get3A_571 : vector<1x1x16xf32> to vector<16xf32>
      %mul3A_573 = arith.mulf %get3A_566, %get3A_572 : vector<16xf32>
      %swap3A_574 = arith.constant 1 : i32
      %swap3A_575 = arith.index_cast %swap3A_574 : i32 to index
      %swap3A_576 = arith.index_cast %scan3A_462 : i32 to index
      %swap3A_577 = arith.constant 80 : index
      %swap3A_578 = tpu.vector_load %arg19[%swap3A_575, %swap3A_576, %swap3A_577] {strides = array<i32>} : memref<3x128x128xf32, #tpu.memory_space<vmem>>, vector<1x1x16xf32>,
      %swap3A_579 = vector.shape_cast %swap3A_578 : vector<1x1x16xf32> to vector<16xf32>
      %swap3A_580 = vector.shape_cast %mul3A_573 : vector<16xf32> to vector<1x1x16xf32>
      tpu.vector_store %arg19[%swap3A_575, %swap3A_576, %swap3A_577], %swap3A_580 {strides = array<i32>} : memref<3x128x128xf32, #tpu.memory_space<vmem>>, vector<1x1x16xf32>,
      %get3A_581 = arith.constant 1 : i32
      %get3A_582 = arith.index_cast %get3A_581 : i32 to index
      %get3A_583 = arith.index_cast %scan3A_462 : i32 to index
      %get3A_584 = arith.constant 96 : index
      %get3A_585 = tpu.vector_load %arg19[%get3A_582, %get3A_583, %get3A_584] {strides = array<i32>} : memref<3x128x128xf32, #tpu.memory_space<vmem>>, vector<1x1x16xf32>,
      %get3A_586 = vector.shape_cast %get3A_585 : vector<1x1x16xf32> to vector<16xf32>
      %get3A_587 = arith.constant 1 : i32
      %get3A_588 = arith.index_cast %get3A_587 : i32 to index
      %get3A_589 = arith.index_cast %scan3A_462 : i32 to index
      %get3A_590 = arith.constant 96 : index
      %get3A_591 = tpu.vector_load %arg20[%get3A_588, %get3A_589, %get3A_590] {strides = array<i32>} : memref<3x128x128xf32, #tpu.memory_space<vmem>>, vector<1x1x16xf32>,
      %get3A_592 = vector.shape_cast %get3A_591 : vector<1x1x16xf32> to vector<16xf32>
      %mul3A_593 = arith.mulf %get3A_586, %get3A_592 : vector<16xf32>
      %swap3A_594 = arith.constant 1 : i32
      %swap3A_595 = arith.index_cast %swap3A_594 : i32 to index
      %swap3A_596 = arith.index_cast %scan3A_462 : i32 to index
      %swap3A_597 = arith.constant 96 : index
      %swap3A_598 = tpu.vector_load %arg19[%swap3A_595, %swap3A_596, %swap3A_597] {strides = array<i32>} : memref<3x128x128xf32, #tpu.memory_space<vmem>>, vector<1x1x16xf32>,
      %swap3A_599 = vector.shape_cast %swap3A_598 : vector<1x1x16xf32> to vector<16xf32>
      %swap3A_600 = vector.shape_cast %mul3A_593 : vector<16xf32> to vector<1x1x16xf32>
      tpu.vector_store %arg19[%swap3A_595, %swap3A_596, %swap3A_597], %swap3A_600 {strides = array<i32>} : memref<3x128x128xf32, #tpu.memory_space<vmem>>, vector<1x1x16xf32>,
      %get3A_601 = arith.constant 1 : i32
      %get3A_602 = arith.index_cast %get3A_601 : i32 to index
      %get3A_603 = arith.index_cast %scan3A_462 : i32 to index
      %get3A_604 = arith.constant 112 : index
      %get3A_605 = tpu.vector_load %arg19[%get3A_602, %get3A_603, %get3A_604] {strides = array<i32>} : memref<3x128x128xf32, #tpu.memory_space<vmem>>, vector<1x1x16xf32>,
      %get3A_606 = vector.shape_cast %get3A_605 : vector<1x1x16xf32> to vector<16xf32>
      %get3A_607 = arith.constant 1 : i32
      %get3A_608 = arith.index_cast %get3A_607 : i32 to index
      %get3A_609 = arith.index_cast %scan3A_462 : i32 to index
      %get3A_610 = arith.constant 112 : index
      %get3A_611 = tpu.vector_load %arg20[%get3A_608, %get3A_609, %get3A_610] {strides = array<i32>} : memref<3x128x128xf32, #tpu.memory_space<vmem>>, vector<1x1x16xf32>,
      %get3A_612 = vector.shape_cast %get3A_611 : vector<1x1x16xf32> to vector<16xf32>
      %mul3A_613 = arith.mulf %get3A_606, %get3A_612 : vector<16xf32>
      %swap3A_614 = arith.constant 1 : i32
      %swap3A_615 = arith.index_cast %swap3A_614 : i32 to index
      %swap3A_616 = arith.index_cast %scan3A_462 : i32 to index
      %swap3A_617 = arith.constant 112 : index
      %swap3A_618 = tpu.vector_load %arg19[%swap3A_615, %swap3A_616, %swap3A_617] {strides = array<i32>} : memref<3x128x128xf32, #tpu.memory_space<vmem>>, vector<1x1x16xf32>,
      %swap3A_619 = vector.shape_cast %swap3A_618 : vector<1x1x16xf32> to vector<16xf32>
      %swap3A_620 = vector.shape_cast %mul3A_613 : vector<16xf32> to vector<1x1x16xf32>
      tpu.vector_store %arg19[%swap3A_615, %swap3A_616, %swap3A_617], %swap3A_620 {strides = array<i32>} : memref<3x128x128xf32, #tpu.memory_space<vmem>>, vector<1x1x16xf32>,
    }
    %scan3A_243 = arith.constant 128 : i32
    %add3A_244 = arith.constant 128 : i32
    %add3A_245 = arith.addi %mul3A_2, %add3A_244 : i32
    %dma_start3A_246 = arith.constant 1 : i32
    %dma_start3A_247 = arith.constant 0 : i32
    %dma_start3A_248 = arith.constant 0 : i32
    %dma_start3A_249 = tpu.memref_slice %arg19[%dma_start3A_246, %dma_start3A_247, %dma_start3A_248] : memref<3x128x128xf32, #tpu.memory_space<vmem>> -> memref<1x128x128xf32, #tpu.memory_space<vmem>>
    %dma_start3A_250 = tpu.memref_squeeze %dma_start3A_249 : memref<1x128x128xf32, #tpu.memory_space<vmem>> -> memref<128x128xf32, #tpu.memory_space<vmem>>
    %dma_start3A_251 = arith.constant 0 : i32
    %dma_start3A_252 = tpu.memref_slice %arg10[%add3A_245, %dma_start3A_251] : memref<16384x128xf32, #tpu.memory_space<hbm>> -> memref<128x128xf32, #tpu.memory_space<hbm>>
    %dma_start3A_253 = arith.constant 0 : i32
    %dma_start3A_254 = tpu.memref_slice %arg10[%add3A_245, %dma_start3A_253] : memref<16384x128xf32, #tpu.memory_space<hbm>> -> memref<128x128xf32, #tpu.memory_space<hbm>>
    %dma_start3A_255 = arith.constant 0 : i32
    %dma_start3A_256 = arith.constant 0 : i32
    %dma_start3A_257 = tpu.memref_slice %arg19[%dma_start3A_246, %dma_start3A_255, %dma_start3A_256] : memref<3x128x128xf32, #tpu.memory_space<vmem>> -> memref<1x128x128xf32, #tpu.memory_space<vmem>>
    %dma_start3A_258 = tpu.memref_squeeze %dma_start3A_257 : memref<1x128x128xf32, #tpu.memory_space<vmem>> -> memref<128x128xf32, #tpu.memory_space<vmem>>
    tpu.enqueue_dma source(%dma_start3A_258 : memref<128x128xf32, #tpu.memory_space<vmem>>) target(%dma_start3A_254 : memref<128x128xf32, #tpu.memory_space<hbm>>) target_semaphore(%arg25 : memref<!tpu.dma_semaphore, #tpu.memory_space<semaphore_mem>>)
    %dma_wait3A_259 = arith.constant 2 : i32
    %dma_wait3A_260 = arith.constant 0 : i32
    %dma_wait3A_261 = arith.constant 0 : i32
    %dma_wait3A_262 = tpu.memref_slice %arg19[%dma_wait3A_259, %dma_wait3A_260, %dma_wait3A_261] : memref<3x128x128xf32, #tpu.memory_space<vmem>> -> memref<1x128x128xf32, #tpu.memory_space<vmem>>
    %dma_wait3A_263 = tpu.memref_squeeze %dma_wait3A_262 : memref<1x128x128xf32, #tpu.memory_space<vmem>> -> memref<128x128xf32, #tpu.memory_space<vmem>>
    %dma_wait3A_264 = arith.constant 256 : i32
    %dma_wait3A_265 = tpu.memref_slice %arg12[%dma_wait3A_264] : memref<512xi32, #tpu.memory_space<vmem>> -> memref<128xi32, #tpu.memory_space<vmem>>
    %dma_wait3A_266 = arith.constant 0 : i32
    %dma_wait3A_267 = arith.constant 0 : i32
    %dma_wait3A_268 = tpu.memref_slice %arg5[%dma_wait3A_266, %dma_wait3A_267] : memref<100000x128xf32, #tpu.memory_space<hbm>> -> memref<100000x128xf32, #tpu.memory_space<hbm>>
    tpu.wait_indirect_dma semaphore(%arg21 : memref<!tpu.dma_semaphore, #tpu.memory_space<semaphore_mem>>) src(%dma_wait3A_268 : memref<100000x128xf32, #tpu.memory_space<hbm>>) dst(%dma_wait3A_263 : memref<128x128xf32, #tpu.memory_space<vmem>>)
    %dma_wait3A_269 = arith.constant 2 : i32
    %dma_wait3A_270 = arith.constant 0 : i32
    %dma_wait3A_271 = arith.constant 0 : i32
    %dma_wait3A_272 = tpu.memref_slice %arg20[%dma_wait3A_269, %dma_wait3A_270, %dma_wait3A_271] : memref<3x128x128xf32, #tpu.memory_space<vmem>> -> memref<1x128x128xf32, #tpu.memory_space<vmem>>
    %dma_wait3A_273 = tpu.memref_squeeze %dma_wait3A_272 : memref<1x128x128xf32, #tpu.memory_space<vmem>> -> memref<128x128xf32, #tpu.memory_space<vmem>>
    %dma_wait3A_274 = arith.constant 256 : i32
    %dma_wait3A_275 = tpu.memref_slice %arg13[%dma_wait3A_274] : memref<512xi32, #tpu.memory_space<vmem>> -> memref<128xi32, #tpu.memory_space<vmem>>
    %dma_wait3A_276 = arith.constant 0 : i32
    %dma_wait3A_277 = arith.constant 0 : i32
    %dma_wait3A_278 = tpu.memref_slice %arg6[%dma_wait3A_276, %dma_wait3A_277] : memref<1000000x128xf32, #tpu.memory_space<hbm>> -> memref<1000000x128xf32, #tpu.memory_space<hbm>>
    tpu.wait_indirect_dma semaphore(%arg22 : memref<!tpu.dma_semaphore, #tpu.memory_space<semaphore_mem>>) src(%dma_wait3A_278 : memref<1000000x128xf32, #tpu.memory_space<hbm>>) dst(%dma_wait3A_273 : memref<128x128xf32, #tpu.memory_space<vmem>>)
    %scan3A_279 = arith.constant 0 : i32
    %scan3A_280 = arith.constant 0 : i32
    %scan3A_281 = arith.constant 128 : i32
    %scan3A_282 = arith.addi %scan3A_280, %scan3A_281 : i32
    %scan3A_283 = arith.constant 1 : i32
    scf.for %scan3A_462 = %scan3A_280 to %scan3A_282 step %scan3A_283  : i32 {
      %get3A = arith.constant 2 : i32
      %get3A_463 = arith.index_cast %get3A : i32 to index
      %get3A_464 = arith.index_cast %scan3A_462 : i32 to index
      %get3A_465 = arith.constant 0 : index
      %get3A_466 = tpu.vector_load %arg19[%get3A_463, %get3A_464, %get3A_465] {strides = array<i32>} : memref<3x128x128xf32, #tpu.memory_space<vmem>>, vector<1x1x16xf32>,
      %get3A_467 = vector.shape_cast %get3A_466 : vector<1x1x16xf32> to vector<16xf32>
      %get3A_468 = arith.constant 2 : i32
      %get3A_469 = arith.index_cast %get3A_468 : i32 to index
      %get3A_470 = arith.index_cast %scan3A_462 : i32 to index
      %get3A_471 = arith.constant 0 : index
      %get3A_472 = tpu.vector_load %arg20[%get3A_469, %get3A_470, %get3A_471] {strides = array<i32>} : memref<3x128x128xf32, #tpu.memory_space<vmem>>, vector<1x1x16xf32>,
      %get3A_473 = vector.shape_cast %get3A_472 : vector<1x1x16xf32> to vector<16xf32>
      %mul3A_474 = arith.mulf %get3A_467, %get3A_473 : vector<16xf32>
      %swap3A = arith.constant 2 : i32
      %swap3A_475 = arith.index_cast %swap3A : i32 to index
      %swap3A_476 = arith.index_cast %scan3A_462 : i32 to index
      %swap3A_477 = arith.constant 0 : index
      %swap3A_478 = tpu.vector_load %arg19[%swap3A_475, %swap3A_476, %swap3A_477] {strides = array<i32>} : memref<3x128x128xf32, #tpu.memory_space<vmem>>, vector<1x1x16xf32>,
      %swap3A_479 = vector.shape_cast %swap3A_478 : vector<1x1x16xf32> to vector<16xf32>
      %swap3A_480 = vector.shape_cast %mul3A_474 : vector<16xf32> to vector<1x1x16xf32>
      tpu.vector_store %arg19[%swap3A_475, %swap3A_476, %swap3A_477], %swap3A_480 {strides = array<i32>} : memref<3x128x128xf32, #tpu.memory_space<vmem>>, vector<1x1x16xf32>,
      %get3A_481 = arith.constant 2 : i32
      %get3A_482 = arith.index_cast %get3A_481 : i32 to index
      %get3A_483 = arith.index_cast %scan3A_462 : i32 to index
      %get3A_484 = arith.constant 16 : index
      %get3A_485 = tpu.vector_load %arg19[%get3A_482, %get3A_483, %get3A_484] {strides = array<i32>} : memref<3x128x128xf32, #tpu.memory_space<vmem>>, vector<1x1x16xf32>,
      %get3A_486 = vector.shape_cast %get3A_485 : vector<1x1x16xf32> to vector<16xf32>
      %get3A_487 = arith.constant 2 : i32
      %get3A_488 = arith.index_cast %get3A_487 : i32 to index
      %get3A_489 = arith.index_cast %scan3A_462 : i32 to index
      %get3A_490 = arith.constant 16 : index
      %get3A_491 = tpu.vector_load %arg20[%get3A_488, %get3A_489, %get3A_490] {strides = array<i32>} : memref<3x128x128xf32, #tpu.memory_space<vmem>>, vector<1x1x16xf32>,
      %get3A_492 = vector.shape_cast %get3A_491 : vector<1x1x16xf32> to vector<16xf32>
      %mul3A_493 = arith.mulf %get3A_486, %get3A_492 : vector<16xf32>
      %swap3A_494 = arith.constant 2 : i32
      %swap3A_495 = arith.index_cast %swap3A_494 : i32 to index
      %swap3A_496 = arith.index_cast %scan3A_462 : i32 to index
      %swap3A_497 = arith.constant 16 : index
      %swap3A_498 = tpu.vector_load %arg19[%swap3A_495, %swap3A_496, %swap3A_497] {strides = array<i32>} : memref<3x128x128xf32, #tpu.memory_space<vmem>>, vector<1x1x16xf32>,
      %swap3A_499 = vector.shape_cast %swap3A_498 : vector<1x1x16xf32> to vector<16xf32>
      %swap3A_500 = vector.shape_cast %mul3A_493 : vector<16xf32> to vector<1x1x16xf32>
      tpu.vector_store %arg19[%swap3A_495, %swap3A_496, %swap3A_497], %swap3A_500 {strides = array<i32>} : memref<3x128x128xf32, #tpu.memory_space<vmem>>, vector<1x1x16xf32>,
      %get3A_501 = arith.constant 2 : i32
      %get3A_502 = arith.index_cast %get3A_501 : i32 to index
      %get3A_503 = arith.index_cast %scan3A_462 : i32 to index
      %get3A_504 = arith.constant 32 : index
      %get3A_505 = tpu.vector_load %arg19[%get3A_502, %get3A_503, %get3A_504] {strides = array<i32>} : memref<3x128x128xf32, #tpu.memory_space<vmem>>, vector<1x1x16xf32>,
      %get3A_506 = vector.shape_cast %get3A_505 : vector<1x1x16xf32> to vector<16xf32>
      %get3A_507 = arith.constant 2 : i32
      %get3A_508 = arith.index_cast %get3A_507 : i32 to index
      %get3A_509 = arith.index_cast %scan3A_462 : i32 to index
      %get3A_510 = arith.constant 32 : index
      %get3A_511 = tpu.vector_load %arg20[%get3A_508, %get3A_509, %get3A_510] {strides = array<i32>} : memref<3x128x128xf32, #tpu.memory_space<vmem>>, vector<1x1x16xf32>,
      %get3A_512 = vector.shape_cast %get3A_511 : vector<1x1x16xf32> to vector<16xf32>
      %mul3A_513 = arith.mulf %get3A_506, %get3A_512 : vector<16xf32>
      %swap3A_514 = arith.constant 2 : i32
      %swap3A_515 = arith.index_cast %swap3A_514 : i32 to index
      %swap3A_516 = arith.index_cast %scan3A_462 : i32 to index
      %swap3A_517 = arith.constant 32 : index
      %swap3A_518 = tpu.vector_load %arg19[%swap3A_515, %swap3A_516, %swap3A_517] {strides = array<i32>} : memref<3x128x128xf32, #tpu.memory_space<vmem>>, vector<1x1x16xf32>,
      %swap3A_519 = vector.shape_cast %swap3A_518 : vector<1x1x16xf32> to vector<16xf32>
      %swap3A_520 = vector.shape_cast %mul3A_513 : vector<16xf32> to vector<1x1x16xf32>
      tpu.vector_store %arg19[%swap3A_515, %swap3A_516, %swap3A_517], %swap3A_520 {strides = array<i32>} : memref<3x128x128xf32, #tpu.memory_space<vmem>>, vector<1x1x16xf32>,
      %get3A_521 = arith.constant 2 : i32
      %get3A_522 = arith.index_cast %get3A_521 : i32 to index
      %get3A_523 = arith.index_cast %scan3A_462 : i32 to index
      %get3A_524 = arith.constant 48 : index
      %get3A_525 = tpu.vector_load %arg19[%get3A_522, %get3A_523, %get3A_524] {strides = array<i32>} : memref<3x128x128xf32, #tpu.memory_space<vmem>>, vector<1x1x16xf32>,
      %get3A_526 = vector.shape_cast %get3A_525 : vector<1x1x16xf32> to vector<16xf32>
      %get3A_527 = arith.constant 2 : i32
      %get3A_528 = arith.index_cast %get3A_527 : i32 to index
      %get3A_529 = arith.index_cast %scan3A_462 : i32 to index
      %get3A_530 = arith.constant 48 : index
      %get3A_531 = tpu.vector_load %arg20[%get3A_528, %get3A_529, %get3A_530] {strides = array<i32>} : memref<3x128x128xf32, #tpu.memory_space<vmem>>, vector<1x1x16xf32>,
      %get3A_532 = vector.shape_cast %get3A_531 : vector<1x1x16xf32> to vector<16xf32>
      %mul3A_533 = arith.mulf %get3A_526, %get3A_532 : vector<16xf32>
      %swap3A_534 = arith.constant 2 : i32
      %swap3A_535 = arith.index_cast %swap3A_534 : i32 to index
      %swap3A_536 = arith.index_cast %scan3A_462 : i32 to index
      %swap3A_537 = arith.constant 48 : index
      %swap3A_538 = tpu.vector_load %arg19[%swap3A_535, %swap3A_536, %swap3A_537] {strides = array<i32>} : memref<3x128x128xf32, #tpu.memory_space<vmem>>, vector<1x1x16xf32>,
      %swap3A_539 = vector.shape_cast %swap3A_538 : vector<1x1x16xf32> to vector<16xf32>
      %swap3A_540 = vector.shape_cast %mul3A_533 : vector<16xf32> to vector<1x1x16xf32>
      tpu.vector_store %arg19[%swap3A_535, %swap3A_536, %swap3A_537], %swap3A_540 {strides = array<i32>} : memref<3x128x128xf32, #tpu.memory_space<vmem>>, vector<1x1x16xf32>,
      %get3A_541 = arith.constant 2 : i32
      %get3A_542 = arith.index_cast %get3A_541 : i32 to index
      %get3A_543 = arith.index_cast %scan3A_462 : i32 to index
      %get3A_544 = arith.constant 64 : index
      %get3A_545 = tpu.vector_load %arg19[%get3A_542, %get3A_543, %get3A_544] {strides = array<i32>} : memref<3x128x128xf32, #tpu.memory_space<vmem>>, vector<1x1x16xf32>,
      %get3A_546 = vector.shape_cast %get3A_545 : vector<1x1x16xf32> to vector<16xf32>
      %get3A_547 = arith.constant 2 : i32
      %get3A_548 = arith.index_cast %get3A_547 : i32 to index
      %get3A_549 = arith.index_cast %scan3A_462 : i32 to index
      %get3A_550 = arith.constant 64 : index
      %get3A_551 = tpu.vector_load %arg20[%get3A_548, %get3A_549, %get3A_550] {strides = array<i32>} : memref<3x128x128xf32, #tpu.memory_space<vmem>>, vector<1x1x16xf32>,
      %get3A_552 = vector.shape_cast %get3A_551 : vector<1x1x16xf32> to vector<16xf32>
      %mul3A_553 = arith.mulf %get3A_546, %get3A_552 : vector<16xf32>
      %swap3A_554 = arith.constant 2 : i32
      %swap3A_555 = arith.index_cast %swap3A_554 : i32 to index
      %swap3A_556 = arith.index_cast %scan3A_462 : i32 to index
      %swap3A_557 = arith.constant 64 : index
      %swap3A_558 = tpu.vector_load %arg19[%swap3A_555, %swap3A_556, %swap3A_557] {strides = array<i32>} : memref<3x128x128xf32, #tpu.memory_space<vmem>>, vector<1x1x16xf32>,
      %swap3A_559 = vector.shape_cast %swap3A_558 : vector<1x1x16xf32> to vector<16xf32>
      %swap3A_560 = vector.shape_cast %mul3A_553 : vector<16xf32> to vector<1x1x16xf32>
      tpu.vector_store %arg19[%swap3A_555, %swap3A_556, %swap3A_557], %swap3A_560 {strides = array<i32>} : memref<3x128x128xf32, #tpu.memory_space<vmem>>, vector<1x1x16xf32>,
      %get3A_561 = arith.constant 2 : i32
      %get3A_562 = arith.index_cast %get3A_561 : i32 to index
      %get3A_563 = arith.index_cast %scan3A_462 : i32 to index
      %get3A_564 = arith.constant 80 : index
      %get3A_565 = tpu.vector_load %arg19[%get3A_562, %get3A_563, %get3A_564] {strides = array<i32>} : memref<3x128x128xf32, #tpu.memory_space<vmem>>, vector<1x1x16xf32>,
      %get3A_566 = vector.shape_cast %get3A_565 : vector<1x1x16xf32> to vector<16xf32>
      %get3A_567 = arith.constant 2 : i32
      %get3A_568 = arith.index_cast %get3A_567 : i32 to index
      %get3A_569 = arith.index_cast %scan3A_462 : i32 to index
      %get3A_570 = arith.constant 80 : index
      %get3A_571 = tpu.vector_load %arg20[%get3A_568, %get3A_569, %get3A_570] {strides = array<i32>} : memref<3x128x128xf32, #tpu.memory_space<vmem>>, vector<1x1x16xf32>,
      %get3A_572 = vector.shape_cast %get3A_571 : vector<1x1x16xf32> to vector<16xf32>
      %mul3A_573 = arith.mulf %get3A_566, %get3A_572 : vector<16xf32>
      %swap3A_574 = arith.constant 2 : i32
      %swap3A_575 = arith.index_cast %swap3A_574 : i32 to index
      %swap3A_576 = arith.index_cast %scan3A_462 : i32 to index
      %swap3A_577 = arith.constant 80 : index
      %swap3A_578 = tpu.vector_load %arg19[%swap3A_575, %swap3A_576, %swap3A_577] {strides = array<i32>} : memref<3x128x128xf32, #tpu.memory_space<vmem>>, vector<1x1x16xf32>,
      %swap3A_579 = vector.shape_cast %swap3A_578 : vector<1x1x16xf32> to vector<16xf32>
      %swap3A_580 = vector.shape_cast %mul3A_573 : vector<16xf32> to vector<1x1x16xf32>
      tpu.vector_store %arg19[%swap3A_575, %swap3A_576, %swap3A_577], %swap3A_580 {strides = array<i32>} : memref<3x128x128xf32, #tpu.memory_space<vmem>>, vector<1x1x16xf32>,
      %get3A_581 = arith.constant 2 : i32
      %get3A_582 = arith.index_cast %get3A_581 : i32 to index
      %get3A_583 = arith.index_cast %scan3A_462 : i32 to index
      %get3A_584 = arith.constant 96 : index
      %get3A_585 = tpu.vector_load %arg19[%get3A_582, %get3A_583, %get3A_584] {strides = array<i32>} : memref<3x128x128xf32, #tpu.memory_space<vmem>>, vector<1x1x16xf32>,
      %get3A_586 = vector.shape_cast %get3A_585 : vector<1x1x16xf32> to vector<16xf32>
      %get3A_587 = arith.constant 2 : i32
      %get3A_588 = arith.index_cast %get3A_587 : i32 to index
      %get3A_589 = arith.index_cast %scan3A_462 : i32 to index
      %get3A_590 = arith.constant 96 : index
      %get3A_591 = tpu.vector_load %arg20[%get3A_588, %get3A_589, %get3A_590] {strides = array<i32>} : memref<3x128x128xf32, #tpu.memory_space<vmem>>, vector<1x1x16xf32>,
      %get3A_592 = vector.shape_cast %get3A_591 : vector<1x1x16xf32> to vector<16xf32>
      %mul3A_593 = arith.mulf %get3A_586, %get3A_592 : vector<16xf32>
      %swap3A_594 = arith.constant 2 : i32
      %swap3A_595 = arith.index_cast %swap3A_594 : i32 to index
      %swap3A_596 = arith.index_cast %scan3A_462 : i32 to index
      %swap3A_597 = arith.constant 96 : index
      %swap3A_598 = tpu.vector_load %arg19[%swap3A_595, %swap3A_596, %swap3A_597] {strides = array<i32>} : memref<3x128x128xf32, #tpu.memory_space<vmem>>, vector<1x1x16xf32>,
      %swap3A_599 = vector.shape_cast %swap3A_598 : vector<1x1x16xf32> to vector<16xf32>
      %swap3A_600 = vector.shape_cast %mul3A_593 : vector<16xf32> to vector<1x1x16xf32>
      tpu.vector_store %arg19[%swap3A_595, %swap3A_596, %swap3A_597], %swap3A_600 {strides = array<i32>} : memref<3x128x128xf32, #tpu.memory_space<vmem>>, vector<1x1x16xf32>,
      %get3A_601 = arith.constant 2 : i32
      %get3A_602 = arith.index_cast %get3A_601 : i32 to index
      %get3A_603 = arith.index_cast %scan3A_462 : i32 to index
      %get3A_604 = arith.constant 112 : index
      %get3A_605 = tpu.vector_load %arg19[%get3A_602, %get3A_603, %get3A_604] {strides = array<i32>} : memref<3x128x128xf32, #tpu.memory_space<vmem>>, vector<1x1x16xf32>,
      %get3A_606 = vector.shape_cast %get3A_605 : vector<1x1x16xf32> to vector<16xf32>
      %get3A_607 = arith.constant 2 : i32
      %get3A_608 = arith.index_cast %get3A_607 : i32 to index
      %get3A_609 = arith.index_cast %scan3A_462 : i32 to index
      %get3A_610 = arith.constant 112 : index
      %get3A_611 = tpu.vector_load %arg20[%get3A_608, %get3A_609, %get3A_610] {strides = array<i32>} : memref<3x128x128xf32, #tpu.memory_space<vmem>>, vector<1x1x16xf32>,
      %get3A_612 = vector.shape_cast %get3A_611 : vector<1x1x16xf32> to vector<16xf32>
      %mul3A_613 = arith.mulf %get3A_606, %get3A_612 : vector<16xf32>
      %swap3A_614 = arith.constant 2 : i32
      %swap3A_615 = arith.index_cast %swap3A_614 : i32 to index
      %swap3A_616 = arith.index_cast %scan3A_462 : i32 to index
      %swap3A_617 = arith.constant 112 : index
      %swap3A_618 = tpu.vector_load %arg19[%swap3A_615, %swap3A_616, %swap3A_617] {strides = array<i32>} : memref<3x128x128xf32, #tpu.memory_space<vmem>>, vector<1x1x16xf32>,
      %swap3A_619 = vector.shape_cast %swap3A_618 : vector<1x1x16xf32> to vector<16xf32>
      %swap3A_620 = vector.shape_cast %mul3A_613 : vector<16xf32> to vector<1x1x16xf32>
      tpu.vector_store %arg19[%swap3A_615, %swap3A_616, %swap3A_617], %swap3A_620 {strides = array<i32>} : memref<3x128x128xf32, #tpu.memory_space<vmem>>, vector<1x1x16xf32>,
    }
    %scan3A_284 = arith.constant 128 : i32
    %add3A_285 = arith.constant 256 : i32
    %add3A_286 = arith.addi %mul3A_2, %add3A_285 : i32
    %dma_start3A_287 = arith.constant 2 : i32
    %dma_start3A_288 = arith.constant 0 : i32
    %dma_start3A_289 = arith.constant 0 : i32
    %dma_start3A_290 = tpu.memref_slice %arg19[%dma_start3A_287, %dma_start3A_288, %dma_start3A_289] : memref<3x128x128xf32, #tpu.memory_space<vmem>> -> memref<1x128x128xf32, #tpu.memory_space<vmem>>
    %dma_start3A_291 = tpu.memref_squeeze %dma_start3A_290 : memref<1x128x128xf32, #tpu.memory_space<vmem>> -> memref<128x128xf32, #tpu.memory_space<vmem>>
    %dma_start3A_292 = arith.constant 0 : i32
    %dma_start3A_293 = tpu.memref_slice %arg10[%add3A_286, %dma_start3A_292] : memref<16384x128xf32, #tpu.memory_space<hbm>> -> memref<128x128xf32, #tpu.memory_space<hbm>>
    %dma_start3A_294 = arith.constant 0 : i32
    %dma_start3A_295 = tpu.memref_slice %arg10[%add3A_286, %dma_start3A_294] : memref<16384x128xf32, #tpu.memory_space<hbm>> -> memref<128x128xf32, #tpu.memory_space<hbm>>
    %dma_start3A_296 = arith.constant 0 : i32
    %dma_start3A_297 = arith.constant 0 : i32
    %dma_start3A_298 = tpu.memref_slice %arg19[%dma_start3A_287, %dma_start3A_296, %dma_start3A_297] : memref<3x128x128xf32, #tpu.memory_space<vmem>> -> memref<1x128x128xf32, #tpu.memory_space<vmem>>
    %dma_start3A_299 = tpu.memref_squeeze %dma_start3A_298 : memref<1x128x128xf32, #tpu.memory_space<vmem>> -> memref<128x128xf32, #tpu.memory_space<vmem>>
    tpu.enqueue_dma source(%dma_start3A_299 : memref<128x128xf32, #tpu.memory_space<vmem>>) target(%dma_start3A_295 : memref<128x128xf32, #tpu.memory_space<hbm>>) target_semaphore(%arg26 : memref<!tpu.dma_semaphore, #tpu.memory_space<semaphore_mem>>)
    %dma_wait3A_300 = arith.constant 0 : i32
    %dma_wait3A_301 = arith.constant 0 : i32
    %dma_wait3A_302 = arith.constant 0 : i32
    %dma_wait3A_303 = tpu.memref_slice %arg19[%dma_wait3A_300, %dma_wait3A_301, %dma_wait3A_302] : memref<3x128x128xf32, #tpu.memory_space<vmem>> -> memref<1x128x128xf32, #tpu.memory_space<vmem>>
    %dma_wait3A_304 = tpu.memref_squeeze %dma_wait3A_303 : memref<1x128x128xf32, #tpu.memory_space<vmem>> -> memref<128x128xf32, #tpu.memory_space<vmem>>
    %dma_wait3A_305 = arith.constant 384 : i32
    %dma_wait3A_306 = tpu.memref_slice %arg12[%dma_wait3A_305] : memref<512xi32, #tpu.memory_space<vmem>> -> memref<128xi32, #tpu.memory_space<vmem>>
    %dma_wait3A_307 = arith.constant 0 : i32
    %dma_wait3A_308 = arith.constant 0 : i32
    %dma_wait3A_309 = tpu.memref_slice %arg5[%dma_wait3A_307, %dma_wait3A_308] : memref<100000x128xf32, #tpu.memory_space<hbm>> -> memref<100000x128xf32, #tpu.memory_space<hbm>>
    tpu.wait_indirect_dma semaphore(%arg21 : memref<!tpu.dma_semaphore, #tpu.memory_space<semaphore_mem>>) src(%dma_wait3A_309 : memref<100000x128xf32, #tpu.memory_space<hbm>>) dst(%dma_wait3A_304 : memref<128x128xf32, #tpu.memory_space<vmem>>)
    %dma_wait3A_310 = arith.constant 0 : i32
    %dma_wait3A_311 = arith.constant 0 : i32
    %dma_wait3A_312 = arith.constant 0 : i32
    %dma_wait3A_313 = tpu.memref_slice %arg20[%dma_wait3A_310, %dma_wait3A_311, %dma_wait3A_312] : memref<3x128x128xf32, #tpu.memory_space<vmem>> -> memref<1x128x128xf32, #tpu.memory_space<vmem>>
    %dma_wait3A_314 = tpu.memref_squeeze %dma_wait3A_313 : memref<1x128x128xf32, #tpu.memory_space<vmem>> -> memref<128x128xf32, #tpu.memory_space<vmem>>
    %dma_wait3A_315 = arith.constant 384 : i32
    %dma_wait3A_316 = tpu.memref_slice %arg13[%dma_wait3A_315] : memref<512xi32, #tpu.memory_space<vmem>> -> memref<128xi32, #tpu.memory_space<vmem>>
    %dma_wait3A_317 = arith.constant 0 : i32
    %dma_wait3A_318 = arith.constant 0 : i32
    %dma_wait3A_319 = tpu.memref_slice %arg6[%dma_wait3A_317, %dma_wait3A_318] : memref<1000000x128xf32, #tpu.memory_space<hbm>> -> memref<1000000x128xf32, #tpu.memory_space<hbm>>
    tpu.wait_indirect_dma semaphore(%arg22 : memref<!tpu.dma_semaphore, #tpu.memory_space<semaphore_mem>>) src(%dma_wait3A_319 : memref<1000000x128xf32, #tpu.memory_space<hbm>>) dst(%dma_wait3A_314 : memref<128x128xf32, #tpu.memory_space<vmem>>)
    %scan3A_320 = arith.constant 0 : i32
    %scan3A_321 = arith.constant 0 : i32
    %scan3A_322 = arith.constant 128 : i32
    %scan3A_323 = arith.addi %scan3A_321, %scan3A_322 : i32
    %scan3A_324 = arith.constant 1 : i32
    scf.for %scan3A_462 = %scan3A_321 to %scan3A_323 step %scan3A_324  : i32 {
      %get3A = arith.constant 0 : i32
      %get3A_463 = arith.index_cast %get3A : i32 to index
      %get3A_464 = arith.index_cast %scan3A_462 : i32 to index
      %get3A_465 = arith.constant 0 : index
      %get3A_466 = tpu.vector_load %arg19[%get3A_463, %get3A_464, %get3A_465] {strides = array<i32>} : memref<3x128x128xf32, #tpu.memory_space<vmem>>, vector<1x1x16xf32>,
      %get3A_467 = vector.shape_cast %get3A_466 : vector<1x1x16xf32> to vector<16xf32>
      %get3A_468 = arith.constant 0 : i32
      %get3A_469 = arith.index_cast %get3A_468 : i32 to index
      %get3A_470 = arith.index_cast %scan3A_462 : i32 to index
      %get3A_471 = arith.constant 0 : index
      %get3A_472 = tpu.vector_load %arg20[%get3A_469, %get3A_470, %get3A_471] {strides = array<i32>} : memref<3x128x128xf32, #tpu.memory_space<vmem>>, vector<1x1x16xf32>,
      %get3A_473 = vector.shape_cast %get3A_472 : vector<1x1x16xf32> to vector<16xf32>
      %mul3A_474 = arith.mulf %get3A_467, %get3A_473 : vector<16xf32>
      %swap3A = arith.constant 0 : i32
      %swap3A_475 = arith.index_cast %swap3A : i32 to index
      %swap3A_476 = arith.index_cast %scan3A_462 : i32 to index
      %swap3A_477 = arith.constant 0 : index
      %swap3A_478 = tpu.vector_load %arg19[%swap3A_475, %swap3A_476, %swap3A_477] {strides = array<i32>} : memref<3x128x128xf32, #tpu.memory_space<vmem>>, vector<1x1x16xf32>,
      %swap3A_479 = vector.shape_cast %swap3A_478 : vector<1x1x16xf32> to vector<16xf32>
      %swap3A_480 = vector.shape_cast %mul3A_474 : vector<16xf32> to vector<1x1x16xf32>
      tpu.vector_store %arg19[%swap3A_475, %swap3A_476, %swap3A_477], %swap3A_480 {strides = array<i32>} : memref<3x128x128xf32, #tpu.memory_space<vmem>>, vector<1x1x16xf32>,
      %get3A_481 = arith.constant 0 : i32
      %get3A_482 = arith.index_cast %get3A_481 : i32 to index
      %get3A_483 = arith.index_cast %scan3A_462 : i32 to index
      %get3A_484 = arith.constant 16 : index
      %get3A_485 = tpu.vector_load %arg19[%get3A_482, %get3A_483, %get3A_484] {strides = array<i32>} : memref<3x128x128xf32, #tpu.memory_space<vmem>>, vector<1x1x16xf32>,
      %get3A_486 = vector.shape_cast %get3A_485 : vector<1x1x16xf32> to vector<16xf32>
      %get3A_487 = arith.constant 0 : i32
      %get3A_488 = arith.index_cast %get3A_487 : i32 to index
      %get3A_489 = arith.index_cast %scan3A_462 : i32 to index
      %get3A_490 = arith.constant 16 : index
      %get3A_491 = tpu.vector_load %arg20[%get3A_488, %get3A_489, %get3A_490] {strides = array<i32>} : memref<3x128x128xf32, #tpu.memory_space<vmem>>, vector<1x1x16xf32>,
      %get3A_492 = vector.shape_cast %get3A_491 : vector<1x1x16xf32> to vector<16xf32>
      %mul3A_493 = arith.mulf %get3A_486, %get3A_492 : vector<16xf32>
      %swap3A_494 = arith.constant 0 : i32
      %swap3A_495 = arith.index_cast %swap3A_494 : i32 to index
      %swap3A_496 = arith.index_cast %scan3A_462 : i32 to index
      %swap3A_497 = arith.constant 16 : index
      %swap3A_498 = tpu.vector_load %arg19[%swap3A_495, %swap3A_496, %swap3A_497] {strides = array<i32>} : memref<3x128x128xf32, #tpu.memory_space<vmem>>, vector<1x1x16xf32>,
      %swap3A_499 = vector.shape_cast %swap3A_498 : vector<1x1x16xf32> to vector<16xf32>
      %swap3A_500 = vector.shape_cast %mul3A_493 : vector<16xf32> to vector<1x1x16xf32>
      tpu.vector_store %arg19[%swap3A_495, %swap3A_496, %swap3A_497], %swap3A_500 {strides = array<i32>} : memref<3x128x128xf32, #tpu.memory_space<vmem>>, vector<1x1x16xf32>,
      %get3A_501 = arith.constant 0 : i32
      %get3A_502 = arith.index_cast %get3A_501 : i32 to index
      %get3A_503 = arith.index_cast %scan3A_462 : i32 to index
      %get3A_504 = arith.constant 32 : index
      %get3A_505 = tpu.vector_load %arg19[%get3A_502, %get3A_503, %get3A_504] {strides = array<i32>} : memref<3x128x128xf32, #tpu.memory_space<vmem>>, vector<1x1x16xf32>,
      %get3A_506 = vector.shape_cast %get3A_505 : vector<1x1x16xf32> to vector<16xf32>
      %get3A_507 = arith.constant 0 : i32
      %get3A_508 = arith.index_cast %get3A_507 : i32 to index
      %get3A_509 = arith.index_cast %scan3A_462 : i32 to index
      %get3A_510 = arith.constant 32 : index
      %get3A_511 = tpu.vector_load %arg20[%get3A_508, %get3A_509, %get3A_510] {strides = array<i32>} : memref<3x128x128xf32, #tpu.memory_space<vmem>>, vector<1x1x16xf32>,
      %get3A_512 = vector.shape_cast %get3A_511 : vector<1x1x16xf32> to vector<16xf32>
      %mul3A_513 = arith.mulf %get3A_506, %get3A_512 : vector<16xf32>
      %swap3A_514 = arith.constant 0 : i32
      %swap3A_515 = arith.index_cast %swap3A_514 : i32 to index
      %swap3A_516 = arith.index_cast %scan3A_462 : i32 to index
      %swap3A_517 = arith.constant 32 : index
      %swap3A_518 = tpu.vector_load %arg19[%swap3A_515, %swap3A_516, %swap3A_517] {strides = array<i32>} : memref<3x128x128xf32, #tpu.memory_space<vmem>>, vector<1x1x16xf32>,
      %swap3A_519 = vector.shape_cast %swap3A_518 : vector<1x1x16xf32> to vector<16xf32>
      %swap3A_520 = vector.shape_cast %mul3A_513 : vector<16xf32> to vector<1x1x16xf32>
      tpu.vector_store %arg19[%swap3A_515, %swap3A_516, %swap3A_517], %swap3A_520 {strides = array<i32>} : memref<3x128x128xf32, #tpu.memory_space<vmem>>, vector<1x1x16xf32>,
      %get3A_521 = arith.constant 0 : i32
      %get3A_522 = arith.index_cast %get3A_521 : i32 to index
      %get3A_523 = arith.index_cast %scan3A_462 : i32 to index
      %get3A_524 = arith.constant 48 : index
      %get3A_525 = tpu.vector_load %arg19[%get3A_522, %get3A_523, %get3A_524] {strides = array<i32>} : memref<3x128x128xf32, #tpu.memory_space<vmem>>, vector<1x1x16xf32>,
      %get3A_526 = vector.shape_cast %get3A_525 : vector<1x1x16xf32> to vector<16xf32>
      %get3A_527 = arith.constant 0 : i32
      %get3A_528 = arith.index_cast %get3A_527 : i32 to index
      %get3A_529 = arith.index_cast %scan3A_462 : i32 to index
      %get3A_530 = arith.constant 48 : index
      %get3A_531 = tpu.vector_load %arg20[%get3A_528, %get3A_529, %get3A_530] {strides = array<i32>} : memref<3x128x128xf32, #tpu.memory_space<vmem>>, vector<1x1x16xf32>,
      %get3A_532 = vector.shape_cast %get3A_531 : vector<1x1x16xf32> to vector<16xf32>
      %mul3A_533 = arith.mulf %get3A_526, %get3A_532 : vector<16xf32>
      %swap3A_534 = arith.constant 0 : i32
      %swap3A_535 = arith.index_cast %swap3A_534 : i32 to index
      %swap3A_536 = arith.index_cast %scan3A_462 : i32 to index
      %swap3A_537 = arith.constant 48 : index
      %swap3A_538 = tpu.vector_load %arg19[%swap3A_535, %swap3A_536, %swap3A_537] {strides = array<i32>} : memref<3x128x128xf32, #tpu.memory_space<vmem>>, vector<1x1x16xf32>,
      %swap3A_539 = vector.shape_cast %swap3A_538 : vector<1x1x16xf32> to vector<16xf32>
      %swap3A_540 = vector.shape_cast %mul3A_533 : vector<16xf32> to vector<1x1x16xf32>
      tpu.vector_store %arg19[%swap3A_535, %swap3A_536, %swap3A_537], %swap3A_540 {strides = array<i32>} : memref<3x128x128xf32, #tpu.memory_space<vmem>>, vector<1x1x16xf32>,
      %get3A_541 = arith.constant 0 : i32
      %get3A_542 = arith.index_cast %get3A_541 : i32 to index
      %get3A_543 = arith.index_cast %scan3A_462 : i32 to index
      %get3A_544 = arith.constant 64 : index
      %get3A_545 = tpu.vector_load %arg19[%get3A_542, %get3A_543, %get3A_544] {strides = array<i32>} : memref<3x128x128xf32, #tpu.memory_space<vmem>>, vector<1x1x16xf32>,
      %get3A_546 = vector.shape_cast %get3A_545 : vector<1x1x16xf32> to vector<16xf32>
      %get3A_547 = arith.constant 0 : i32
      %get3A_548 = arith.index_cast %get3A_547 : i32 to index
      %get3A_549 = arith.index_cast %scan3A_462 : i32 to index
      %get3A_550 = arith.constant 64 : index
      %get3A_551 = tpu.vector_load %arg20[%get3A_548, %get3A_549, %get3A_550] {strides = array<i32>} : memref<3x128x128xf32, #tpu.memory_space<vmem>>, vector<1x1x16xf32>,
      %get3A_552 = vector.shape_cast %get3A_551 : vector<1x1x16xf32> to vector<16xf32>
      %mul3A_553 = arith.mulf %get3A_546, %get3A_552 : vector<16xf32>
      %swap3A_554 = arith.constant 0 : i32
      %swap3A_555 = arith.index_cast %swap3A_554 : i32 to index
      %swap3A_556 = arith.index_cast %scan3A_462 : i32 to index
      %swap3A_557 = arith.constant 64 : index
      %swap3A_558 = tpu.vector_load %arg19[%swap3A_555, %swap3A_556, %swap3A_557] {strides = array<i32>} : memref<3x128x128xf32, #tpu.memory_space<vmem>>, vector<1x1x16xf32>,
      %swap3A_559 = vector.shape_cast %swap3A_558 : vector<1x1x16xf32> to vector<16xf32>
      %swap3A_560 = vector.shape_cast %mul3A_553 : vector<16xf32> to vector<1x1x16xf32>
      tpu.vector_store %arg19[%swap3A_555, %swap3A_556, %swap3A_557], %swap3A_560 {strides = array<i32>} : memref<3x128x128xf32, #tpu.memory_space<vmem>>, vector<1x1x16xf32>,
      %get3A_561 = arith.constant 0 : i32
      %get3A_562 = arith.index_cast %get3A_561 : i32 to index
      %get3A_563 = arith.index_cast %scan3A_462 : i32 to index
      %get3A_564 = arith.constant 80 : index
      %get3A_565 = tpu.vector_load %arg19[%get3A_562, %get3A_563, %get3A_564] {strides = array<i32>} : memref<3x128x128xf32, #tpu.memory_space<vmem>>, vector<1x1x16xf32>,
      %get3A_566 = vector.shape_cast %get3A_565 : vector<1x1x16xf32> to vector<16xf32>
      %get3A_567 = arith.constant 0 : i32
      %get3A_568 = arith.index_cast %get3A_567 : i32 to index
      %get3A_569 = arith.index_cast %scan3A_462 : i32 to index
      %get3A_570 = arith.constant 80 : index
      %get3A_571 = tpu.vector_load %arg20[%get3A_568, %get3A_569, %get3A_570] {strides = array<i32>} : memref<3x128x128xf32, #tpu.memory_space<vmem>>, vector<1x1x16xf32>,
      %get3A_572 = vector.shape_cast %get3A_571 : vector<1x1x16xf32> to vector<16xf32>
      %mul3A_573 = arith.mulf %get3A_566, %get3A_572 : vector<16xf32>
      %swap3A_574 = arith.constant 0 : i32
      %swap3A_575 = arith.index_cast %swap3A_574 : i32 to index
      %swap3A_576 = arith.index_cast %scan3A_462 : i32 to index
      %swap3A_577 = arith.constant 80 : index
      %swap3A_578 = tpu.vector_load %arg19[%swap3A_575, %swap3A_576, %swap3A_577] {strides = array<i32>} : memref<3x128x128xf32, #tpu.memory_space<vmem>>, vector<1x1x16xf32>,
      %swap3A_579 = vector.shape_cast %swap3A_578 : vector<1x1x16xf32> to vector<16xf32>
      %swap3A_580 = vector.shape_cast %mul3A_573 : vector<16xf32> to vector<1x1x16xf32>
      tpu.vector_store %arg19[%swap3A_575, %swap3A_576, %swap3A_577], %swap3A_580 {strides = array<i32>} : memref<3x128x128xf32, #tpu.memory_space<vmem>>, vector<1x1x16xf32>,
      %get3A_581 = arith.constant 0 : i32
      %get3A_582 = arith.index_cast %get3A_581 : i32 to index
      %get3A_583 = arith.index_cast %scan3A_462 : i32 to index
      %get3A_584 = arith.constant 96 : index
      %get3A_585 = tpu.vector_load %arg19[%get3A_582, %get3A_583, %get3A_584] {strides = array<i32>} : memref<3x128x128xf32, #tpu.memory_space<vmem>>, vector<1x1x16xf32>,
      %get3A_586 = vector.shape_cast %get3A_585 : vector<1x1x16xf32> to vector<16xf32>
      %get3A_587 = arith.constant 0 : i32
      %get3A_588 = arith.index_cast %get3A_587 : i32 to index
      %get3A_589 = arith.index_cast %scan3A_462 : i32 to index
      %get3A_590 = arith.constant 96 : index
      %get3A_591 = tpu.vector_load %arg20[%get3A_588, %get3A_589, %get3A_590] {strides = array<i32>} : memref<3x128x128xf32, #tpu.memory_space<vmem>>, vector<1x1x16xf32>,
      %get3A_592 = vector.shape_cast %get3A_591 : vector<1x1x16xf32> to vector<16xf32>
      %mul3A_593 = arith.mulf %get3A_586, %get3A_592 : vector<16xf32>
      %swap3A_594 = arith.constant 0 : i32
      %swap3A_595 = arith.index_cast %swap3A_594 : i32 to index
      %swap3A_596 = arith.index_cast %scan3A_462 : i32 to index
      %swap3A_597 = arith.constant 96 : index
      %swap3A_598 = tpu.vector_load %arg19[%swap3A_595, %swap3A_596, %swap3A_597] {strides = array<i32>} : memref<3x128x128xf32, #tpu.memory_space<vmem>>, vector<1x1x16xf32>,
      %swap3A_599 = vector.shape_cast %swap3A_598 : vector<1x1x16xf32> to vector<16xf32>
      %swap3A_600 = vector.shape_cast %mul3A_593 : vector<16xf32> to vector<1x1x16xf32>
      tpu.vector_store %arg19[%swap3A_595, %swap3A_596, %swap3A_597], %swap3A_600 {strides = array<i32>} : memref<3x128x128xf32, #tpu.memory_space<vmem>>, vector<1x1x16xf32>,
      %get3A_601 = arith.constant 0 : i32
      %get3A_602 = arith.index_cast %get3A_601 : i32 to index
      %get3A_603 = arith.index_cast %scan3A_462 : i32 to index
      %get3A_604 = arith.constant 112 : index
      %get3A_605 = tpu.vector_load %arg19[%get3A_602, %get3A_603, %get3A_604] {strides = array<i32>} : memref<3x128x128xf32, #tpu.memory_space<vmem>>, vector<1x1x16xf32>,
      %get3A_606 = vector.shape_cast %get3A_605 : vector<1x1x16xf32> to vector<16xf32>
      %get3A_607 = arith.constant 0 : i32
      %get3A_608 = arith.index_cast %get3A_607 : i32 to index
      %get3A_609 = arith.index_cast %scan3A_462 : i32 to index
      %get3A_610 = arith.constant 112 : index
      %get3A_611 = tpu.vector_load %arg20[%get3A_608, %get3A_609, %get3A_610] {strides = array<i32>} : memref<3x128x128xf32, #tpu.memory_space<vmem>>, vector<1x1x16xf32>,
      %get3A_612 = vector.shape_cast %get3A_611 : vector<1x1x16xf32> to vector<16xf32>
      %mul3A_613 = arith.mulf %get3A_606, %get3A_612 : vector<16xf32>
      %swap3A_614 = arith.constant 0 : i32
      %swap3A_615 = arith.index_cast %swap3A_614 : i32 to index
      %swap3A_616 = arith.index_cast %scan3A_462 : i32 to index
      %swap3A_617 = arith.constant 112 : index
      %swap3A_618 = tpu.vector_load %arg19[%swap3A_615, %swap3A_616, %swap3A_617] {strides = array<i32>} : memref<3x128x128xf32, #tpu.memory_space<vmem>>, vector<1x1x16xf32>,
      %swap3A_619 = vector.shape_cast %swap3A_618 : vector<1x1x16xf32> to vector<16xf32>
      %swap3A_620 = vector.shape_cast %mul3A_613 : vector<16xf32> to vector<1x1x16xf32>
      tpu.vector_store %arg19[%swap3A_615, %swap3A_616, %swap3A_617], %swap3A_620 {strides = array<i32>} : memref<3x128x128xf32, #tpu.memory_space<vmem>>, vector<1x1x16xf32>,
    }
    %scan3A_325 = arith.constant 128 : i32
    %add3A_326 = arith.constant 384 : i32
    %add3A_327 = arith.addi %mul3A_2, %add3A_326 : i32
    %dma_start3A_328 = arith.constant 0 : i32
    %dma_start3A_329 = arith.constant 0 : i32
    %dma_start3A_330 = arith.constant 0 : i32
    %dma_start3A_331 = tpu.memref_slice %arg19[%dma_start3A_328, %dma_start3A_329, %dma_start3A_330] : memref<3x128x128xf32, #tpu.memory_space<vmem>> -> memref<1x128x128xf32, #tpu.memory_space<vmem>>
    %dma_start3A_332 = tpu.memref_squeeze %dma_start3A_331 : memref<1x128x128xf32, #tpu.memory_space<vmem>> -> memref<128x128xf32, #tpu.memory_space<vmem>>
    %dma_start3A_333 = arith.constant 0 : i32
    %dma_start3A_334 = tpu.memref_slice %arg10[%add3A_327, %dma_start3A_333] : memref<16384x128xf32, #tpu.memory_space<hbm>> -> memref<128x128xf32, #tpu.memory_space<hbm>>
    %dma_start3A_335 = arith.constant 0 : i32
    %dma_start3A_336 = tpu.memref_slice %arg10[%add3A_327, %dma_start3A_335] : memref<16384x128xf32, #tpu.memory_space<hbm>> -> memref<128x128xf32, #tpu.memory_space<hbm>>
    %dma_start3A_337 = arith.constant 0 : i32
    %dma_start3A_338 = arith.constant 0 : i32
    %dma_start3A_339 = tpu.memref_slice %arg19[%dma_start3A_328, %dma_start3A_337, %dma_start3A_338] : memref<3x128x128xf32, #tpu.memory_space<vmem>> -> memref<1x128x128xf32, #tpu.memory_space<vmem>>
    %dma_start3A_340 = tpu.memref_squeeze %dma_start3A_339 : memref<1x128x128xf32, #tpu.memory_space<vmem>> -> memref<128x128xf32, #tpu.memory_space<vmem>>
    tpu.enqueue_dma source(%dma_start3A_340 : memref<128x128xf32, #tpu.memory_space<vmem>>) target(%dma_start3A_336 : memref<128x128xf32, #tpu.memory_space<hbm>>) target_semaphore(%arg24 : memref<!tpu.dma_semaphore, #tpu.memory_space<semaphore_mem>>)
    %dma_wait3A_341 = arith.constant 0 : i32
    %dma_wait3A_342 = tpu.memref_slice %arg15[%dma_wait3A_341] : memref<512xf32, #tpu.memory_space<vmem>> -> memref<128xf32, #tpu.memory_space<vmem>>
    %dma_wait3A_343 = arith.constant 0 : i32
    %dma_wait3A_344 = tpu.memref_slice %arg12[%dma_wait3A_343] : memref<512xi32, #tpu.memory_space<vmem>> -> memref<128xi32, #tpu.memory_space<vmem>>
    %dma_wait3A_345 = arith.constant 0 : i32
    %dma_wait3A_346 = tpu.memref_slice %arg7[%dma_wait3A_345] : memref<100000xf32, #tpu.memory_space<hbm>> -> memref<100000xf32, #tpu.memory_space<hbm>>
    tpu.wait_indirect_dma semaphore(%arg23 : memref<!tpu.dma_semaphore, #tpu.memory_space<semaphore_mem>>) src(%dma_wait3A_346 : memref<100000xf32, #tpu.memory_space<hbm>>) dst(%dma_wait3A_342 : memref<128xf32, #tpu.memory_space<vmem>>)
    %dma_wait3A_347 = arith.constant 0 : i32
    %dma_wait3A_348 = tpu.memref_slice %arg16[%dma_wait3A_347] : memref<512xf32, #tpu.memory_space<vmem>> -> memref<128xf32, #tpu.memory_space<vmem>>
    %dma_wait3A_349 = arith.constant 0 : i32
    %dma_wait3A_350 = tpu.memref_slice %arg12[%dma_wait3A_349] : memref<512xi32, #tpu.memory_space<vmem>> -> memref<128xi32, #tpu.memory_space<vmem>>
    %dma_wait3A_351 = arith.constant 0 : i32
    %dma_wait3A_352 = tpu.memref_slice %arg8[%dma_wait3A_351] : memref<100000xf32, #tpu.memory_space<hbm>> -> memref<100000xf32, #tpu.memory_space<hbm>>
    tpu.wait_indirect_dma semaphore(%arg23 : memref<!tpu.dma_semaphore, #tpu.memory_space<semaphore_mem>>) src(%dma_wait3A_352 : memref<100000xf32, #tpu.memory_space<hbm>>) dst(%dma_wait3A_348 : memref<128xf32, #tpu.memory_space<vmem>>)
    %dma_wait3A_353 = arith.constant 0 : i32
    %dma_wait3A_354 = tpu.memref_slice %arg17[%dma_wait3A_353] : memref<512xf32, #tpu.memory_space<vmem>> -> memref<128xf32, #tpu.memory_space<vmem>>
    %dma_wait3A_355 = arith.constant 0 : i32
    %dma_wait3A_356 = tpu.memref_slice %arg12[%dma_wait3A_355] : memref<512xi32, #tpu.memory_space<vmem>> -> memref<128xi32, #tpu.memory_space<vmem>>
    %dma_wait3A_357 = arith.constant 0 : i32
    %dma_wait3A_358 = tpu.memref_slice %arg9[%dma_wait3A_357] : memref<100000xf32, #tpu.memory_space<hbm>> -> memref<100000xf32, #tpu.memory_space<hbm>>
    tpu.wait_indirect_dma semaphore(%arg23 : memref<!tpu.dma_semaphore, #tpu.memory_space<semaphore_mem>>) src(%dma_wait3A_358 : memref<100000xf32, #tpu.memory_space<hbm>>) dst(%dma_wait3A_354 : memref<128xf32, #tpu.memory_space<vmem>>)
    %dma_wait3A_359 = arith.constant 128 : i32
    %dma_wait3A_360 = tpu.memref_slice %arg15[%dma_wait3A_359] : memref<512xf32, #tpu.memory_space<vmem>> -> memref<128xf32, #tpu.memory_space<vmem>>
    %dma_wait3A_361 = arith.constant 128 : i32
    %dma_wait3A_362 = tpu.memref_slice %arg12[%dma_wait3A_361] : memref<512xi32, #tpu.memory_space<vmem>> -> memref<128xi32, #tpu.memory_space<vmem>>
    %dma_wait3A_363 = arith.constant 0 : i32
    %dma_wait3A_364 = tpu.memref_slice %arg7[%dma_wait3A_363] : memref<100000xf32, #tpu.memory_space<hbm>> -> memref<100000xf32, #tpu.memory_space<hbm>>
    tpu.wait_indirect_dma semaphore(%arg23 : memref<!tpu.dma_semaphore, #tpu.memory_space<semaphore_mem>>) src(%dma_wait3A_364 : memref<100000xf32, #tpu.memory_space<hbm>>) dst(%dma_wait3A_360 : memref<128xf32, #tpu.memory_space<vmem>>)
    %dma_wait3A_365 = arith.constant 128 : i32
    %dma_wait3A_366 = tpu.memref_slice %arg16[%dma_wait3A_365] : memref<512xf32, #tpu.memory_space<vmem>> -> memref<128xf32, #tpu.memory_space<vmem>>
    %dma_wait3A_367 = arith.constant 128 : i32
    %dma_wait3A_368 = tpu.memref_slice %arg12[%dma_wait3A_367] : memref<512xi32, #tpu.memory_space<vmem>> -> memref<128xi32, #tpu.memory_space<vmem>>
    %dma_wait3A_369 = arith.constant 0 : i32
    %dma_wait3A_370 = tpu.memref_slice %arg8[%dma_wait3A_369] : memref<100000xf32, #tpu.memory_space<hbm>> -> memref<100000xf32, #tpu.memory_space<hbm>>
    tpu.wait_indirect_dma semaphore(%arg23 : memref<!tpu.dma_semaphore, #tpu.memory_space<semaphore_mem>>) src(%dma_wait3A_370 : memref<100000xf32, #tpu.memory_space<hbm>>) dst(%dma_wait3A_366 : memref<128xf32, #tpu.memory_space<vmem>>)
    %dma_wait3A_371 = arith.constant 128 : i32
    %dma_wait3A_372 = tpu.memref_slice %arg17[%dma_wait3A_371] : memref<512xf32, #tpu.memory_space<vmem>> -> memref<128xf32, #tpu.memory_space<vmem>>
    %dma_wait3A_373 = arith.constant 128 : i32
    %dma_wait3A_374 = tpu.memref_slice %arg12[%dma_wait3A_373] : memref<512xi32, #tpu.memory_space<vmem>> -> memref<128xi32, #tpu.memory_space<vmem>>
    %dma_wait3A_375 = arith.constant 0 : i32
    %dma_wait3A_376 = tpu.memref_slice %arg9[%dma_wait3A_375] : memref<100000xf32, #tpu.memory_space<hbm>> -> memref<100000xf32, #tpu.memory_space<hbm>>
    tpu.wait_indirect_dma semaphore(%arg23 : memref<!tpu.dma_semaphore, #tpu.memory_space<semaphore_mem>>) src(%dma_wait3A_376 : memref<100000xf32, #tpu.memory_space<hbm>>) dst(%dma_wait3A_372 : memref<128xf32, #tpu.memory_space<vmem>>)
    %dma_wait3A_377 = arith.constant 256 : i32
    %dma_wait3A_378 = tpu.memref_slice %arg15[%dma_wait3A_377] : memref<512xf32, #tpu.memory_space<vmem>> -> memref<128xf32, #tpu.memory_space<vmem>>
    %dma_wait3A_379 = arith.constant 256 : i32
    %dma_wait3A_380 = tpu.memref_slice %arg12[%dma_wait3A_379] : memref<512xi32, #tpu.memory_space<vmem>> -> memref<128xi32, #tpu.memory_space<vmem>>
    %dma_wait3A_381 = arith.constant 0 : i32
    %dma_wait3A_382 = tpu.memref_slice %arg7[%dma_wait3A_381] : memref<100000xf32, #tpu.memory_space<hbm>> -> memref<100000xf32, #tpu.memory_space<hbm>>
    tpu.wait_indirect_dma semaphore(%arg23 : memref<!tpu.dma_semaphore, #tpu.memory_space<semaphore_mem>>) src(%dma_wait3A_382 : memref<100000xf32, #tpu.memory_space<hbm>>) dst(%dma_wait3A_378 : memref<128xf32, #tpu.memory_space<vmem>>)
    %dma_wait3A_383 = arith.constant 256 : i32
    %dma_wait3A_384 = tpu.memref_slice %arg16[%dma_wait3A_383] : memref<512xf32, #tpu.memory_space<vmem>> -> memref<128xf32, #tpu.memory_space<vmem>>
    %dma_wait3A_385 = arith.constant 256 : i32
    %dma_wait3A_386 = tpu.memref_slice %arg12[%dma_wait3A_385] : memref<512xi32, #tpu.memory_space<vmem>> -> memref<128xi32, #tpu.memory_space<vmem>>
    %dma_wait3A_387 = arith.constant 0 : i32
    %dma_wait3A_388 = tpu.memref_slice %arg8[%dma_wait3A_387] : memref<100000xf32, #tpu.memory_space<hbm>> -> memref<100000xf32, #tpu.memory_space<hbm>>
    tpu.wait_indirect_dma semaphore(%arg23 : memref<!tpu.dma_semaphore, #tpu.memory_space<semaphore_mem>>) src(%dma_wait3A_388 : memref<100000xf32, #tpu.memory_space<hbm>>) dst(%dma_wait3A_384 : memref<128xf32, #tpu.memory_space<vmem>>)
    %dma_wait3A_389 = arith.constant 256 : i32
    %dma_wait3A_390 = tpu.memref_slice %arg17[%dma_wait3A_389] : memref<512xf32, #tpu.memory_space<vmem>> -> memref<128xf32, #tpu.memory_space<vmem>>
    %dma_wait3A_391 = arith.constant 256 : i32
    %dma_wait3A_392 = tpu.memref_slice %arg12[%dma_wait3A_391] : memref<512xi32, #tpu.memory_space<vmem>> -> memref<128xi32, #tpu.memory_space<vmem>>
    %dma_wait3A_393 = arith.constant 0 : i32
    %dma_wait3A_394 = tpu.memref_slice %arg9[%dma_wait3A_393] : memref<100000xf32, #tpu.memory_space<hbm>> -> memref<100000xf32, #tpu.memory_space<hbm>>
    tpu.wait_indirect_dma semaphore(%arg23 : memref<!tpu.dma_semaphore, #tpu.memory_space<semaphore_mem>>) src(%dma_wait3A_394 : memref<100000xf32, #tpu.memory_space<hbm>>) dst(%dma_wait3A_390 : memref<128xf32, #tpu.memory_space<vmem>>)
    %dma_wait3A_395 = arith.constant 384 : i32
    %dma_wait3A_396 = tpu.memref_slice %arg15[%dma_wait3A_395] : memref<512xf32, #tpu.memory_space<vmem>> -> memref<128xf32, #tpu.memory_space<vmem>>
    %dma_wait3A_397 = arith.constant 384 : i32
    %dma_wait3A_398 = tpu.memref_slice %arg12[%dma_wait3A_397] : memref<512xi32, #tpu.memory_space<vmem>> -> memref<128xi32, #tpu.memory_space<vmem>>
    %dma_wait3A_399 = arith.constant 0 : i32
    %dma_wait3A_400 = tpu.memref_slice %arg7[%dma_wait3A_399] : memref<100000xf32, #tpu.memory_space<hbm>> -> memref<100000xf32, #tpu.memory_space<hbm>>
    tpu.wait_indirect_dma semaphore(%arg23 : memref<!tpu.dma_semaphore, #tpu.memory_space<semaphore_mem>>) src(%dma_wait3A_400 : memref<100000xf32, #tpu.memory_space<hbm>>) dst(%dma_wait3A_396 : memref<128xf32, #tpu.memory_space<vmem>>)
    %dma_wait3A_401 = arith.constant 384 : i32
    %dma_wait3A_402 = tpu.memref_slice %arg16[%dma_wait3A_401] : memref<512xf32, #tpu.memory_space<vmem>> -> memref<128xf32, #tpu.memory_space<vmem>>
    %dma_wait3A_403 = arith.constant 384 : i32
    %dma_wait3A_404 = tpu.memref_slice %arg12[%dma_wait3A_403] : memref<512xi32, #tpu.memory_space<vmem>> -> memref<128xi32, #tpu.memory_space<vmem>>
    %dma_wait3A_405 = arith.constant 0 : i32
    %dma_wait3A_406 = tpu.memref_slice %arg8[%dma_wait3A_405] : memref<100000xf32, #tpu.memory_space<hbm>> -> memref<100000xf32, #tpu.memory_space<hbm>>
    tpu.wait_indirect_dma semaphore(%arg23 : memref<!tpu.dma_semaphore, #tpu.memory_space<semaphore_mem>>) src(%dma_wait3A_406 : memref<100000xf32, #tpu.memory_space<hbm>>) dst(%dma_wait3A_402 : memref<128xf32, #tpu.memory_space<vmem>>)
    %dma_wait3A_407 = arith.constant 384 : i32
    %dma_wait3A_408 = tpu.memref_slice %arg17[%dma_wait3A_407] : memref<512xf32, #tpu.memory_space<vmem>> -> memref<128xf32, #tpu.memory_space<vmem>>
    %dma_wait3A_409 = arith.constant 384 : i32
    %dma_wait3A_410 = tpu.memref_slice %arg12[%dma_wait3A_409] : memref<512xi32, #tpu.memory_space<vmem>> -> memref<128xi32, #tpu.memory_space<vmem>>
    %dma_wait3A_411 = arith.constant 0 : i32
    %dma_wait3A_412 = tpu.memref_slice %arg9[%dma_wait3A_411] : memref<100000xf32, #tpu.memory_space<hbm>> -> memref<100000xf32, #tpu.memory_space<hbm>>
    tpu.wait_indirect_dma semaphore(%arg23 : memref<!tpu.dma_semaphore, #tpu.memory_space<semaphore_mem>>) src(%dma_wait3A_412 : memref<100000xf32, #tpu.memory_space<hbm>>) dst(%dma_wait3A_408 : memref<128xf32, #tpu.memory_space<vmem>>)
    %scan3A_413 = arith.constant 0 : i32
    %scan3A_414 = arith.constant 0 : i32
    %scan3A_415 = arith.constant 32 : i32
    %scan3A_416 = arith.addi %scan3A_414, %scan3A_415 : i32
    %scan3A_417 = arith.constant 1 : i32
    scf.for %scan3A_462 = %scan3A_414 to %scan3A_416 step %scan3A_417  : i32 {
      %mul3A_463 = arith.constant 16 : i32
      %mul3A_464 = arith.muli %scan3A_462, %mul3A_463 : i32
      %get3A = arith.index_cast %mul3A_464 : i32 to index
      %get3A_465 = tpu.vector_load %arg14[%get3A] {strides = array<i32>} : memref<512xi32, #tpu.memory_space<vmem>>, vector<16xi32>,
      %get3A_466 = vector.shape_cast %get3A_465 : vector<16xi32> to vector<16xi32>
      %eq3A = arith.constant 0 : i32
      %eq3A_467 = vector.broadcast %eq3A : i32 to vector<16xi32>
      %eq3A_468 = arith.cmpi eq, %get3A_466, %eq3A_467 : vector<16xi32>
      %get3A_469 = arith.index_cast %mul3A_464 : i32 to index
      %get3A_470 = tpu.vector_load %arg15[%get3A_469] {strides = array<i32>} : memref<512xf32, #tpu.memory_space<vmem>>, vector<16xf32>,
      %get3A_471 = vector.shape_cast %get3A_470 : vector<16xf32> to vector<16xf32>
      %eq3A_472 = arith.constant 1 : i32
      %eq3A_473 = vector.broadcast %eq3A_472 : i32 to vector<16xi32>
      %eq3A_474 = arith.cmpi eq, %get3A_466, %eq3A_473 : vector<16xi32>
      %get3A_475 = arith.index_cast %mul3A_464 : i32 to index
      %get3A_476 = tpu.vector_load %arg16[%get3A_475] {strides = array<i32>} : memref<512xf32, #tpu.memory_space<vmem>>, vector<16xf32>,
      %get3A_477 = vector.shape_cast %get3A_476 : vector<16xf32> to vector<16xf32>
      %get3A_478 = arith.index_cast %mul3A_464 : i32 to index
      %get3A_479 = tpu.vector_load %arg17[%get3A_478] {strides = array<i32>} : memref<512xf32, #tpu.memory_space<vmem>>, vector<16xf32>,
      %get3A_480 = vector.shape_cast %get3A_479 : vector<16xf32> to vector<16xf32>
      %select_n3A = arith.select %eq3A_474, %get3A_477, %get3A_480 : vector<16xi1>, vector<16xf32>
      %select_n3A_481 = arith.select %eq3A_468, %get3A_471, %select_n3A : vector<16xi1>, vector<16xf32>
      %swap3A = arith.index_cast %mul3A_464 : i32 to index
      %swap3A_482 = tpu.vector_load %arg18[%swap3A] {strides = array<i32>} : memref<512xf32, #tpu.memory_space<vmem>>, vector<16xf32>,
      %swap3A_483 = vector.shape_cast %swap3A_482 : vector<16xf32> to vector<16xf32>
      %swap3A_484 = vector.shape_cast %select_n3A_481 : vector<16xf32> to vector<16xf32>
      tpu.vector_store %arg18[%swap3A], %swap3A_484 {strides = array<i32>} : memref<512xf32, #tpu.memory_space<vmem>>, vector<16xf32>,
    }
    %scan3A_418 = arith.constant 32 : i32
    %dma_start3A_419 = tpu.memref_slice %arg11[%mul3A_2] : memref<16384xf32, #tpu.memory_space<hbm>> -> memref<512xf32, #tpu.memory_space<hbm>>
    %dma_start3A_420 = tpu.memref_slice %arg11[%mul3A_2] : memref<16384xf32, #tpu.memory_space<hbm>> -> memref<512xf32, #tpu.memory_space<hbm>>
    tpu.enqueue_dma source(%arg18 : memref<512xf32, #tpu.memory_space<vmem>>) target(%dma_start3A_420 : memref<512xf32, #tpu.memory_space<hbm>>) target_semaphore(%arg27 : memref<!tpu.dma_semaphore, #tpu.memory_space<semaphore_mem>>)
    %dma_wait3A_421 = arith.constant 1 : i32
    %dma_wait3A_422 = arith.constant 0 : i32
    %dma_wait3A_423 = arith.constant 0 : i32
    %dma_wait3A_424 = tpu.memref_slice %arg19[%dma_wait3A_421, %dma_wait3A_422, %dma_wait3A_423] : memref<3x128x128xf32, #tpu.memory_space<vmem>> -> memref<1x128x128xf32, #tpu.memory_space<vmem>>
    %dma_wait3A_425 = tpu.memref_squeeze %dma_wait3A_424 : memref<1x128x128xf32, #tpu.memory_space<vmem>> -> memref<128x128xf32, #tpu.memory_space<vmem>>
    %dma_wait3A_426 = arith.constant 0 : i32
    %dma_wait3A_427 = tpu.memref_slice %arg10[%add3A_245, %dma_wait3A_426] : memref<16384x128xf32, #tpu.memory_space<hbm>> -> memref<128x128xf32, #tpu.memory_space<hbm>>
    %dma_wait3A_428 = arith.constant 0 : i32
    %dma_wait3A_429 = tpu.memref_slice %arg10[%add3A_245, %dma_wait3A_428] : memref<16384x128xf32, #tpu.memory_space<hbm>> -> memref<128x128xf32, #tpu.memory_space<hbm>>
    %dma_wait3A_430 = arith.constant 0 : i32
    %dma_wait3A_431 = arith.constant 0 : i32
    %dma_wait3A_432 = tpu.memref_slice %arg19[%dma_wait3A_421, %dma_wait3A_430, %dma_wait3A_431] : memref<3x128x128xf32, #tpu.memory_space<vmem>> -> memref<1x128x128xf32, #tpu.memory_space<vmem>>
    %dma_wait3A_433 = tpu.memref_squeeze %dma_wait3A_432 : memref<1x128x128xf32, #tpu.memory_space<vmem>> -> memref<128x128xf32, #tpu.memory_space<vmem>>
    tpu.wait_dma2 semaphore(%arg25 : memref<!tpu.dma_semaphore, #tpu.memory_space<semaphore_mem>>) src(%dma_wait3A_433 : memref<128x128xf32, #tpu.memory_space<vmem>>) dst(%dma_wait3A_429 : memref<128x128xf32, #tpu.memory_space<hbm>>)
    %dma_wait3A_434 = arith.constant 2 : i32
    %dma_wait3A_435 = arith.constant 0 : i32
    %dma_wait3A_436 = arith.constant 0 : i32
    %dma_wait3A_437 = tpu.memref_slice %arg19[%dma_wait3A_434, %dma_wait3A_435, %dma_wait3A_436] : memref<3x128x128xf32, #tpu.memory_space<vmem>> -> memref<1x128x128xf32, #tpu.memory_space<vmem>>
    %dma_wait3A_438 = tpu.memref_squeeze %dma_wait3A_437 : memref<1x128x128xf32, #tpu.memory_space<vmem>> -> memref<128x128xf32, #tpu.memory_space<vmem>>
    %dma_wait3A_439 = arith.constant 0 : i32
    %dma_wait3A_440 = tpu.memref_slice %arg10[%add3A_286, %dma_wait3A_439] : memref<16384x128xf32, #tpu.memory_space<hbm>> -> memref<128x128xf32, #tpu.memory_space<hbm>>
    %dma_wait3A_441 = arith.constant 0 : i32
    %dma_wait3A_442 = tpu.memref_slice %arg10[%add3A_286, %dma_wait3A_441] : memref<16384x128xf32, #tpu.memory_space<hbm>> -> memref<128x128xf32, #tpu.memory_space<hbm>>
    %dma_wait3A_443 = arith.constant 0 : i32
    %dma_wait3A_444 = arith.constant 0 : i32
    %dma_wait3A_445 = tpu.memref_slice %arg19[%dma_wait3A_434, %dma_wait3A_443, %dma_wait3A_444] : memref<3x128x128xf32, #tpu.memory_space<vmem>> -> memref<1x128x128xf32, #tpu.memory_space<vmem>>
    %dma_wait3A_446 = tpu.memref_squeeze %dma_wait3A_445 : memref<1x128x128xf32, #tpu.memory_space<vmem>> -> memref<128x128xf32, #tpu.memory_space<vmem>>
    tpu.wait_dma2 semaphore(%arg26 : memref<!tpu.dma_semaphore, #tpu.memory_space<semaphore_mem>>) src(%dma_wait3A_446 : memref<128x128xf32, #tpu.memory_space<vmem>>) dst(%dma_wait3A_442 : memref<128x128xf32, #tpu.memory_space<hbm>>)
    %dma_wait3A_447 = arith.constant 0 : i32
    %dma_wait3A_448 = arith.constant 0 : i32
    %dma_wait3A_449 = arith.constant 0 : i32
    %dma_wait3A_450 = tpu.memref_slice %arg19[%dma_wait3A_447, %dma_wait3A_448, %dma_wait3A_449] : memref<3x128x128xf32, #tpu.memory_space<vmem>> -> memref<1x128x128xf32, #tpu.memory_space<vmem>>
    %dma_wait3A_451 = tpu.memref_squeeze %dma_wait3A_450 : memref<1x128x128xf32, #tpu.memory_space<vmem>> -> memref<128x128xf32, #tpu.memory_space<vmem>>
    %dma_wait3A_452 = arith.constant 0 : i32
    %dma_wait3A_453 = tpu.memref_slice %arg10[%add3A_327, %dma_wait3A_452] : memref<16384x128xf32, #tpu.memory_space<hbm>> -> memref<128x128xf32, #tpu.memory_space<hbm>>
    %dma_wait3A_454 = arith.constant 0 : i32
    %dma_wait3A_455 = tpu.memref_slice %arg10[%add3A_327, %dma_wait3A_454] : memref<16384x128xf32, #tpu.memory_space<hbm>> -> memref<128x128xf32, #tpu.memory_space<hbm>>
    %dma_wait3A_456 = arith.constant 0 : i32
    %dma_wait3A_457 = arith.constant 0 : i32
    %dma_wait3A_458 = tpu.memref_slice %arg19[%dma_wait3A_447, %dma_wait3A_456, %dma_wait3A_457] : memref<3x128x128xf32, #tpu.memory_space<vmem>> -> memref<1x128x128xf32, #tpu.memory_space<vmem>>
    %dma_wait3A_459 = tpu.memref_squeeze %dma_wait3A_458 : memref<1x128x128xf32, #tpu.memory_space<vmem>> -> memref<128x128xf32, #tpu.memory_space<vmem>>
    tpu.wait_dma2 semaphore(%arg24 : memref<!tpu.dma_semaphore, #tpu.memory_space<semaphore_mem>>) src(%dma_wait3A_459 : memref<128x128xf32, #tpu.memory_space<vmem>>) dst(%dma_wait3A_455 : memref<128x128xf32, #tpu.memory_space<hbm>>)
    %dma_wait3A_460 = tpu.memref_slice %arg11[%mul3A_2] : memref<16384xf32, #tpu.memory_space<hbm>> -> memref<512xf32, #tpu.memory_space<hbm>>
    %dma_wait3A_461 = tpu.memref_slice %arg11[%mul3A_2] : memref<16384xf32, #tpu.memory_space<hbm>> -> memref<512xf32, #tpu.memory_space<hbm>>
    tpu.wait_dma2 semaphore(%arg27 : memref<!tpu.dma_semaphore, #tpu.memory_space<semaphore_mem>>) src(%arg18 : memref<512xf32, #tpu.memory_space<vmem>>) dst(%dma_wait3A_461 : memref<512xf32, #tpu.memory_space<hbm>>)
    return
  }
}

module attributes {stable_mosaic.version = 14 : i64} {
  func.func @_tc_mlp_body(%arg0: i32, %arg1: memref<8192x128xf32, #tpu.memory_space<vmem>>, %arg2: memref<8192xi32, #tpu.memory_space<vmem>>, %arg3: memref<8192xf32, #tpu.memory_space<vmem>>, %arg4: memref<3x10xf32, #tpu.memory_space<vmem>>, %arg5: memref<2x10xf32, #tpu.memory_space<vmem>>, %arg6: memref<20x10xf32, #tpu.memory_space<vmem>>, %arg7: memref<128x64xf32, #tpu.memory_space<vmem>>, %arg8: memref<30x64xf32, #tpu.memory_space<vmem>>, %arg9: memref<1x64xf32, #tpu.memory_space<vmem>>, %arg10: memref<64x1xf32, #tpu.memory_space<vmem>>, %arg11: memref<1x1xf32, #tpu.memory_space<vmem>>, %arg12: memref<8192xf32, #tpu.memory_space<vmem>>) attributes {dimension_semantics = [#tpu.dimension_semantics<arbitrary>], iteration_bounds = array<i64: 2>, scalar_prefetch = 0 : i64, scratch_operands = 0 : i64, tpu.core_type = #tpu.core_type<tc>, window_params = [{transform_indices = @transform_0, window_bounds = array<i64: 8192, 128>}, {transform_indices = @transform_1, window_bounds = array<i64: 8192>}, {transform_indices = @transform_2, window_bounds = array<i64: 8192>}, {pipeline_mode = #tpu.pipeline_mode<synchronous>, transform_indices = @transform_3, window_bounds = array<i64: 3, 10>}, {pipeline_mode = #tpu.pipeline_mode<synchronous>, transform_indices = @transform_4, window_bounds = array<i64: 2, 10>}, {pipeline_mode = #tpu.pipeline_mode<synchronous>, transform_indices = @transform_5, window_bounds = array<i64: 20, 10>}, {pipeline_mode = #tpu.pipeline_mode<synchronous>, transform_indices = @transform_6, window_bounds = array<i64: 128, 64>}, {pipeline_mode = #tpu.pipeline_mode<synchronous>, transform_indices = @transform_7, window_bounds = array<i64: 30, 64>}, {pipeline_mode = #tpu.pipeline_mode<synchronous>, transform_indices = @transform_8, window_bounds = array<i64: 1, 64>}, {pipeline_mode = #tpu.pipeline_mode<synchronous>, transform_indices = @transform_9, window_bounds = array<i64: 64, 1>}, {pipeline_mode = #tpu.pipeline_mode<synchronous>, transform_indices = @transform_10, window_bounds = array<i64: 1, 1>}, {transform_indices = @transform_11, window_bounds = array<i64: 8192>}]} {
    %get3A = arith.constant 0 : index
    %get3A_0 = arith.constant 0 : index
    %get3A_1 = vector.load %arg1[%get3A, %get3A_0] : memref<8192x128xf32, #tpu.memory_space<vmem>>, vector<8192x128xf32>
    %get3A_2 = arith.constant 0 : index
    %get3A_3 = arith.constant 0 : index
    %get3A_4 = vector.load %arg8[%get3A_2, %get3A_3] : memref<30x64xf32, #tpu.memory_space<vmem>>, vector<30x64xf32>
    %get3A_5 = arith.constant 0 : index
    %get3A_6 = arith.constant 0 : index
    %get3A_7 = vector.load %arg4[%get3A_5, %get3A_6] : memref<3x10xf32, #tpu.memory_space<vmem>>, vector<3x10xf32>
    %slice3A = vector.extract_strided_slice %get3A_4 {offsets = [0, 0], sizes = [10, 64], strides = [1, 1]} : vector<30x64xf32> to vector<10x64xf32>
    %dot_general3A = arith.constant dense<0.000000e+00> : vector<3x64xf32>
    %dot_general3A_8 = tpu.matmul %get3A_7, %slice3A, %dot_general3A {dimension_numbers = #tpu.dot_dimension_numbers<[1], [0], [0], [1], [0, 0, 1, 1], [], []>, transpose_lhs_hint = false} : vector<3x10xf32>, vector<10x64xf32>, vector<3x64xf32> -> vector<3x64xf32>
    %get3A_9 = arith.constant 0 : index
    %get3A_10 = arith.constant 0 : index
    %get3A_11 = vector.load %arg5[%get3A_9, %get3A_10] : memref<2x10xf32, #tpu.memory_space<vmem>>, vector<2x10xf32>
    %slice3A_12 = vector.extract_strided_slice %get3A_4 {offsets = [10, 0], sizes = [10, 64], strides = [1, 1]} : vector<30x64xf32> to vector<10x64xf32>
    %dot_general3A_13 = arith.constant dense<0.000000e+00> : vector<2x64xf32>
    %dot_general3A_14 = tpu.matmul %get3A_11, %slice3A_12, %dot_general3A_13 {dimension_numbers = #tpu.dot_dimension_numbers<[1], [0], [0], [1], [0, 0, 1, 1], [], []>, transpose_lhs_hint = false} : vector<2x10xf32>, vector<10x64xf32>, vector<2x64xf32> -> vector<2x64xf32>
    %get3A_15 = arith.constant 0 : index
    %get3A_16 = arith.constant 0 : index
    %get3A_17 = vector.load %arg6[%get3A_15, %get3A_16] : memref<20x10xf32, #tpu.memory_space<vmem>>, vector<20x10xf32>
    %slice3A_18 = vector.extract_strided_slice %get3A_4 {offsets = [20, 0], sizes = [10, 64], strides = [1, 1]} : vector<30x64xf32> to vector<10x64xf32>
    %dot_general3A_19 = arith.constant dense<0.000000e+00> : vector<20x64xf32>
    %dot_general3A_20 = tpu.matmul %get3A_17, %slice3A_18, %dot_general3A_19 {dimension_numbers = #tpu.dot_dimension_numbers<[1], [0], [0], [1], [0, 0, 1, 1], [], []>, transpose_lhs_hint = false} : vector<20x10xf32>, vector<10x64xf32>, vector<20x64xf32> -> vector<20x64xf32>
    %iota3A = tpu.iota {dimensions = array<i32: 0>} : vector<120x1xi32>
    %jit3A = arith.constant 3 : i32
    %eq3A = arith.constant 0 : i32
    %eq3A_21 = arith.cmpi eq, %jit3A, %eq3A : i32
    %jit3A_22 = arith.constant 1 : i32
    %select_n3A = arith.select %eq3A_21, %jit3A_22, %jit3A : i32
    %rem3A = vector.broadcast %select_n3A : i32 to vector<120x1xi32>
    %rem3A_23 = arith.remsi %iota3A, %rem3A : vector<120x1xi32>
    %ne3A = arith.constant 0 : i32
    %ne3A_24 = vector.broadcast %ne3A : i32 to vector<120x1xi32>
    %ne3A_25 = arith.cmpi ne, %rem3A_23, %ne3A_24 : vector<120x1xi32>
    %lt3A = arith.constant 0 : i32
    %lt3A_26 = vector.broadcast %lt3A : i32 to vector<120x1xi32>
    %lt3A_27 = arith.cmpi slt, %rem3A_23, %lt3A_26 : vector<120x1xi32>
    %lt3A_28 = arith.constant 0 : i32
    %lt3A_29 = arith.cmpi slt, %select_n3A, %lt3A_28 : i32
    %ne3A_30 = vector.broadcast %lt3A_29 : i1 to vector<120x1xi1>
    %ne3A_31 = vector.broadcast %ne3A_30 : vector<120x1xi1> to vector<120x1xi1>
    %ne3A_32 = arith.xori %lt3A_27, %ne3A_31 : vector<120x1xi1>
    %and3A = arith.andi %ne3A_32, %ne3A_25 : vector<120x1xi1>
    %add3A = vector.broadcast %select_n3A : i32 to vector<120x1xi32>
    %add3A_33 = arith.addi %rem3A_23, %add3A : vector<120x1xi32>
    %select_n3A_34 = arith.select %and3A, %add3A_33, %rem3A_23 : vector<120x1xi1>, vector<120x1xi32>
    %iota3A_35 = tpu.iota {dimensions = array<i32: 1>} : vector<120x3xi32>
    %eq3A_36 = vector.broadcast %select_n3A_34 : vector<120x1xi32> to vector<120x3xi32>
    %eq3A_37 = arith.cmpi eq, %eq3A_36, %iota3A_35 : vector<120x3xi32>
    %convert_element_type3A = arith.extui %eq3A_37 : vector<120x3xi1> to vector<120x3xi32>
    %convert_element_type3A_38 = arith.sitofp %convert_element_type3A : vector<120x3xi32> to vector<120x3xf32>
    %jit3A_39 = arith.constant 3 : i32
    %div3A = vector.broadcast %jit3A_39 : i32 to vector<120x1xi32>
    %div3A_40 = arith.divsi %iota3A, %div3A : vector<120x1xi32>
    %sign3A = arith.constant 0 : i32
    %sign3A_41 = vector.broadcast %sign3A : i32 to vector<120x1xi32>
    %sign3A_42 = arith.cmpi sgt, %iota3A, %sign3A_41 : vector<120x1xi32>
    %sign3A_43 = arith.extui %sign3A_42 : vector<120x1xi1> to vector<120x1xi32>
    %sign3A_44 = arith.constant 0 : i32
    %sign3A_45 = vector.broadcast %sign3A_44 : i32 to vector<120x1xi32>
    %sign3A_46 = arith.cmpi slt, %iota3A, %sign3A_45 : vector<120x1xi32>
    %sign3A_47 = arith.extui %sign3A_46 : vector<120x1xi1> to vector<120x1xi32>
    %sign3A_48 = arith.subi %sign3A_43, %sign3A_47 : vector<120x1xi32>
    %sign3A_49 = arith.constant 0 : i32
    %sign3A_50 = arith.cmpi sgt, %jit3A_39, %sign3A_49 : i32
    %sign3A_51 = arith.extui %sign3A_50 : i1 to i32
    %sign3A_52 = arith.constant 0 : i32
    %sign3A_53 = arith.cmpi slt, %jit3A_39, %sign3A_52 : i32
    %sign3A_54 = arith.extui %sign3A_53 : i1 to i32
    %sign3A_55 = arith.subi %sign3A_51, %sign3A_54 : i32
    %ne3A_56 = vector.broadcast %sign3A_55 : i32 to vector<120x1xi32>
    %ne3A_57 = arith.cmpi ne, %sign3A_48, %ne3A_56 : vector<120x1xi32>
    %rem3A_58 = vector.broadcast %jit3A_39 : i32 to vector<120x1xi32>
    %rem3A_59 = arith.remsi %iota3A, %rem3A_58 : vector<120x1xi32>
    %ne3A_60 = arith.constant 0 : i32
    %ne3A_61 = vector.broadcast %ne3A_60 : i32 to vector<120x1xi32>
    %ne3A_62 = arith.cmpi ne, %rem3A_59, %ne3A_61 : vector<120x1xi32>
    %and3A_63 = arith.andi %ne3A_57, %ne3A_62 : vector<120x1xi1>
    %sub3A = arith.constant 1 : i32
    %sub3A_64 = vector.broadcast %sub3A : i32 to vector<120x1xi32>
    %sub3A_65 = arith.subi %div3A_40, %sub3A_64 : vector<120x1xi32>
    %select_n3A_66 = arith.select %and3A_63, %sub3A_65, %div3A_40 : vector<120x1xi1>, vector<120x1xi32>
    %jit3A_67 = arith.constant 2 : i32
    %eq3A_68 = arith.constant 0 : i32
    %eq3A_69 = arith.cmpi eq, %jit3A_67, %eq3A_68 : i32
    %jit3A_70 = arith.constant 1 : i32
    %select_n3A_71 = arith.select %eq3A_69, %jit3A_70, %jit3A_67 : i32
    %rem3A_72 = vector.broadcast %select_n3A_71 : i32 to vector<120x1xi32>
    %rem3A_73 = arith.remsi %select_n3A_66, %rem3A_72 : vector<120x1xi32>
    %ne3A_74 = arith.constant 0 : i32
    %ne3A_75 = vector.broadcast %ne3A_74 : i32 to vector<120x1xi32>
    %ne3A_76 = arith.cmpi ne, %rem3A_73, %ne3A_75 : vector<120x1xi32>
    %lt3A_77 = arith.constant 0 : i32
    %lt3A_78 = vector.broadcast %lt3A_77 : i32 to vector<120x1xi32>
    %lt3A_79 = arith.cmpi slt, %rem3A_73, %lt3A_78 : vector<120x1xi32>
    %lt3A_80 = arith.constant 0 : i32
    %lt3A_81 = arith.cmpi slt, %select_n3A_71, %lt3A_80 : i32
    %ne3A_82 = vector.broadcast %lt3A_81 : i1 to vector<120x1xi1>
    %ne3A_83 = vector.broadcast %ne3A_82 : vector<120x1xi1> to vector<120x1xi1>
    %ne3A_84 = arith.xori %lt3A_79, %ne3A_83 : vector<120x1xi1>
    %and3A_85 = arith.andi %ne3A_84, %ne3A_76 : vector<120x1xi1>
    %add3A_86 = vector.broadcast %select_n3A_71 : i32 to vector<120x1xi32>
    %add3A_87 = arith.addi %rem3A_73, %add3A_86 : vector<120x1xi32>
    %select_n3A_88 = arith.select %and3A_85, %add3A_87, %rem3A_73 : vector<120x1xi1>, vector<120x1xi32>
    %iota3A_89 = tpu.iota {dimensions = array<i32: 1>} : vector<120x2xi32>
    %eq3A_90 = vector.broadcast %select_n3A_88 : vector<120x1xi32> to vector<120x2xi32>
    %eq3A_91 = arith.cmpi eq, %eq3A_90, %iota3A_89 : vector<120x2xi32>
    %convert_element_type3A_92 = arith.extui %eq3A_91 : vector<120x2xi1> to vector<120x2xi32>
    %convert_element_type3A_93 = arith.sitofp %convert_element_type3A_92 : vector<120x2xi32> to vector<120x2xf32>
    %jit3A_94 = arith.constant 6 : i32
    %div3A_95 = vector.broadcast %jit3A_94 : i32 to vector<120x1xi32>
    %div3A_96 = arith.divsi %iota3A, %div3A_95 : vector<120x1xi32>
    %sign3A_97 = arith.constant 0 : i32
    %sign3A_98 = vector.broadcast %sign3A_97 : i32 to vector<120x1xi32>
    %sign3A_99 = arith.cmpi sgt, %iota3A, %sign3A_98 : vector<120x1xi32>
    %sign3A_100 = arith.extui %sign3A_99 : vector<120x1xi1> to vector<120x1xi32>
    %sign3A_101 = arith.constant 0 : i32
    %sign3A_102 = vector.broadcast %sign3A_101 : i32 to vector<120x1xi32>
    %sign3A_103 = arith.cmpi slt, %iota3A, %sign3A_102 : vector<120x1xi32>
    %sign3A_104 = arith.extui %sign3A_103 : vector<120x1xi1> to vector<120x1xi32>
    %sign3A_105 = arith.subi %sign3A_100, %sign3A_104 : vector<120x1xi32>
    %sign3A_106 = arith.constant 0 : i32
    %sign3A_107 = arith.cmpi sgt, %jit3A_94, %sign3A_106 : i32
    %sign3A_108 = arith.extui %sign3A_107 : i1 to i32
    %sign3A_109 = arith.constant 0 : i32
    %sign3A_110 = arith.cmpi slt, %jit3A_94, %sign3A_109 : i32
    %sign3A_111 = arith.extui %sign3A_110 : i1 to i32
    %sign3A_112 = arith.subi %sign3A_108, %sign3A_111 : i32
    %ne3A_113 = vector.broadcast %sign3A_112 : i32 to vector<120x1xi32>
    %ne3A_114 = arith.cmpi ne, %sign3A_105, %ne3A_113 : vector<120x1xi32>
    %rem3A_115 = vector.broadcast %jit3A_94 : i32 to vector<120x1xi32>
    %rem3A_116 = arith.remsi %iota3A, %rem3A_115 : vector<120x1xi32>
    %ne3A_117 = arith.constant 0 : i32
    %ne3A_118 = vector.broadcast %ne3A_117 : i32 to vector<120x1xi32>
    %ne3A_119 = arith.cmpi ne, %rem3A_116, %ne3A_118 : vector<120x1xi32>
    %and3A_120 = arith.andi %ne3A_114, %ne3A_119 : vector<120x1xi1>
    %sub3A_121 = arith.constant 1 : i32
    %sub3A_122 = vector.broadcast %sub3A_121 : i32 to vector<120x1xi32>
    %sub3A_123 = arith.subi %div3A_96, %sub3A_122 : vector<120x1xi32>
    %select_n3A_124 = arith.select %and3A_120, %sub3A_123, %div3A_96 : vector<120x1xi1>, vector<120x1xi32>
    %iota3A_125 = tpu.iota {dimensions = array<i32: 1>} : vector<120x20xi32>
    %eq3A_126 = vector.broadcast %select_n3A_124 : vector<120x1xi32> to vector<120x20xi32>
    %eq3A_127 = arith.cmpi eq, %eq3A_126, %iota3A_125 : vector<120x20xi32>
    %convert_element_type3A_128 = arith.extui %eq3A_127 : vector<120x20xi1> to vector<120x20xi32>
    %convert_element_type3A_129 = arith.sitofp %convert_element_type3A_128 : vector<120x20xi32> to vector<120x20xf32>
    %dot_general3A_130 = arith.constant dense<0.000000e+00> : vector<120x64xf32>
    %dot_general3A_131 = tpu.matmul %convert_element_type3A_38, %dot_general3A_8, %dot_general3A_130 {dimension_numbers = #tpu.dot_dimension_numbers<[1], [0], [0], [1], [0, 0, 1, 1], [], []>, transpose_lhs_hint = false} : vector<120x3xf32>, vector<3x64xf32>, vector<120x64xf32> -> vector<120x64xf32>
    %dot_general3A_132 = arith.constant dense<0.000000e+00> : vector<120x64xf32>
    %dot_general3A_133 = tpu.matmul %convert_element_type3A_93, %dot_general3A_14, %dot_general3A_132 {dimension_numbers = #tpu.dot_dimension_numbers<[1], [0], [0], [1], [0, 0, 1, 1], [], []>, transpose_lhs_hint = false} : vector<120x2xf32>, vector<2x64xf32>, vector<120x64xf32> -> vector<120x64xf32>
    %add3A_134 = arith.addf %dot_general3A_131, %dot_general3A_133 : vector<120x64xf32>
    %dot_general3A_135 = arith.constant dense<0.000000e+00> : vector<120x64xf32>
    %dot_general3A_136 = tpu.matmul %convert_element_type3A_129, %dot_general3A_20, %dot_general3A_135 {dimension_numbers = #tpu.dot_dimension_numbers<[1], [0], [0], [1], [0, 0, 1, 1], [], []>, transpose_lhs_hint = false} : vector<120x20xf32>, vector<20x64xf32>, vector<120x64xf32> -> vector<120x64xf32>
    %add3A_137 = arith.addf %add3A_134, %dot_general3A_136 : vector<120x64xf32>
    %get3A_138 = arith.constant 0 : index
    %get3A_139 = vector.load %arg2[%get3A_138] : memref<8192xi32, #tpu.memory_space<vmem>>, vector<8192xi32>
    %broadcast_in_dim3A = vector.shape_cast %get3A_139 : vector<8192xi32> to vector<1x8192xi32>
    %broadcast_in_dim3A_140 = vector.broadcast %broadcast_in_dim3A : vector<1x8192xi32> to vector<120x8192xi32>
    %iota3A_141 = tpu.iota {dimensions = array<i32: 0>} : vector<120x8192xi32>
    %eq3A_142 = arith.cmpi eq, %broadcast_in_dim3A_140, %iota3A_141 : vector<120x8192xi32>
    %convert_element_type3A_143 = arith.extui %eq3A_142 : vector<120x8192xi1> to vector<120x8192xi32>
    %convert_element_type3A_144 = arith.sitofp %convert_element_type3A_143 : vector<120x8192xi32> to vector<120x8192xf32>
    %get3A_145 = arith.constant 0 : index
    %get3A_146 = arith.constant 0 : index
    %get3A_147 = vector.load %arg7[%get3A_145, %get3A_146] : memref<128x64xf32, #tpu.memory_space<vmem>>, vector<128x64xf32>
    %dot_general3A_148 = arith.constant dense<0.000000e+00> : vector<8192x64xf32>
    %dot_general3A_149 = tpu.matmul %get3A_1, %get3A_147, %dot_general3A_148 {dimension_numbers = #tpu.dot_dimension_numbers<[1], [0], [0], [1], [0, 0, 1, 1], [], []>, transpose_lhs_hint = false} : vector<8192x128xf32>, vector<128x64xf32>, vector<8192x64xf32> -> vector<8192x64xf32>
    %dot_general3A_150 = arith.constant dense<0.000000e+00> : vector<8192x64xf32>
    %dot_general3A_151 = tpu.matmul %convert_element_type3A_144, %add3A_137, %dot_general3A_150 {dimension_numbers = #tpu.dot_dimension_numbers<[0], [0], [1], [1], [0, 1, 1, 1], [], []>, transpose_lhs_hint = false} : vector<120x8192xf32>, vector<120x64xf32>, vector<8192x64xf32> -> vector<8192x64xf32>
    %add3A_152 = arith.addf %dot_general3A_149, %dot_general3A_151 : vector<8192x64xf32>
    %get3A_153 = arith.constant 0 : index
    %get3A_154 = arith.constant 0 : index
    %get3A_155 = vector.load %arg9[%get3A_153, %get3A_154] : memref<1x64xf32, #tpu.memory_space<vmem>>, vector<1x64xf32>
    %add3A_156 = vector.broadcast %get3A_155 : vector<1x64xf32> to vector<8192x64xf32>
    %add3A_157 = arith.addf %add3A_152, %add3A_156 : vector<8192x64xf32>
    %max3A = arith.constant 0.000000e+00 : f32
    %max3A_158 = vector.broadcast %max3A : f32 to vector<8192x64xf32>
    %max3A_159 = arith.maximumf %add3A_157, %max3A_158 : vector<8192x64xf32>
    %get3A_160 = arith.constant 0 : index
    %get3A_161 = arith.constant 0 : index
    %get3A_162 = vector.load %arg10[%get3A_160, %get3A_161] : memref<64x1xf32, #tpu.memory_space<vmem>>, vector<64x1xf32>
    %slice3A_163 = vector.extract_strided_slice %max3A_159 {offsets = [0, 0], sizes = [128, 64], strides = [1, 1]} : vector<8192x64xf32> to vector<128x64xf32>
    %dot_general3A_164 = arith.constant dense<0.000000e+00> : vector<1x128xf32>
    %dot_general3A_165 = tpu.matmul %get3A_162, %slice3A_163, %dot_general3A_164 {dimension_numbers = #tpu.dot_dimension_numbers<[0], [1], [1], [0], [0, 1, 1, 0], [], []>, transpose_lhs_hint = false} : vector<64x1xf32>, vector<128x64xf32>, vector<1x128xf32> -> vector<1x128xf32>
    %slice3A_166 = vector.extract_strided_slice %max3A_159 {offsets = [128, 0], sizes = [128, 64], strides = [1, 1]} : vector<8192x64xf32> to vector<128x64xf32>
    %dot_general3A_167 = arith.constant dense<0.000000e+00> : vector<1x128xf32>
    %dot_general3A_168 = tpu.matmul %get3A_162, %slice3A_166, %dot_general3A_167 {dimension_numbers = #tpu.dot_dimension_numbers<[0], [1], [1], [0], [0, 1, 1, 0], [], []>, transpose_lhs_hint = false} : vector<64x1xf32>, vector<128x64xf32>, vector<1x128xf32> -> vector<1x128xf32>
    %slice3A_169 = vector.extract_strided_slice %max3A_159 {offsets = [256, 0], sizes = [128, 64], strides = [1, 1]} : vector<8192x64xf32> to vector<128x64xf32>
    %dot_general3A_170 = arith.constant dense<0.000000e+00> : vector<1x128xf32>
    %dot_general3A_171 = tpu.matmul %get3A_162, %slice3A_169, %dot_general3A_170 {dimension_numbers = #tpu.dot_dimension_numbers<[0], [1], [1], [0], [0, 1, 1, 0], [], []>, transpose_lhs_hint = false} : vector<64x1xf32>, vector<128x64xf32>, vector<1x128xf32> -> vector<1x128xf32>
    %slice3A_172 = vector.extract_strided_slice %max3A_159 {offsets = [384, 0], sizes = [128, 64], strides = [1, 1]} : vector<8192x64xf32> to vector<128x64xf32>
    %dot_general3A_173 = arith.constant dense<0.000000e+00> : vector<1x128xf32>
    %dot_general3A_174 = tpu.matmul %get3A_162, %slice3A_172, %dot_general3A_173 {dimension_numbers = #tpu.dot_dimension_numbers<[0], [1], [1], [0], [0, 1, 1, 0], [], []>, transpose_lhs_hint = false} : vector<64x1xf32>, vector<128x64xf32>, vector<1x128xf32> -> vector<1x128xf32>
    %slice3A_175 = vector.extract_strided_slice %max3A_159 {offsets = [512, 0], sizes = [128, 64], strides = [1, 1]} : vector<8192x64xf32> to vector<128x64xf32>
    %dot_general3A_176 = arith.constant dense<0.000000e+00> : vector<1x128xf32>
    %dot_general3A_177 = tpu.matmul %get3A_162, %slice3A_175, %dot_general3A_176 {dimension_numbers = #tpu.dot_dimension_numbers<[0], [1], [1], [0], [0, 1, 1, 0], [], []>, transpose_lhs_hint = false} : vector<64x1xf32>, vector<128x64xf32>, vector<1x128xf32> -> vector<1x128xf32>
    %slice3A_178 = vector.extract_strided_slice %max3A_159 {offsets = [640, 0], sizes = [128, 64], strides = [1, 1]} : vector<8192x64xf32> to vector<128x64xf32>
    %dot_general3A_179 = arith.constant dense<0.000000e+00> : vector<1x128xf32>
    %dot_general3A_180 = tpu.matmul %get3A_162, %slice3A_178, %dot_general3A_179 {dimension_numbers = #tpu.dot_dimension_numbers<[0], [1], [1], [0], [0, 1, 1, 0], [], []>, transpose_lhs_hint = false} : vector<64x1xf32>, vector<128x64xf32>, vector<1x128xf32> -> vector<1x128xf32>
    %slice3A_181 = vector.extract_strided_slice %max3A_159 {offsets = [768, 0], sizes = [128, 64], strides = [1, 1]} : vector<8192x64xf32> to vector<128x64xf32>
    %dot_general3A_182 = arith.constant dense<0.000000e+00> : vector<1x128xf32>
    %dot_general3A_183 = tpu.matmul %get3A_162, %slice3A_181, %dot_general3A_182 {dimension_numbers = #tpu.dot_dimension_numbers<[0], [1], [1], [0], [0, 1, 1, 0], [], []>, transpose_lhs_hint = false} : vector<64x1xf32>, vector<128x64xf32>, vector<1x128xf32> -> vector<1x128xf32>
    %slice3A_184 = vector.extract_strided_slice %max3A_159 {offsets = [896, 0], sizes = [128, 64], strides = [1, 1]} : vector<8192x64xf32> to vector<128x64xf32>
    %dot_general3A_185 = arith.constant dense<0.000000e+00> : vector<1x128xf32>
    %dot_general3A_186 = tpu.matmul %get3A_162, %slice3A_184, %dot_general3A_185 {dimension_numbers = #tpu.dot_dimension_numbers<[0], [1], [1], [0], [0, 1, 1, 0], [], []>, transpose_lhs_hint = false} : vector<64x1xf32>, vector<128x64xf32>, vector<1x128xf32> -> vector<1x128xf32>
    %slice3A_187 = vector.extract_strided_slice %max3A_159 {offsets = [1024, 0], sizes = [128, 64], strides = [1, 1]} : vector<8192x64xf32> to vector<128x64xf32>
    %dot_general3A_188 = arith.constant dense<0.000000e+00> : vector<1x128xf32>
    %dot_general3A_189 = tpu.matmul %get3A_162, %slice3A_187, %dot_general3A_188 {dimension_numbers = #tpu.dot_dimension_numbers<[0], [1], [1], [0], [0, 1, 1, 0], [], []>, transpose_lhs_hint = false} : vector<64x1xf32>, vector<128x64xf32>, vector<1x128xf32> -> vector<1x128xf32>
    %slice3A_190 = vector.extract_strided_slice %max3A_159 {offsets = [1152, 0], sizes = [128, 64], strides = [1, 1]} : vector<8192x64xf32> to vector<128x64xf32>
    %dot_general3A_191 = arith.constant dense<0.000000e+00> : vector<1x128xf32>
    %dot_general3A_192 = tpu.matmul %get3A_162, %slice3A_190, %dot_general3A_191 {dimension_numbers = #tpu.dot_dimension_numbers<[0], [1], [1], [0], [0, 1, 1, 0], [], []>, transpose_lhs_hint = false} : vector<64x1xf32>, vector<128x64xf32>, vector<1x128xf32> -> vector<1x128xf32>
    %slice3A_193 = vector.extract_strided_slice %max3A_159 {offsets = [1280, 0], sizes = [128, 64], strides = [1, 1]} : vector<8192x64xf32> to vector<128x64xf32>
    %dot_general3A_194 = arith.constant dense<0.000000e+00> : vector<1x128xf32>
    %dot_general3A_195 = tpu.matmul %get3A_162, %slice3A_193, %dot_general3A_194 {dimension_numbers = #tpu.dot_dimension_numbers<[0], [1], [1], [0], [0, 1, 1, 0], [], []>, transpose_lhs_hint = false} : vector<64x1xf32>, vector<128x64xf32>, vector<1x128xf32> -> vector<1x128xf32>
    %slice3A_196 = vector.extract_strided_slice %max3A_159 {offsets = [1408, 0], sizes = [128, 64], strides = [1, 1]} : vector<8192x64xf32> to vector<128x64xf32>
    %dot_general3A_197 = arith.constant dense<0.000000e+00> : vector<1x128xf32>
    %dot_general3A_198 = tpu.matmul %get3A_162, %slice3A_196, %dot_general3A_197 {dimension_numbers = #tpu.dot_dimension_numbers<[0], [1], [1], [0], [0, 1, 1, 0], [], []>, transpose_lhs_hint = false} : vector<64x1xf32>, vector<128x64xf32>, vector<1x128xf32> -> vector<1x128xf32>
    %slice3A_199 = vector.extract_strided_slice %max3A_159 {offsets = [1536, 0], sizes = [128, 64], strides = [1, 1]} : vector<8192x64xf32> to vector<128x64xf32>
    %dot_general3A_200 = arith.constant dense<0.000000e+00> : vector<1x128xf32>
    %dot_general3A_201 = tpu.matmul %get3A_162, %slice3A_199, %dot_general3A_200 {dimension_numbers = #tpu.dot_dimension_numbers<[0], [1], [1], [0], [0, 1, 1, 0], [], []>, transpose_lhs_hint = false} : vector<64x1xf32>, vector<128x64xf32>, vector<1x128xf32> -> vector<1x128xf32>
    %slice3A_202 = vector.extract_strided_slice %max3A_159 {offsets = [1664, 0], sizes = [128, 64], strides = [1, 1]} : vector<8192x64xf32> to vector<128x64xf32>
    %dot_general3A_203 = arith.constant dense<0.000000e+00> : vector<1x128xf32>
    %dot_general3A_204 = tpu.matmul %get3A_162, %slice3A_202, %dot_general3A_203 {dimension_numbers = #tpu.dot_dimension_numbers<[0], [1], [1], [0], [0, 1, 1, 0], [], []>, transpose_lhs_hint = false} : vector<64x1xf32>, vector<128x64xf32>, vector<1x128xf32> -> vector<1x128xf32>
    %slice3A_205 = vector.extract_strided_slice %max3A_159 {offsets = [1792, 0], sizes = [128, 64], strides = [1, 1]} : vector<8192x64xf32> to vector<128x64xf32>
    %dot_general3A_206 = arith.constant dense<0.000000e+00> : vector<1x128xf32>
    %dot_general3A_207 = tpu.matmul %get3A_162, %slice3A_205, %dot_general3A_206 {dimension_numbers = #tpu.dot_dimension_numbers<[0], [1], [1], [0], [0, 1, 1, 0], [], []>, transpose_lhs_hint = false} : vector<64x1xf32>, vector<128x64xf32>, vector<1x128xf32> -> vector<1x128xf32>
    %slice3A_208 = vector.extract_strided_slice %max3A_159 {offsets = [1920, 0], sizes = [128, 64], strides = [1, 1]} : vector<8192x64xf32> to vector<128x64xf32>
    %dot_general3A_209 = arith.constant dense<0.000000e+00> : vector<1x128xf32>
    %dot_general3A_210 = tpu.matmul %get3A_162, %slice3A_208, %dot_general3A_209 {dimension_numbers = #tpu.dot_dimension_numbers<[0], [1], [1], [0], [0, 1, 1, 0], [], []>, transpose_lhs_hint = false} : vector<64x1xf32>, vector<128x64xf32>, vector<1x128xf32> -> vector<1x128xf32>
    %slice3A_211 = vector.extract_strided_slice %max3A_159 {offsets = [2048, 0], sizes = [128, 64], strides = [1, 1]} : vector<8192x64xf32> to vector<128x64xf32>
    %dot_general3A_212 = arith.constant dense<0.000000e+00> : vector<1x128xf32>
    %dot_general3A_213 = tpu.matmul %get3A_162, %slice3A_211, %dot_general3A_212 {dimension_numbers = #tpu.dot_dimension_numbers<[0], [1], [1], [0], [0, 1, 1, 0], [], []>, transpose_lhs_hint = false} : vector<64x1xf32>, vector<128x64xf32>, vector<1x128xf32> -> vector<1x128xf32>
    %slice3A_214 = vector.extract_strided_slice %max3A_159 {offsets = [2176, 0], sizes = [128, 64], strides = [1, 1]} : vector<8192x64xf32> to vector<128x64xf32>
    %dot_general3A_215 = arith.constant dense<0.000000e+00> : vector<1x128xf32>
    %dot_general3A_216 = tpu.matmul %get3A_162, %slice3A_214, %dot_general3A_215 {dimension_numbers = #tpu.dot_dimension_numbers<[0], [1], [1], [0], [0, 1, 1, 0], [], []>, transpose_lhs_hint = false} : vector<64x1xf32>, vector<128x64xf32>, vector<1x128xf32> -> vector<1x128xf32>
    %slice3A_217 = vector.extract_strided_slice %max3A_159 {offsets = [2304, 0], sizes = [128, 64], strides = [1, 1]} : vector<8192x64xf32> to vector<128x64xf32>
    %dot_general3A_218 = arith.constant dense<0.000000e+00> : vector<1x128xf32>
    %dot_general3A_219 = tpu.matmul %get3A_162, %slice3A_217, %dot_general3A_218 {dimension_numbers = #tpu.dot_dimension_numbers<[0], [1], [1], [0], [0, 1, 1, 0], [], []>, transpose_lhs_hint = false} : vector<64x1xf32>, vector<128x64xf32>, vector<1x128xf32> -> vector<1x128xf32>
    %slice3A_220 = vector.extract_strided_slice %max3A_159 {offsets = [2432, 0], sizes = [128, 64], strides = [1, 1]} : vector<8192x64xf32> to vector<128x64xf32>
    %dot_general3A_221 = arith.constant dense<0.000000e+00> : vector<1x128xf32>
    %dot_general3A_222 = tpu.matmul %get3A_162, %slice3A_220, %dot_general3A_221 {dimension_numbers = #tpu.dot_dimension_numbers<[0], [1], [1], [0], [0, 1, 1, 0], [], []>, transpose_lhs_hint = false} : vector<64x1xf32>, vector<128x64xf32>, vector<1x128xf32> -> vector<1x128xf32>
    %slice3A_223 = vector.extract_strided_slice %max3A_159 {offsets = [2560, 0], sizes = [128, 64], strides = [1, 1]} : vector<8192x64xf32> to vector<128x64xf32>
    %dot_general3A_224 = arith.constant dense<0.000000e+00> : vector<1x128xf32>
    %dot_general3A_225 = tpu.matmul %get3A_162, %slice3A_223, %dot_general3A_224 {dimension_numbers = #tpu.dot_dimension_numbers<[0], [1], [1], [0], [0, 1, 1, 0], [], []>, transpose_lhs_hint = false} : vector<64x1xf32>, vector<128x64xf32>, vector<1x128xf32> -> vector<1x128xf32>
    %slice3A_226 = vector.extract_strided_slice %max3A_159 {offsets = [2688, 0], sizes = [128, 64], strides = [1, 1]} : vector<8192x64xf32> to vector<128x64xf32>
    %dot_general3A_227 = arith.constant dense<0.000000e+00> : vector<1x128xf32>
    %dot_general3A_228 = tpu.matmul %get3A_162, %slice3A_226, %dot_general3A_227 {dimension_numbers = #tpu.dot_dimension_numbers<[0], [1], [1], [0], [0, 1, 1, 0], [], []>, transpose_lhs_hint = false} : vector<64x1xf32>, vector<128x64xf32>, vector<1x128xf32> -> vector<1x128xf32>
    %slice3A_229 = vector.extract_strided_slice %max3A_159 {offsets = [2816, 0], sizes = [128, 64], strides = [1, 1]} : vector<8192x64xf32> to vector<128x64xf32>
    %dot_general3A_230 = arith.constant dense<0.000000e+00> : vector<1x128xf32>
    %dot_general3A_231 = tpu.matmul %get3A_162, %slice3A_229, %dot_general3A_230 {dimension_numbers = #tpu.dot_dimension_numbers<[0], [1], [1], [0], [0, 1, 1, 0], [], []>, transpose_lhs_hint = false} : vector<64x1xf32>, vector<128x64xf32>, vector<1x128xf32> -> vector<1x128xf32>
    %slice3A_232 = vector.extract_strided_slice %max3A_159 {offsets = [2944, 0], sizes = [128, 64], strides = [1, 1]} : vector<8192x64xf32> to vector<128x64xf32>
    %dot_general3A_233 = arith.constant dense<0.000000e+00> : vector<1x128xf32>
    %dot_general3A_234 = tpu.matmul %get3A_162, %slice3A_232, %dot_general3A_233 {dimension_numbers = #tpu.dot_dimension_numbers<[0], [1], [1], [0], [0, 1, 1, 0], [], []>, transpose_lhs_hint = false} : vector<64x1xf32>, vector<128x64xf32>, vector<1x128xf32> -> vector<1x128xf32>
    %slice3A_235 = vector.extract_strided_slice %max3A_159 {offsets = [3072, 0], sizes = [128, 64], strides = [1, 1]} : vector<8192x64xf32> to vector<128x64xf32>
    %dot_general3A_236 = arith.constant dense<0.000000e+00> : vector<1x128xf32>
    %dot_general3A_237 = tpu.matmul %get3A_162, %slice3A_235, %dot_general3A_236 {dimension_numbers = #tpu.dot_dimension_numbers<[0], [1], [1], [0], [0, 1, 1, 0], [], []>, transpose_lhs_hint = false} : vector<64x1xf32>, vector<128x64xf32>, vector<1x128xf32> -> vector<1x128xf32>
    %slice3A_238 = vector.extract_strided_slice %max3A_159 {offsets = [3200, 0], sizes = [128, 64], strides = [1, 1]} : vector<8192x64xf32> to vector<128x64xf32>
    %dot_general3A_239 = arith.constant dense<0.000000e+00> : vector<1x128xf32>
    %dot_general3A_240 = tpu.matmul %get3A_162, %slice3A_238, %dot_general3A_239 {dimension_numbers = #tpu.dot_dimension_numbers<[0], [1], [1], [0], [0, 1, 1, 0], [], []>, transpose_lhs_hint = false} : vector<64x1xf32>, vector<128x64xf32>, vector<1x128xf32> -> vector<1x128xf32>
    %slice3A_241 = vector.extract_strided_slice %max3A_159 {offsets = [3328, 0], sizes = [128, 64], strides = [1, 1]} : vector<8192x64xf32> to vector<128x64xf32>
    %dot_general3A_242 = arith.constant dense<0.000000e+00> : vector<1x128xf32>
    %dot_general3A_243 = tpu.matmul %get3A_162, %slice3A_241, %dot_general3A_242 {dimension_numbers = #tpu.dot_dimension_numbers<[0], [1], [1], [0], [0, 1, 1, 0], [], []>, transpose_lhs_hint = false} : vector<64x1xf32>, vector<128x64xf32>, vector<1x128xf32> -> vector<1x128xf32>
    %slice3A_244 = vector.extract_strided_slice %max3A_159 {offsets = [3456, 0], sizes = [128, 64], strides = [1, 1]} : vector<8192x64xf32> to vector<128x64xf32>
    %dot_general3A_245 = arith.constant dense<0.000000e+00> : vector<1x128xf32>
    %dot_general3A_246 = tpu.matmul %get3A_162, %slice3A_244, %dot_general3A_245 {dimension_numbers = #tpu.dot_dimension_numbers<[0], [1], [1], [0], [0, 1, 1, 0], [], []>, transpose_lhs_hint = false} : vector<64x1xf32>, vector<128x64xf32>, vector<1x128xf32> -> vector<1x128xf32>
    %slice3A_247 = vector.extract_strided_slice %max3A_159 {offsets = [3584, 0], sizes = [128, 64], strides = [1, 1]} : vector<8192x64xf32> to vector<128x64xf32>
    %dot_general3A_248 = arith.constant dense<0.000000e+00> : vector<1x128xf32>
    %dot_general3A_249 = tpu.matmul %get3A_162, %slice3A_247, %dot_general3A_248 {dimension_numbers = #tpu.dot_dimension_numbers<[0], [1], [1], [0], [0, 1, 1, 0], [], []>, transpose_lhs_hint = false} : vector<64x1xf32>, vector<128x64xf32>, vector<1x128xf32> -> vector<1x128xf32>
    %slice3A_250 = vector.extract_strided_slice %max3A_159 {offsets = [3712, 0], sizes = [128, 64], strides = [1, 1]} : vector<8192x64xf32> to vector<128x64xf32>
    %dot_general3A_251 = arith.constant dense<0.000000e+00> : vector<1x128xf32>
    %dot_general3A_252 = tpu.matmul %get3A_162, %slice3A_250, %dot_general3A_251 {dimension_numbers = #tpu.dot_dimension_numbers<[0], [1], [1], [0], [0, 1, 1, 0], [], []>, transpose_lhs_hint = false} : vector<64x1xf32>, vector<128x64xf32>, vector<1x128xf32> -> vector<1x128xf32>
    %slice3A_253 = vector.extract_strided_slice %max3A_159 {offsets = [3840, 0], sizes = [128, 64], strides = [1, 1]} : vector<8192x64xf32> to vector<128x64xf32>
    %dot_general3A_254 = arith.constant dense<0.000000e+00> : vector<1x128xf32>
    %dot_general3A_255 = tpu.matmul %get3A_162, %slice3A_253, %dot_general3A_254 {dimension_numbers = #tpu.dot_dimension_numbers<[0], [1], [1], [0], [0, 1, 1, 0], [], []>, transpose_lhs_hint = false} : vector<64x1xf32>, vector<128x64xf32>, vector<1x128xf32> -> vector<1x128xf32>
    %slice3A_256 = vector.extract_strided_slice %max3A_159 {offsets = [3968, 0], sizes = [128, 64], strides = [1, 1]} : vector<8192x64xf32> to vector<128x64xf32>
    %dot_general3A_257 = arith.constant dense<0.000000e+00> : vector<1x128xf32>
    %dot_general3A_258 = tpu.matmul %get3A_162, %slice3A_256, %dot_general3A_257 {dimension_numbers = #tpu.dot_dimension_numbers<[0], [1], [1], [0], [0, 1, 1, 0], [], []>, transpose_lhs_hint = false} : vector<64x1xf32>, vector<128x64xf32>, vector<1x128xf32> -> vector<1x128xf32>
    %slice3A_259 = vector.extract_strided_slice %max3A_159 {offsets = [4096, 0], sizes = [128, 64], strides = [1, 1]} : vector<8192x64xf32> to vector<128x64xf32>
    %dot_general3A_260 = arith.constant dense<0.000000e+00> : vector<1x128xf32>
    %dot_general3A_261 = tpu.matmul %get3A_162, %slice3A_259, %dot_general3A_260 {dimension_numbers = #tpu.dot_dimension_numbers<[0], [1], [1], [0], [0, 1, 1, 0], [], []>, transpose_lhs_hint = false} : vector<64x1xf32>, vector<128x64xf32>, vector<1x128xf32> -> vector<1x128xf32>
    %slice3A_262 = vector.extract_strided_slice %max3A_159 {offsets = [4224, 0], sizes = [128, 64], strides = [1, 1]} : vector<8192x64xf32> to vector<128x64xf32>
    %dot_general3A_263 = arith.constant dense<0.000000e+00> : vector<1x128xf32>
    %dot_general3A_264 = tpu.matmul %get3A_162, %slice3A_262, %dot_general3A_263 {dimension_numbers = #tpu.dot_dimension_numbers<[0], [1], [1], [0], [0, 1, 1, 0], [], []>, transpose_lhs_hint = false} : vector<64x1xf32>, vector<128x64xf32>, vector<1x128xf32> -> vector<1x128xf32>
    %slice3A_265 = vector.extract_strided_slice %max3A_159 {offsets = [4352, 0], sizes = [128, 64], strides = [1, 1]} : vector<8192x64xf32> to vector<128x64xf32>
    %dot_general3A_266 = arith.constant dense<0.000000e+00> : vector<1x128xf32>
    %dot_general3A_267 = tpu.matmul %get3A_162, %slice3A_265, %dot_general3A_266 {dimension_numbers = #tpu.dot_dimension_numbers<[0], [1], [1], [0], [0, 1, 1, 0], [], []>, transpose_lhs_hint = false} : vector<64x1xf32>, vector<128x64xf32>, vector<1x128xf32> -> vector<1x128xf32>
    %slice3A_268 = vector.extract_strided_slice %max3A_159 {offsets = [4480, 0], sizes = [128, 64], strides = [1, 1]} : vector<8192x64xf32> to vector<128x64xf32>
    %dot_general3A_269 = arith.constant dense<0.000000e+00> : vector<1x128xf32>
    %dot_general3A_270 = tpu.matmul %get3A_162, %slice3A_268, %dot_general3A_269 {dimension_numbers = #tpu.dot_dimension_numbers<[0], [1], [1], [0], [0, 1, 1, 0], [], []>, transpose_lhs_hint = false} : vector<64x1xf32>, vector<128x64xf32>, vector<1x128xf32> -> vector<1x128xf32>
    %slice3A_271 = vector.extract_strided_slice %max3A_159 {offsets = [4608, 0], sizes = [128, 64], strides = [1, 1]} : vector<8192x64xf32> to vector<128x64xf32>
    %dot_general3A_272 = arith.constant dense<0.000000e+00> : vector<1x128xf32>
    %dot_general3A_273 = tpu.matmul %get3A_162, %slice3A_271, %dot_general3A_272 {dimension_numbers = #tpu.dot_dimension_numbers<[0], [1], [1], [0], [0, 1, 1, 0], [], []>, transpose_lhs_hint = false} : vector<64x1xf32>, vector<128x64xf32>, vector<1x128xf32> -> vector<1x128xf32>
    %slice3A_274 = vector.extract_strided_slice %max3A_159 {offsets = [4736, 0], sizes = [128, 64], strides = [1, 1]} : vector<8192x64xf32> to vector<128x64xf32>
    %dot_general3A_275 = arith.constant dense<0.000000e+00> : vector<1x128xf32>
    %dot_general3A_276 = tpu.matmul %get3A_162, %slice3A_274, %dot_general3A_275 {dimension_numbers = #tpu.dot_dimension_numbers<[0], [1], [1], [0], [0, 1, 1, 0], [], []>, transpose_lhs_hint = false} : vector<64x1xf32>, vector<128x64xf32>, vector<1x128xf32> -> vector<1x128xf32>
    %slice3A_277 = vector.extract_strided_slice %max3A_159 {offsets = [4864, 0], sizes = [128, 64], strides = [1, 1]} : vector<8192x64xf32> to vector<128x64xf32>
    %dot_general3A_278 = arith.constant dense<0.000000e+00> : vector<1x128xf32>
    %dot_general3A_279 = tpu.matmul %get3A_162, %slice3A_277, %dot_general3A_278 {dimension_numbers = #tpu.dot_dimension_numbers<[0], [1], [1], [0], [0, 1, 1, 0], [], []>, transpose_lhs_hint = false} : vector<64x1xf32>, vector<128x64xf32>, vector<1x128xf32> -> vector<1x128xf32>
    %slice3A_280 = vector.extract_strided_slice %max3A_159 {offsets = [4992, 0], sizes = [128, 64], strides = [1, 1]} : vector<8192x64xf32> to vector<128x64xf32>
    %dot_general3A_281 = arith.constant dense<0.000000e+00> : vector<1x128xf32>
    %dot_general3A_282 = tpu.matmul %get3A_162, %slice3A_280, %dot_general3A_281 {dimension_numbers = #tpu.dot_dimension_numbers<[0], [1], [1], [0], [0, 1, 1, 0], [], []>, transpose_lhs_hint = false} : vector<64x1xf32>, vector<128x64xf32>, vector<1x128xf32> -> vector<1x128xf32>
    %slice3A_283 = vector.extract_strided_slice %max3A_159 {offsets = [5120, 0], sizes = [128, 64], strides = [1, 1]} : vector<8192x64xf32> to vector<128x64xf32>
    %dot_general3A_284 = arith.constant dense<0.000000e+00> : vector<1x128xf32>
    %dot_general3A_285 = tpu.matmul %get3A_162, %slice3A_283, %dot_general3A_284 {dimension_numbers = #tpu.dot_dimension_numbers<[0], [1], [1], [0], [0, 1, 1, 0], [], []>, transpose_lhs_hint = false} : vector<64x1xf32>, vector<128x64xf32>, vector<1x128xf32> -> vector<1x128xf32>
    %slice3A_286 = vector.extract_strided_slice %max3A_159 {offsets = [5248, 0], sizes = [128, 64], strides = [1, 1]} : vector<8192x64xf32> to vector<128x64xf32>
    %dot_general3A_287 = arith.constant dense<0.000000e+00> : vector<1x128xf32>
    %dot_general3A_288 = tpu.matmul %get3A_162, %slice3A_286, %dot_general3A_287 {dimension_numbers = #tpu.dot_dimension_numbers<[0], [1], [1], [0], [0, 1, 1, 0], [], []>, transpose_lhs_hint = false} : vector<64x1xf32>, vector<128x64xf32>, vector<1x128xf32> -> vector<1x128xf32>
    %slice3A_289 = vector.extract_strided_slice %max3A_159 {offsets = [5376, 0], sizes = [128, 64], strides = [1, 1]} : vector<8192x64xf32> to vector<128x64xf32>
    %dot_general3A_290 = arith.constant dense<0.000000e+00> : vector<1x128xf32>
    %dot_general3A_291 = tpu.matmul %get3A_162, %slice3A_289, %dot_general3A_290 {dimension_numbers = #tpu.dot_dimension_numbers<[0], [1], [1], [0], [0, 1, 1, 0], [], []>, transpose_lhs_hint = false} : vector<64x1xf32>, vector<128x64xf32>, vector<1x128xf32> -> vector<1x128xf32>
    %slice3A_292 = vector.extract_strided_slice %max3A_159 {offsets = [5504, 0], sizes = [128, 64], strides = [1, 1]} : vector<8192x64xf32> to vector<128x64xf32>
    %dot_general3A_293 = arith.constant dense<0.000000e+00> : vector<1x128xf32>
    %dot_general3A_294 = tpu.matmul %get3A_162, %slice3A_292, %dot_general3A_293 {dimension_numbers = #tpu.dot_dimension_numbers<[0], [1], [1], [0], [0, 1, 1, 0], [], []>, transpose_lhs_hint = false} : vector<64x1xf32>, vector<128x64xf32>, vector<1x128xf32> -> vector<1x128xf32>
    %slice3A_295 = vector.extract_strided_slice %max3A_159 {offsets = [5632, 0], sizes = [128, 64], strides = [1, 1]} : vector<8192x64xf32> to vector<128x64xf32>
    %dot_general3A_296 = arith.constant dense<0.000000e+00> : vector<1x128xf32>
    %dot_general3A_297 = tpu.matmul %get3A_162, %slice3A_295, %dot_general3A_296 {dimension_numbers = #tpu.dot_dimension_numbers<[0], [1], [1], [0], [0, 1, 1, 0], [], []>, transpose_lhs_hint = false} : vector<64x1xf32>, vector<128x64xf32>, vector<1x128xf32> -> vector<1x128xf32>
    %slice3A_298 = vector.extract_strided_slice %max3A_159 {offsets = [5760, 0], sizes = [128, 64], strides = [1, 1]} : vector<8192x64xf32> to vector<128x64xf32>
    %dot_general3A_299 = arith.constant dense<0.000000e+00> : vector<1x128xf32>
    %dot_general3A_300 = tpu.matmul %get3A_162, %slice3A_298, %dot_general3A_299 {dimension_numbers = #tpu.dot_dimension_numbers<[0], [1], [1], [0], [0, 1, 1, 0], [], []>, transpose_lhs_hint = false} : vector<64x1xf32>, vector<128x64xf32>, vector<1x128xf32> -> vector<1x128xf32>
    %slice3A_301 = vector.extract_strided_slice %max3A_159 {offsets = [5888, 0], sizes = [128, 64], strides = [1, 1]} : vector<8192x64xf32> to vector<128x64xf32>
    %dot_general3A_302 = arith.constant dense<0.000000e+00> : vector<1x128xf32>
    %dot_general3A_303 = tpu.matmul %get3A_162, %slice3A_301, %dot_general3A_302 {dimension_numbers = #tpu.dot_dimension_numbers<[0], [1], [1], [0], [0, 1, 1, 0], [], []>, transpose_lhs_hint = false} : vector<64x1xf32>, vector<128x64xf32>, vector<1x128xf32> -> vector<1x128xf32>
    %slice3A_304 = vector.extract_strided_slice %max3A_159 {offsets = [6016, 0], sizes = [128, 64], strides = [1, 1]} : vector<8192x64xf32> to vector<128x64xf32>
    %dot_general3A_305 = arith.constant dense<0.000000e+00> : vector<1x128xf32>
    %dot_general3A_306 = tpu.matmul %get3A_162, %slice3A_304, %dot_general3A_305 {dimension_numbers = #tpu.dot_dimension_numbers<[0], [1], [1], [0], [0, 1, 1, 0], [], []>, transpose_lhs_hint = false} : vector<64x1xf32>, vector<128x64xf32>, vector<1x128xf32> -> vector<1x128xf32>
    %slice3A_307 = vector.extract_strided_slice %max3A_159 {offsets = [6144, 0], sizes = [128, 64], strides = [1, 1]} : vector<8192x64xf32> to vector<128x64xf32>
    %dot_general3A_308 = arith.constant dense<0.000000e+00> : vector<1x128xf32>
    %dot_general3A_309 = tpu.matmul %get3A_162, %slice3A_307, %dot_general3A_308 {dimension_numbers = #tpu.dot_dimension_numbers<[0], [1], [1], [0], [0, 1, 1, 0], [], []>, transpose_lhs_hint = false} : vector<64x1xf32>, vector<128x64xf32>, vector<1x128xf32> -> vector<1x128xf32>
    %slice3A_310 = vector.extract_strided_slice %max3A_159 {offsets = [6272, 0], sizes = [128, 64], strides = [1, 1]} : vector<8192x64xf32> to vector<128x64xf32>
    %dot_general3A_311 = arith.constant dense<0.000000e+00> : vector<1x128xf32>
    %dot_general3A_312 = tpu.matmul %get3A_162, %slice3A_310, %dot_general3A_311 {dimension_numbers = #tpu.dot_dimension_numbers<[0], [1], [1], [0], [0, 1, 1, 0], [], []>, transpose_lhs_hint = false} : vector<64x1xf32>, vector<128x64xf32>, vector<1x128xf32> -> vector<1x128xf32>
    %slice3A_313 = vector.extract_strided_slice %max3A_159 {offsets = [6400, 0], sizes = [128, 64], strides = [1, 1]} : vector<8192x64xf32> to vector<128x64xf32>
    %dot_general3A_314 = arith.constant dense<0.000000e+00> : vector<1x128xf32>
    %dot_general3A_315 = tpu.matmul %get3A_162, %slice3A_313, %dot_general3A_314 {dimension_numbers = #tpu.dot_dimension_numbers<[0], [1], [1], [0], [0, 1, 1, 0], [], []>, transpose_lhs_hint = false} : vector<64x1xf32>, vector<128x64xf32>, vector<1x128xf32> -> vector<1x128xf32>
    %slice3A_316 = vector.extract_strided_slice %max3A_159 {offsets = [6528, 0], sizes = [128, 64], strides = [1, 1]} : vector<8192x64xf32> to vector<128x64xf32>
    %dot_general3A_317 = arith.constant dense<0.000000e+00> : vector<1x128xf32>
    %dot_general3A_318 = tpu.matmul %get3A_162, %slice3A_316, %dot_general3A_317 {dimension_numbers = #tpu.dot_dimension_numbers<[0], [1], [1], [0], [0, 1, 1, 0], [], []>, transpose_lhs_hint = false} : vector<64x1xf32>, vector<128x64xf32>, vector<1x128xf32> -> vector<1x128xf32>
    %slice3A_319 = vector.extract_strided_slice %max3A_159 {offsets = [6656, 0], sizes = [128, 64], strides = [1, 1]} : vector<8192x64xf32> to vector<128x64xf32>
    %dot_general3A_320 = arith.constant dense<0.000000e+00> : vector<1x128xf32>
    %dot_general3A_321 = tpu.matmul %get3A_162, %slice3A_319, %dot_general3A_320 {dimension_numbers = #tpu.dot_dimension_numbers<[0], [1], [1], [0], [0, 1, 1, 0], [], []>, transpose_lhs_hint = false} : vector<64x1xf32>, vector<128x64xf32>, vector<1x128xf32> -> vector<1x128xf32>
    %slice3A_322 = vector.extract_strided_slice %max3A_159 {offsets = [6784, 0], sizes = [128, 64], strides = [1, 1]} : vector<8192x64xf32> to vector<128x64xf32>
    %dot_general3A_323 = arith.constant dense<0.000000e+00> : vector<1x128xf32>
    %dot_general3A_324 = tpu.matmul %get3A_162, %slice3A_322, %dot_general3A_323 {dimension_numbers = #tpu.dot_dimension_numbers<[0], [1], [1], [0], [0, 1, 1, 0], [], []>, transpose_lhs_hint = false} : vector<64x1xf32>, vector<128x64xf32>, vector<1x128xf32> -> vector<1x128xf32>
    %slice3A_325 = vector.extract_strided_slice %max3A_159 {offsets = [6912, 0], sizes = [128, 64], strides = [1, 1]} : vector<8192x64xf32> to vector<128x64xf32>
    %dot_general3A_326 = arith.constant dense<0.000000e+00> : vector<1x128xf32>
    %dot_general3A_327 = tpu.matmul %get3A_162, %slice3A_325, %dot_general3A_326 {dimension_numbers = #tpu.dot_dimension_numbers<[0], [1], [1], [0], [0, 1, 1, 0], [], []>, transpose_lhs_hint = false} : vector<64x1xf32>, vector<128x64xf32>, vector<1x128xf32> -> vector<1x128xf32>
    %slice3A_328 = vector.extract_strided_slice %max3A_159 {offsets = [7040, 0], sizes = [128, 64], strides = [1, 1]} : vector<8192x64xf32> to vector<128x64xf32>
    %dot_general3A_329 = arith.constant dense<0.000000e+00> : vector<1x128xf32>
    %dot_general3A_330 = tpu.matmul %get3A_162, %slice3A_328, %dot_general3A_329 {dimension_numbers = #tpu.dot_dimension_numbers<[0], [1], [1], [0], [0, 1, 1, 0], [], []>, transpose_lhs_hint = false} : vector<64x1xf32>, vector<128x64xf32>, vector<1x128xf32> -> vector<1x128xf32>
    %slice3A_331 = vector.extract_strided_slice %max3A_159 {offsets = [7168, 0], sizes = [128, 64], strides = [1, 1]} : vector<8192x64xf32> to vector<128x64xf32>
    %dot_general3A_332 = arith.constant dense<0.000000e+00> : vector<1x128xf32>
    %dot_general3A_333 = tpu.matmul %get3A_162, %slice3A_331, %dot_general3A_332 {dimension_numbers = #tpu.dot_dimension_numbers<[0], [1], [1], [0], [0, 1, 1, 0], [], []>, transpose_lhs_hint = false} : vector<64x1xf32>, vector<128x64xf32>, vector<1x128xf32> -> vector<1x128xf32>
    %slice3A_334 = vector.extract_strided_slice %max3A_159 {offsets = [7296, 0], sizes = [128, 64], strides = [1, 1]} : vector<8192x64xf32> to vector<128x64xf32>
    %dot_general3A_335 = arith.constant dense<0.000000e+00> : vector<1x128xf32>
    %dot_general3A_336 = tpu.matmul %get3A_162, %slice3A_334, %dot_general3A_335 {dimension_numbers = #tpu.dot_dimension_numbers<[0], [1], [1], [0], [0, 1, 1, 0], [], []>, transpose_lhs_hint = false} : vector<64x1xf32>, vector<128x64xf32>, vector<1x128xf32> -> vector<1x128xf32>
    %slice3A_337 = vector.extract_strided_slice %max3A_159 {offsets = [7424, 0], sizes = [128, 64], strides = [1, 1]} : vector<8192x64xf32> to vector<128x64xf32>
    %dot_general3A_338 = arith.constant dense<0.000000e+00> : vector<1x128xf32>
    %dot_general3A_339 = tpu.matmul %get3A_162, %slice3A_337, %dot_general3A_338 {dimension_numbers = #tpu.dot_dimension_numbers<[0], [1], [1], [0], [0, 1, 1, 0], [], []>, transpose_lhs_hint = false} : vector<64x1xf32>, vector<128x64xf32>, vector<1x128xf32> -> vector<1x128xf32>
    %slice3A_340 = vector.extract_strided_slice %max3A_159 {offsets = [7552, 0], sizes = [128, 64], strides = [1, 1]} : vector<8192x64xf32> to vector<128x64xf32>
    %dot_general3A_341 = arith.constant dense<0.000000e+00> : vector<1x128xf32>
    %dot_general3A_342 = tpu.matmul %get3A_162, %slice3A_340, %dot_general3A_341 {dimension_numbers = #tpu.dot_dimension_numbers<[0], [1], [1], [0], [0, 1, 1, 0], [], []>, transpose_lhs_hint = false} : vector<64x1xf32>, vector<128x64xf32>, vector<1x128xf32> -> vector<1x128xf32>
    %slice3A_343 = vector.extract_strided_slice %max3A_159 {offsets = [7680, 0], sizes = [128, 64], strides = [1, 1]} : vector<8192x64xf32> to vector<128x64xf32>
    %dot_general3A_344 = arith.constant dense<0.000000e+00> : vector<1x128xf32>
    %dot_general3A_345 = tpu.matmul %get3A_162, %slice3A_343, %dot_general3A_344 {dimension_numbers = #tpu.dot_dimension_numbers<[0], [1], [1], [0], [0, 1, 1, 0], [], []>, transpose_lhs_hint = false} : vector<64x1xf32>, vector<128x64xf32>, vector<1x128xf32> -> vector<1x128xf32>
    %slice3A_346 = vector.extract_strided_slice %max3A_159 {offsets = [7808, 0], sizes = [128, 64], strides = [1, 1]} : vector<8192x64xf32> to vector<128x64xf32>
    %dot_general3A_347 = arith.constant dense<0.000000e+00> : vector<1x128xf32>
    %dot_general3A_348 = tpu.matmul %get3A_162, %slice3A_346, %dot_general3A_347 {dimension_numbers = #tpu.dot_dimension_numbers<[0], [1], [1], [0], [0, 1, 1, 0], [], []>, transpose_lhs_hint = false} : vector<64x1xf32>, vector<128x64xf32>, vector<1x128xf32> -> vector<1x128xf32>
    %slice3A_349 = vector.extract_strided_slice %max3A_159 {offsets = [7936, 0], sizes = [128, 64], strides = [1, 1]} : vector<8192x64xf32> to vector<128x64xf32>
    %dot_general3A_350 = arith.constant dense<0.000000e+00> : vector<1x128xf32>
    %dot_general3A_351 = tpu.matmul %get3A_162, %slice3A_349, %dot_general3A_350 {dimension_numbers = #tpu.dot_dimension_numbers<[0], [1], [1], [0], [0, 1, 1, 0], [], []>, transpose_lhs_hint = false} : vector<64x1xf32>, vector<128x64xf32>, vector<1x128xf32> -> vector<1x128xf32>
    %slice3A_352 = vector.extract_strided_slice %max3A_159 {offsets = [8064, 0], sizes = [128, 64], strides = [1, 1]} : vector<8192x64xf32> to vector<128x64xf32>
    %dot_general3A_353 = arith.constant dense<0.000000e+00> : vector<1x128xf32>
    %dot_general3A_354 = tpu.matmul %get3A_162, %slice3A_352, %dot_general3A_353 {dimension_numbers = #tpu.dot_dimension_numbers<[0], [1], [1], [0], [0, 1, 1, 0], [], []>, transpose_lhs_hint = false} : vector<64x1xf32>, vector<128x64xf32>, vector<1x128xf32> -> vector<1x128xf32>
    %concatenate3A = tpu.concatenate %dot_general3A_165, %dot_general3A_168, %dot_general3A_171, %dot_general3A_174, %dot_general3A_177, %dot_general3A_180, %dot_general3A_183, %dot_general3A_186, %dot_general3A_189, %dot_general3A_192, %dot_general3A_195, %dot_general3A_198, %dot_general3A_201, %dot_general3A_204, %dot_general3A_207, %dot_general3A_210, %dot_general3A_213, %dot_general3A_216, %dot_general3A_219, %dot_general3A_222, %dot_general3A_225, %dot_general3A_228, %dot_general3A_231, %dot_general3A_234, %dot_general3A_237, %dot_general3A_240, %dot_general3A_243, %dot_general3A_246, %dot_general3A_249, %dot_general3A_252, %dot_general3A_255, %dot_general3A_258, %dot_general3A_261, %dot_general3A_264, %dot_general3A_267, %dot_general3A_270, %dot_general3A_273, %dot_general3A_276, %dot_general3A_279, %dot_general3A_282, %dot_general3A_285, %dot_general3A_288, %dot_general3A_291, %dot_general3A_294, %dot_general3A_297, %dot_general3A_300, %dot_general3A_303, %dot_general3A_306, %dot_general3A_309, %dot_general3A_312, %dot_general3A_315, %dot_general3A_318, %dot_general3A_321, %dot_general3A_324, %dot_general3A_327, %dot_general3A_330, %dot_general3A_333, %dot_general3A_336, %dot_general3A_339, %dot_general3A_342, %dot_general3A_345, %dot_general3A_348, %dot_general3A_351, %dot_general3A_354 in 0 : vector<1x128xf32>, vector<1x128xf32>, vector<1x128xf32>, vector<1x128xf32>, vector<1x128xf32>, vector<1x128xf32>, vector<1x128xf32>, vector<1x128xf32>, vector<1x128xf32>, vector<1x128xf32>, vector<1x128xf32>, vector<1x128xf32>, vector<1x128xf32>, vector<1x128xf32>, vector<1x128xf32>, vector<1x128xf32>, vector<1x128xf32>, vector<1x128xf32>, vector<1x128xf32>, vector<1x128xf32>, vector<1x128xf32>, vector<1x128xf32>, vector<1x128xf32>, vector<1x128xf32>, vector<1x128xf32>, vector<1x128xf32>, vector<1x128xf32>, vector<1x128xf32>, vector<1x128xf32>, vector<1x128xf32>, vector<1x128xf32>, vector<1x128xf32>, vector<1x128xf32>, vector<1x128xf32>, vector<1x128xf32>, vector<1x128xf32>, vector<1x128xf32>, vector<1x128xf32>, vector<1x128xf32>, vector<1x128xf32>, vector<1x128xf32>, vector<1x128xf32>, vector<1x128xf32>, vector<1x128xf32>, vector<1x128xf32>, vector<1x128xf32>, vector<1x128xf32>, vector<1x128xf32>, vector<1x128xf32>, vector<1x128xf32>, vector<1x128xf32>, vector<1x128xf32>, vector<1x128xf32>, vector<1x128xf32>, vector<1x128xf32>, vector<1x128xf32>, vector<1x128xf32>, vector<1x128xf32>, vector<1x128xf32>, vector<1x128xf32>, vector<1x128xf32>, vector<1x128xf32>, vector<1x128xf32>, vector<1x128xf32> -> vector<64x128xf32>
    %reshape3A = vector.shape_cast %concatenate3A : vector<64x128xf32> to vector<8192xf32>
    %get3A_355 = arith.constant 0 : index
    %get3A_356 = arith.constant 0 : index
    %get3A_357 = vector.load %arg11[%get3A_355, %get3A_356] : memref<1x1xf32, #tpu.memory_space<vmem>>, vector<1x1xf32>
    %get3A_358 = vector.extract %get3A_357[0, 0] : f32 from vector<1x1xf32>
    %add3A_359 = vector.broadcast %get3A_358 : f32 to vector<8192xf32>
    %add3A_360 = arith.addf %reshape3A, %add3A_359 : vector<8192xf32>
    %get3A_361 = arith.constant 0 : index
    %get3A_362 = vector.load %arg3[%get3A_361] : memref<8192xf32, #tpu.memory_space<vmem>>, vector<8192xf32>
    %add3A_363 = arith.addf %add3A_360, %get3A_362 : vector<8192xf32>
    %swap3A = arith.constant 0 : index
    %swap3A_364 = vector.load %arg12[%swap3A] : memref<8192xf32, #tpu.memory_space<vmem>>, vector<8192xf32>
    tpu.vector_store %arg12[%swap3A], %add3A_363 {strides = array<i32>} : memref<8192xf32, #tpu.memory_space<vmem>>, vector<8192xf32>,
    return
  }
  func.func @transform_0(%arg0: i32) -> (i32, i32) {
    %c0_i32 = arith.constant 0 : i32
    %c0_i32_0 = arith.constant 0 : i32
    return %arg0, %c0_i32 : i32, i32
  }
  func.func @transform_1(%arg0: i32) -> i32 {
    %c0_i32 = arith.constant 0 : i32
    return %arg0 : i32
  }
  func.func @transform_2(%arg0: i32) -> i32 {
    %c0_i32 = arith.constant 0 : i32
    return %arg0 : i32
  }
  func.func @transform_3(%arg0: i32) -> (i32, i32) {
    %c0_i32 = arith.constant 0 : i32
    %c0_i32_0 = arith.constant 0 : i32
    %c0_i32_1 = arith.constant 0 : i32
    return %c0_i32, %c0_i32_0 : i32, i32
  }
  func.func @transform_4(%arg0: i32) -> (i32, i32) {
    %c0_i32 = arith.constant 0 : i32
    %c0_i32_0 = arith.constant 0 : i32
    %c0_i32_1 = arith.constant 0 : i32
    return %c0_i32, %c0_i32_0 : i32, i32
  }
  func.func @transform_5(%arg0: i32) -> (i32, i32) {
    %c0_i32 = arith.constant 0 : i32
    %c0_i32_0 = arith.constant 0 : i32
    %c0_i32_1 = arith.constant 0 : i32
    return %c0_i32, %c0_i32_0 : i32, i32
  }
  func.func @transform_6(%arg0: i32) -> (i32, i32) {
    %c0_i32 = arith.constant 0 : i32
    %c0_i32_0 = arith.constant 0 : i32
    %c0_i32_1 = arith.constant 0 : i32
    return %c0_i32, %c0_i32_0 : i32, i32
  }
  func.func @transform_7(%arg0: i32) -> (i32, i32) {
    %c0_i32 = arith.constant 0 : i32
    %c0_i32_0 = arith.constant 0 : i32
    %c0_i32_1 = arith.constant 0 : i32
    return %c0_i32, %c0_i32_0 : i32, i32
  }
  func.func @transform_8(%arg0: i32) -> (i32, i32) {
    %c0_i32 = arith.constant 0 : i32
    %c0_i32_0 = arith.constant 0 : i32
    %c0_i32_1 = arith.constant 0 : i32
    return %c0_i32, %c0_i32_0 : i32, i32
  }
  func.func @transform_9(%arg0: i32) -> (i32, i32) {
    %c0_i32 = arith.constant 0 : i32
    %c0_i32_0 = arith.constant 0 : i32
    %c0_i32_1 = arith.constant 0 : i32
    return %c0_i32, %c0_i32_0 : i32, i32
  }
  func.func @transform_10(%arg0: i32) -> (i32, i32) {
    %c0_i32 = arith.constant 0 : i32
    %c0_i32_0 = arith.constant 0 : i32
    %c0_i32_1 = arith.constant 0 : i32
    return %c0_i32, %c0_i32_0 : i32, i32
  }
  func.func @transform_11(%arg0: i32) -> i32 {
    %c0_i32 = arith.constant 0 : i32
    return %arg0 : i32
  }
}

</mosaic_0001>

<sc_bundles>
// kernel: kernel.4.cloned.1.call-start
scs
__scs_entry_jumppad:
0x0: {  	(pc) =	sbr.rel $0x88, $3  }
0x1: {  	(tag) =	ssettag $0x0;
	lr =	simm.s32 $0x1  }
0x2: {  	[smem:$0x3F92] =	sst lr;
	_ =	strace $0xD0000000  }
0x3: {  	_ = 	snop  }
0x4: {  	_ = 	snop  }
0x5: {  	_ = 	snop  }
0x6: {  	_ = 	snop  }
0x7: {  	_ = 	snop  }
__scs_overlays_trampoline_lowered:
0x8: {  	[smem:$0x3FA1] =	sst s0  }
0x9: {  	[smem:$0x3FA2] =	sst s1  }
0xa: {  	[smem:$0x3FA3] =	sst s2  }
0xb: {  	[smem:$0x3FA4] =	sst s3  }
0xc: {  	[smem:$0x3FA5] =	sst s4  }
0xd: {  	[smem:$0x3FA6] =	sst s5  }
0xe: {  	[smem:$0x3FA7] =	sst s6  }
0xf: {  	[smem:$0x3FA8] =	sst s7  }
0x10: {  	[smem:$0x3FA9] =	sst s8  }
0x11: {  	[smem:$0x3FAA] =	sst s9;
	s0 =	simm.s32 @!p0 $0x0  }
0x12: {  	s1 =	sld [smem:$0x3F90];
	s0 =	simm.s32 @p0 $0x1  }
0x13: {  	[smem:$0x3FAB] =	sst s0;
	s0 =	simm.s32 @!p1 $0x0  }
0x14: {  	s2 =	sld [smem:$0x3F8F];
	s0 =	simm.s32 @p1 $0x1  }
0x15: {  	[smem:$0x3FAC] =	sst s0;
	s0 =	simm.s32 @!p2 $0x0  }
0x16: {  	s3 =	sld [smem:$0x3FDB];
	s0 =	simm.s32 @p2 $0x1  }
0x17: {  	s4 =	simm.s32 $0x1BF5;
	[smem:$0x3FAE] =	sst s0  }
0x18: {  	s0 =	sld [smem:$0x3F91];
	_ =	swait.ge [sflag:s4], $0x0  }
0x19: {  	s7 =	sld [smem:$0x3F92]  }
0x1a: {  	s8 =	sadd.s32 $0xFFFFE003, lr  }
0x1b: {  	s9 =	sadd.s32 $0xFFFFFEF7, lr;
	s5 =	simm.s32 $0xFFFFFFFF;
	p2 =	slt.u32 s8, $0xFFFFF086  }
0x1c: {  	p1 =	slt.u32 s9, $0xF7A;
	s5 =	simm.s32 @!p2 $0x0  }
0x1d: {  	s5 =	simm.s32 @p1 $0x1;
	p0 =	seq.s32 s7, s2  }
0x1e: {  	s7 =	smul.u32 @!p0 $0xF7A, s2;
	p2 =	seq.s32 @!p0 s5, $0x0  }
0x1f: {  	s9 =	smul.u32 $0xF7A, s1;
	s8 =	simm.s32 @!p0 $0x1BF5;
	p2 =	por !p2, p0  }
0x20: {  	[sflag:s8] =	ssyncset.s32 @!p0 $0xFFFFF086;
	s6 =	sadd.s32 @!p0 s3, s7;
	s7 =	simm.s32 @!p0 $0x108  }
0x21: {  	s3 =	sadd.s32 s3, s9;
	s6 =	sadd.s32 @!p0 $0x88, s6;
	s7 =	simm.s32 @p2 $0x1082  }
0x22: {  	[simem:s7], [sflag:s8] =	dma.local @!p0 [hbm:s6], $0xF7A  }
0x23: {  	s9 =	sor.u32 $0xD0000000, s2;
	s6 =	simm.s32 $0x108;
	_ =	swait.ge @!p0 [sflag:s8], $0x0  }
0x24: {  	s3 =	sadd.s32 $0x88, s3;
	s6 =	simm.s32 @!p1 $0x1082;
	[sflag:s4] =	ssyncset.s32 $0xFFFFF086  }
0x25: {  	[simem:s6], [sflag:s4] =	dma.local [hbm:s3], $0xF7A  }
0x26: {  	[smem:$0x3F92] =	sst s1;
	(tag) =	ssettag s2;
	_ =	strace s9  }
0x27: {  	s1 =	sld [smem:$0x3FA2]  }
0x28: {  	s2 =	sld [smem:$0x3FA3]  }
0x29: {  	s4 =	sld [smem:$0x3FA5]  }
0x2a: {  	p0 =	seq.s32 s5, $0x0;
	s5 =	sld [smem:$0x3FA6]  }
0x2b: {  	s6 =	sld [smem:$0x3FA7]  }
0x2c: {  	s7 =	sld [smem:$0x3FA8]  }
0x2d: {  	s3 =	simm.s32 $0x108;
	s8 =	sld [smem:$0x3FA9]  }
0x2e: {  	s3 =	simm.s32 @!p0 $0x1082;
	s9 =	sld [smem:$0x3FAA]  }
0x2f: {  	lr =	sadd.s32 s0, s3;
	s0 =	sld [smem:$0x3FA1]  }
0x30: {  	s3 =	sld [smem:$0x3FA4]  }
0x31: {  	[smem:$0x3FAD] =	sst s10  }
0x32: {  	s10 =	sld [smem:$0x3FAB];
	_ =	sdelay $0x3  }
0x33: {  	p0 =	seq.s32 s10, $0x1;
	s10 =	sld [smem:$0x3FAD];
	_ =	sdelay $0x3  }
0x34: {  	[smem:$0x3FAD] =	sst s10  }
0x35: {  	s10 =	sld [smem:$0x3FAC];
	_ =	sdelay $0x3  }
0x36: {  	p1 =	seq.s32 s10, $0x1;
	s10 =	sld [smem:$0x3FAD];
	_ =	sdelay $0x3  }
0x37: {  	[smem:$0x3FAD] =	sst s10  }
0x38: {  	s10 =	sld [smem:$0x3FAE]  }
0x39: {  	_ = 	snop;
	(pc) =	sbr.ind lr, $3  }
0x3a: {  	_ = 	snop  }
0x3b: {  	_ = 	snop  }
0x3c: {  	p2 =	seq.s32 s10, $0x1;
	s10 =	sld [smem:$0x3FAD]  }
0x3d: {  	_ =	shalt  }
0x3e: {  	_ =	shalt  }
0x3f: {  	_ =	shalt  }
0x40: {  	_ =	shalt  }
0x41: {  	_ =	shalt  }
0x42: {  	_ =	shalt  }
0x43: {  	_ =	shalt  }
0x44: {  	_ =	shalt  }
0x45: {  	_ =	shalt  }
0x46: {  	_ =	shalt  }
0x47: {  	_ =	shalt  }
0x48: {  	_ =	shalt  }
0x49: {  	_ =	shalt  }
0x4a: {  	_ =	shalt  }
0x4b: {  	_ =	shalt  }
0x4c: {  	_ =	shalt  }
0x4d: {  	_ =	shalt  }
0x4e: {  	_ =	shalt  }
0x4f: {  	_ =	shalt  }
0x50: {  	_ =	shalt  }
0x51: {  	_ =	shalt  }
0x52: {  	_ =	shalt  }
0x53: {  	_ =	shalt  }
0x54: {  	_ =	shalt  }
0x55: {  	_ =	shalt  }
0x56: {  	_ =	shalt  }
0x57: {  	_ =	shalt  }
0x58: {  	_ =	shalt  }
0x59: {  	_ =	shalt  }
0x5a: {  	_ =	shalt  }
0x5b: {  	_ =	shalt  }
0x5c: {  	_ =	shalt  }
0x5d: {  	_ =	shalt  }
0x5e: {  	_ =	shalt  }
0x5f: {  	_ =	shalt  }
0x60: {  	_ =	shalt  }
0x61: {  	_ =	shalt  }
0x62: {  	_ =	shalt  }
0x63: {  	_ =	shalt  }
0x64: {  	_ =	shalt  }
0x65: {  	_ =	shalt  }
0x66: {  	_ =	shalt  }
0x67: {  	_ =	shalt  }
0x68: {  	_ =	shalt  }
0x69: {  	_ =	shalt  }
0x6a: {  	_ =	shalt  }
0x6b: {  	_ =	shalt  }
0x6c: {  	_ =	shalt  }
0x6d: {  	_ =	shalt  }
0x6e: {  	_ =	shalt  }
0x6f: {  	_ =	shalt  }
0x70: {  	_ =	shalt  }
0x71: {  	_ =	shalt  }
0x72: {  	_ =	shalt  }
0x73: {  	_ =	shalt  }
0x74: {  	_ =	shalt  }
0x75: {  	_ =	shalt  }
0x76: {  	_ =	shalt  }
0x77: {  	_ =	shalt  }
0x78: {  	_ =	shalt  }
0x79: {  	_ =	shalt  }
0x7a: {  	_ =	shalt  }
0x7b: {  	_ =	shalt  }
0x7c: {  	_ =	shalt  }
0x7d: {  	_ =	shalt  }
0x7e: {  	_ =	shalt  }
0x7f: {  	_ =	shalt  }
0x80: {  	_ =	shalt  }
0x81: {  	_ =	shalt  }
0x82: {  	_ =	shalt  }
0x83: {  	_ =	shalt  }
0x84: {  	_ =	shalt  }
0x85: {  	_ =	shalt  }
0x86: {  	_ =	shalt  }
0x87: {  	_ =	shalt  }
.Lfunc_end0:
.L_simem_size_0:
called_computation_lowered:
.L_overlay_start_0:
0x88: {  	s2 =	sld [smem:$0x3FD9]  }
0x89: {  	s3 =	sld [smem:$0x3FFE];
	_ =	sdelay $0x1  }
0x8a: {  	s1 =	srdreg.scid  }
0x8b: {  	s0 =	sand.u32 $0x1, s1  }
0x8c: {  	s17 =	sshll.u32 s0, $0xA;
	s2 =	sadd.s32 s3, s2  }
0x8d: {  	s2 =	sadd.s32 s2, s17  }
0x8e: {  	[smem:$0x3FB9] =	sst s2  }
0x8f: {  	_ = 	snop  }
0x90: {  	s2 =	sld [smem:$0x3FC9]  }
0x91: {  	s18 =	sld [smem:$0x3FC8]  }
0x92: {  	s4 =	sld [smem:$0x3FC7]  }
0x93: {  	s5 =	sld [smem:$0x3FC4]  }
0x94: {  	s6 =	sld [smem:$0x3FC3]  }
0x95: {  	s7 =	sld [smem:$0x3FD0];
	(tm) =	ssettm $0x1  }
0x96: {  	s8 =	sld [smem:$0x3FFB];
	_ =	sdelay $0x3  }
0x97: {  	_ =	strace s8  }
0x98: {  	s8 =	sld [smem:$0x3FFC];
	_ =	sdelay $0x3  }
0x99: {  	_ =	strace s8  }
0x9a: {  	s8 =	sld [smem:$0x3FFD];
	_ =	sdelay $0x3  }
0x9b: {  	_ =	strace s8  }
0x9c: {  	_ =	strace $0x8FFFFFFF  }
0x9d: {  	s19 =	sld [smem:$0x3FDB];
	_ =	sdelay $0x1  }
0x9e: {  	s9 =	simm.s32 $_scs_section_size  }
0x9f: {  	s10 =	simm.s32 $_size__tile_overlayer_lowered;
	s11 =	simm.s32 $_tile_overlayer_lowered  }
0xa0: {  	s22 =	simm.s32 $0x1BFF;
	s21 =	sshll.u32 s11, $0x1;
	s8 =	sadd.s32 s9, s19  }
0xa1: {  	s12 =	simm.s32 $0x0;
	s20 =	sshll.u32 s10, $0x1;
	s10 =	sadd.s32 s21, s8  }
0xa2: {  	[timem:s12], [sflag:s22] =	dma.local [hbm:s10], s20  }
0xa3: {  	_ =	swait.ge [sflag:s22], s20  }
0xa4: {  	s9 =	ssub.s32 $0x0, s20;
	[sflag:s22] =	ssyncset.done $0x0  }
0xa5: {  	[sflag:s22] =	ssyncadd.s32 s9;
	_ =	sdelay $0x1  }
0xa6: {  	s23 =	simm.s32 $0x1B8B  }
0xa7: {  	_ =	swait.ge [sflag:s23], $0x1  }
0xa8: {  	[sflag:s23] =	ssyncset.done $0x0  }
0xa9: {  	s25 =	simm.s32 $0x1B8E;
	s24 =	sld [smem:$0x3FFE];
	[sflag:s23] =	ssyncadd.s32 $0xFFFFFFFF  }
0xaa: {  	s26 =	simm.s32 $execute0_lowered;
	[smem:$0x3FD2] =	sst s25  }
0xab: {  	s10 =	sshll.u32 s26, $0x1;
	_ =	strace $0x80000046;
	[dreg:$0x1] =	wrdreg $0xFFFFFFFF  }
0xac: {  	s28 =	simm.s32 $_size_execute0_lowered;
	s8 =	sadd.s32 s8, s10;
	[dreg:$0x0] =	wrdreg $0x0  }
0xad: {  	s10 =	sshll.u32 s28, $0x1;
	[dreg:$0x2] =	wrdreg s8  }
0xae: {  	[dreg:$0x3] =	wrdreg s10  }
0xaf: {  	[dreg:$0x4] =	wrdreg $0xC0  }
0xb0: {  	_ =	task [dreg:s12], $0x5FFFF  }
0xb1: {  	[dreg:$0x1] =	wrdreg $0xFFFFFFFF  }
0xb2: {  	[dreg:$0x0] =	wrdreg $0x60  }
0xb3: {  	[dreg:$0x2] =	wrdreg s2  }
0xb4: {  	[dreg:$0x3] =	wrdreg s18  }
0xb5: {  	[dreg:$0x4] =	wrdreg s4  }
0xb6: {  	[dreg:$0x5] =	wrdreg s5  }
0xb7: {  	[dreg:$0x6] =	wrdreg s6  }
0xb8: {  	[dreg:$0x7] =	wrdreg s24  }
0xb9: {  	[dreg:$0x8] =	wrdreg s7  }
0xba: {  	[dreg:$0x9] =	wrdreg $0x9  }
0xbb: {  	_ =	task.clear_ibuf [dreg:s12], $0xAFFFF;
	_ =	strace $0x90000046  }
0xbc: {  	s29 =	simm.s32 $0x9;
	_ =	strace $0x80000048  }
0xbd: {  	_ =	swait.ge [sflag:s29], $0x1  }
0xbe: {  	[sflag:s29] =	ssyncadd.s32 $0xFFFFFFFF  }
0xbf: {  	_ =	strace $0x90000048  }
0xc0: {  	_ =	sfence  }
0xc1: {  	s30 =	sld [smem:$0x0];
	_ =	sdelay $0x2  }
0xc2: {  	s31 =	sshll.u32 s1, $0xD;
	s1 =	sshrl.u32 s1, $0x2  }
0xc3: {  	s3 =	sand.u32 $0x4000, s31;
	s1 =	sadd.s32 s1, s30  }
0xc4: {  	s0 =	sor.u32 s3, s0;
	s1 =	sshll.u32 s1, $0x11  }
0xc5: {  	s0 =	sor.u32 s1, s0  }
0xc6: {  	s0 =	sadd.s32 $0x8F2B, s0  }
0xc7: {  	[sflag:s0] =	ssyncadd.remote.s32 $0x1  }
0xc8: {  	_ =	sfence.sel $0xFFFF  }
0xc9: {  	[dreg:$0x0] =	wrdreg $0xFFFFFFFF;
	(pc) =	sbr.abs _section_cstart, $3  }
0xca: {  	[dreg:$0x1] =	wrdreg $0xFFFFFFFF  }
0xcb: {  	_ =	task.clear_ibuf [dreg:s12], $0x2FFFF;
	_ =	strace $0x9FFFFFFF  }
0xcc: {  	(tm) =	ssettm $0x7FFFFFFF  }
0xcd: {  	_ =	shalt  }
tec
execute0_lowered:
.L_overlay_start_1:
0x0: {  	(tag) =	ssettag $0x1  }
0x1: {  	s0 =	rddreg [dreg:$0x0]  }
0x2: {  	s3 =	rddreg [dreg:$0x1]  }
0x3: {  	s8 =	rddreg [dreg:$0x2]  }
0x4: {  	s1 =	rddreg [dreg:$0x3]  }
0x5: {  	s2 =	rddreg [dreg:$0x4]  }
0x6: {  	s9 =	rddreg [dreg:$0x5]  }
0x7: {  	s15 =	rddreg [dreg:$0x6];
	s4 =	simm.s32 $0x0;
	s5 =	srdreg.scid  }
0x8: {  	s6 =	stileid.u32;
	s19 =	simm.s32 $0x4;
	s20 =	simm.s32 $0x5  }
0x9: {  	s21 =	simm.s32 $0x80;
	s22 =	simm.s32 $0xE00;
	s23 =	simm.s32 $0xCE00  }
0xa: {  	s31 =	simm.s32 $0x100;
	s24 =	simm.s32 $0x180;
	s29 =	simm.s32 $0x7  }
0xb: {  	s30 =	simm.s32 $0x4E00;
	s18 =	simm.s32 $0x1;
	s28 =	simm.s32 $0x3  }
0xc: {  	[smem:$0x7FF] =	sst s4;
	s10 =	sand.u32 $0x1, s5;
	s7 =	sshll.u32 s6, $0xA  }
0xd: {  	s5 =	sadd.s32 $0x7A00, s9;
	s6 =	sadd.s32 $0x4800, s9;
	s11 =	sshll.u32 s10, $0x9  }
0xe: {  	_ =	strace $0x80000047;
	s10 =	ssub.s32 $0x2, s10;
	s11 =	sor.u32 s11, s7  }
0xf: {  	s7 =	sadd.s32 $0x1600, s9;
	s25 =	sshrl.u32 s10, $0x1;
	s12 =	sshll.u32 s11, $0x4  }
0x10: {  	s16 =	sshrl.u32 s11, $0x3;
	s17 =	ssub.s32 s10, s25;
	s25 =	simm.s32 $0x2  }
0x11: {  	s14 =	sadd.s32 s12, s9;
	s0 =	sadd.s32 s0, s16;
	s26 =	sadd.s32 s3, s16  }
0x12: {  	s10 =	sadd.s32 s8, s16;
	s15 =	sadd.s32 s15, s16;
	[dreg:$0x8] =	wrdreg s0  }
0x13: {  	s16 =	smax.u32 s17, $0x1;
	s3 =	simm.s32 $0x6;
	[dreg:$0x9] =	wrdreg s26  }
0x14: {  	s11 =	sadd.s32 $0xAC00, s14;
	s12 =	sadd.s32 $0xB400, s14;
	s13 =	sadd.s32 $0xBC00, s14  }
0x15: {  	s14 =	sadd.s32 $0xC400, s14;
	s26 =	simm.s32 $0x8E00;
	s0 =	simm.s32 $0x0  }
.LBB2_1:
0x16: {  	s8 =	rddreg [dreg:$0x8]  }
0x17: {  	[tilespmem:s4], [sflag:$0x4] =	stream.linear.gather [hbm4b:s8+s4], $0x200, $0x38;
	[tilespmem:$0x18E00] =	vst v63  }
0x18: {  	s17 =	rddreg [dreg:$0x9];
	s9 =	simm.s32 $0x200  }
0x19: {  	[tilespmem:s9], [sflag:$0x5] =	stream.linear.gather [hbm4b:s17+s4], $0x200, $0x38;
	[tilespmem:$0x18E00] =	vst v63  }
0x1a: {  	s17 =	simm.s32 $0x400  }
0x1b: {  	[tilespmem:s17], [sflag:$0x7] =	stream.linear.gather [hbm4b:s10+s4], $0x200, $0x38;
	[tilespmem:$0x18E00] =	vst v63  }
0x1c: {  	_ =	swait.ge [sflag:s19], $0x200  }
0x1d: {  	[sflag:s19] =	ssyncset.done $0x0  }
0x1e: {  	[sflag:s19] =	ssyncadd.s32 $0xFFFFFE00  }
0x1f: {  	_ =	swait.ge [sflag:s20], $0x200  }
0x20: {  	[sflag:s20] =	ssyncset.done $0x0  }
0x21: {  	[sflag:s20] =	ssyncadd.s32 $0xFFFFFE00  }
0x22: {  	[tilespmem:s22], [sflag:$0x1] =	stream.indirect.gather [hbm4b:s1+s21], $0x80, s4, s21, $0xb8;
	[tilespmem:$0x18E00] =	vst v63  }
0x23: {  	_ = 	snop  }
0x24: {  	[tilespmem:s23], [sflag:$0x2] =	stream.indirect.gather [hbm4b:s2+s21], $0x80, s9, s21, $0xb8;
	[tilespmem:$0x18E00] =	vst v63  }
0x25: {  	s9 =	simm.s32 $0x600  }
0x26: {  	[tilespmem:s9], [sflag:$0x3] =	stream.indirect.gather [hbm4b:s5+s21], $0x1, s4, s21, $0xb8;
	[tilespmem:$0x18E00] =	vst v63  }
0x27: {  	s17 =	simm.s32 $0x800  }
0x28: {  	[tilespmem:s17], [sflag:$0x3] =	stream.indirect.gather [hbm4b:s6+s21], $0x1, s4, s21, $0xb8;
	[tilespmem:$0x18E00] =	vst v63  }
0x29: {  	s9 =	simm.s32 $0xA00  }
0x2a: {  	[tilespmem:s9], [sflag:$0x3] =	stream.indirect.gather [hbm4b:s7+s21], $0x1, s4, s21, $0xb8;
	[tilespmem:$0x18E00] =	vst v63  }
0x2b: {  	s17 =	simm.s32 $0x680  }
0x2c: {  	[tilespmem:s17], [sflag:$0x3] =	stream.indirect.gather [hbm4b:s5+s21], $0x1, s21, s21, $0xb8;
	[tilespmem:$0x18E00] =	vst v63  }
0x2d: {  	s9 =	simm.s32 $0x880  }
0x2e: {  	[tilespmem:s9], [sflag:$0x3] =	stream.indirect.gather [hbm4b:s6+s21], $0x1, s21, s21, $0xb8;
	[tilespmem:$0x18E00] =	vst v63  }
0x2f: {  	s17 =	simm.s32 $0xA80  }
0x30: {  	[tilespmem:s17], [sflag:$0x3] =	stream.indirect.gather [hbm4b:s7+s21], $0x1, s21, s21, $0xb8;
	[tilespmem:$0x18E00] =	vst v63  }
0x31: {  	s9 =	simm.s32 $0x700  }
0x32: {  	[tilespmem:s9], [sflag:$0x3] =	stream.indirect.gather [hbm4b:s5+s21], $0x1, s31, s21, $0xb8;
	[tilespmem:$0x18E00] =	vst v63  }
0x33: {  	s17 =	simm.s32 $0x900  }
0x34: {  	[tilespmem:s17], [sflag:$0x3] =	stream.indirect.gather [hbm4b:s6+s21], $0x1, s31, s21, $0xb8;
	[tilespmem:$0x18E00] =	vst v63  }
0x35: {  	s9 =	simm.s32 $0xB00  }
0x36: {  	[tilespmem:s9], [sflag:$0x3] =	stream.indirect.gather [hbm4b:s7+s21], $0x1, s31, s21, $0xb8;
	[tilespmem:$0x18E00] =	vst v63  }
0x37: {  	s17 =	simm.s32 $0x780  }
0x38: {  	[tilespmem:s17], [sflag:$0x3] =	stream.indirect.gather [hbm4b:s5+s21], $0x1, s24, s21, $0xb8;
	[tilespmem:$0x18E00] =	vst v63  }
0x39: {  	s9 =	simm.s32 $0x980  }
0x3a: {  	[tilespmem:s9], [sflag:$0x3] =	stream.indirect.gather [hbm4b:s6+s21], $0x1, s24, s21, $0xb8;
	[tilespmem:$0x18E00] =	vst v63  }
0x3b: {  	s17 =	simm.s32 $0xB80  }
0x3c: {  	[tilespmem:s17], [sflag:$0x3] =	stream.indirect.gather [hbm4b:s7+s21], $0x1, s24, s21, $0xb8;
	[tilespmem:$0x18E00] =	vst v63  }
0x3d: {  	_ =	swait.ge [sflag:s29], $0x200  }
0x3e: {  	[sflag:s29] =	ssyncset.done $0x0  }
0x3f: {  	[sflag:s29] =	ssyncadd.s32 $0xFFFFFE00  }
0x40: {  	[tilespmem:s30], [sflag:$0x1] =	stream.indirect.gather [hbm4b:s1+s21], $0x80, s21, s21, $0xb8;
	[tilespmem:$0x18E00] =	vst v63  }
0x41: {  	s9 =	simm.s32 $0x280;
	s17 =	simm.s32 $0x10E00  }
0x42: {  	[tilespmem:s17], [sflag:$0x2] =	stream.indirect.gather [hbm4b:s2+s21], $0x80, s9, s21, $0xb8;
	[tilespmem:$0x18E00] =	vst v63  }
0x43: {  	_ =	swait.ge [sflag:s18], $0x4000  }
0x44: {  	[sflag:s18] =	ssyncset.done $0x0  }
0x45: {  	[sflag:s18] =	ssyncadd.s32 $0xFFFFC000  }
0x46: {  	_ =	swait.ge [sflag:s25], $0x4000  }
0x47: {  	[sflag:s25] =	ssyncset.done $0x0  }
0x48: {  	[sflag:s25] =	ssyncadd.s32 $0xFFFFC000  }
0x49: {  	[tilespmem:s26], [sflag:$0x1] =	stream.indirect.gather [hbm4b:s1+s21], $0x80, s31, s21, $0xb8;
	[tilespmem:$0x18E00] =	vst v63  }
0x4a: {  	s8 =	simm.s32 $0x0;
	s9 =	simm.s32 $0x300;
	s17 =	simm.s32 $0x14E00  }
0x4b: {  	[tilespmem:s17], [sflag:$0x2] =	stream.indirect.gather [hbm4b:s2+s21], $0x80, s9, s21, $0xb8;
	[tilespmem:$0x18E00] =	vst v63  }
0x4c: {  	v7 =	vld [tilespmem:s8+$0xCE00]  }
0x4d: {  	v11 =	vld [tilespmem:s8+$0xCE10]  }
0x4e: {  	v5 =	vld [tilespmem:s8+$0xCE20]  }
0x4f: {  	v4 =	vld [tilespmem:s8+$0xCE30]  }
0x50: {  	v3 =	vld [tilespmem:s8+$0xCE40]  }
0x51: {  	v2 =	vld [tilespmem:s8+$0xCE50]  }
0x52: {  	v1 =	vld [tilespmem:s8+$0xCE60]  }
0x53: {  	v0 =	vld [tilespmem:s8+$0xCE70]  }
0x54: {  	v12 =	vld [tilespmem:s8+$0xE00]  }
0x55: {  	v13 =	vld [tilespmem:s8+$0xE10]  }
0x56: {  	v10 =	vld [tilespmem:s8+$0xE20]  }
0x57: {  	v9 =	vld [tilespmem:s8+$0xE30]  }
0x58: {  	v8 =	vld [tilespmem:s8+$0xE40]  }
0x59: {  	v6 =	vld [tilespmem:s8+$0xE50];
	v12 =	vmul.f32 v7, v12  }
0x5a: {  	s17 =	simm.s32 $0x200;
	v11 =	vmul.f32 v11, v13;
	v7 =	vld [tilespmem:s8+$0xE60]  }
.LBB2_2:
0x5b: {  	s9 =	sshra.s32 s17, $0x2;
	p0 =	sne.s32 s17, $0xFE00;
	[tilespmem:s8+$0xE00] =	vst v12;
	v5 =	vmul.f32 v5, v10;
	v10 =	vld [tilespmem:s8+$0xE70]  }
0x5c: {  	v12 =	vld [tilespmem:s9+$0xCE00];
	[tilespmem:s8+$0xE10] =	vst v11;
	v4 =	vmul.f32 v4, v9  }
0x5d: {  	v11 =	vld [tilespmem:s9+$0xCE10];
	[tilespmem:s8+$0xE20] =	vst v5;
	v3 =	vmul.f32 v3, v8  }
0x5e: {  	v5 =	vld [tilespmem:s9+$0xCE20];
	[tilespmem:s8+$0xE30] =	vst v4;
	v2 =	vmul.f32 v2, v6  }
0x5f: {  	v4 =	vld [tilespmem:s9+$0xCE30];
	[tilespmem:s8+$0xE40] =	vst v3;
	v1 =	vmul.f32 v1, v7  }
0x60: {  	v3 =	vld [tilespmem:s9+$0xCE40];
	[tilespmem:s8+$0xE50] =	vst v2;
	v0 =	vmul.f32 v0, v10  }
0x61: {  	v2 =	vld [tilespmem:s9+$0xCE50];
	[tilespmem:s8+$0xE60] =	vst v1  }
0x62: {  	v1 =	vld [tilespmem:s9+$0xCE60];
	[tilespmem:s8+$0xE70] =	vst v0;
	s8 =	smov.u32 s9  }
0x63: {  	v0 =	vld [tilespmem:s8+$0xCE70]  }
0x64: {  	v6 =	vld [tilespmem:s8+$0xE00]  }
0x65: {  	v7 =	vld [tilespmem:s8+$0xE10]  }
.Ltmp0:
0x66: {  	v10 =	vld [tilespmem:s8+$0xE20];
	(pc) =	sbr.rel @p0 .LBB2_2-.Ltmp0, $4  }
0x67: {  	v9 =	vld [tilespmem:s8+$0xE30]  }
0x68: {  	v8 =	vld [tilespmem:s8+$0xE40]  }
0x69: {  	v12 =	vmul.f32 v12, v6;
	v6 =	vld [tilespmem:s8+$0xE50]  }
0x6a: {  	s17 =	sadd.s32 $0x200, s17;
	v11 =	vmul.f32 v11, v7;
	v7 =	vld [tilespmem:s8+$0xE60]  }
0x6b: {  	[tilespmem:s8+$0xE00] =	vst v12;
	v5 =	vmul.f32 v5, v10;
	v10 =	vld [tilespmem:s8+$0xE70]  }
0x6c: {  	[tilespmem:s8+$0xE10] =	vst v11;
	v4 =	vmul.f32 v4, v9  }
0x6d: {  	[tilespmem:s8+$0xE20] =	vst v5;
	v3 =	vmul.f32 v3, v8  }
0x6e: {  	[tilespmem:s8+$0xE30] =	vst v4;
	v2 =	vmul.f32 v2, v6  }
0x6f: {  	[tilespmem:s8+$0xE40] =	vst v3;
	v1 =	vmul.f32 v1, v7  }
0x70: {  	[tilespmem:s8+$0xE50] =	vst v2;
	v0 =	vmul.f32 v0, v10  }
0x71: {  	[tilespmem:s8+$0xE60] =	vst v1  }
0x72: {  	s9 =	simm.s32 $0x0;
	[tilespmem:s8+$0xE70] =	vst v0  }
0x73: {  	[hbm4b:s11+s9] =	stream.linear.scatter [tilespmem:s22], [sflag:$0x4], $0x4000, $0x38;
	[tilespmem:$0x18E00] =	vst v63  }
0x74: {  	_ =	swait.ge [sflag:s18], $0x4000  }
0x75: {  	[sflag:s18] =	ssyncset.done $0x0  }
0x76: {  	[sflag:s18] =	ssyncadd.s32 $0xFFFFC000  }
0x77: {  	_ =	swait.ge [sflag:s25], $0x4000  }
0x78: {  	[sflag:s25] =	ssyncset.done $0x0  }
0x79: {  	[sflag:s25] =	ssyncadd.s32 $0xFFFFC000  }
0x7a: {  	_ =	swait.ge [sflag:s19], $0x4000  }
0x7b: {  	[sflag:s19] =	ssyncset.done $0x0  }
0x7c: {  	[sflag:s19] =	ssyncadd.s32 $0xFFFFC000  }
0x7d: {  	[tilespmem:s22], [sflag:$0x1] =	stream.indirect.gather [hbm4b:s1+s21], $0x80, s24, s21, $0xb8;
	[tilespmem:$0x18E00] =	vst v63  }
0x7e: {  	s17 =	simm.s32 $0x380;
	s8 =	simm.s32 $0x0  }
0x7f: {  	[tilespmem:s23], [sflag:$0x2] =	stream.indirect.gather [hbm4b:s2+s21], $0x80, s17, s21, $0xb8;
	[tilespmem:$0x18E00] =	vst v63  }
0x80: {  	v7 =	vld [tilespmem:s8+$0x10E00]  }
0x81: {  	v11 =	vld [tilespmem:s8+$0x10E10]  }
0x82: {  	v5 =	vld [tilespmem:s8+$0x10E20]  }
0x83: {  	v4 =	vld [tilespmem:s8+$0x10E30]  }
0x84: {  	v3 =	vld [tilespmem:s8+$0x10E40]  }
0x85: {  	v2 =	vld [tilespmem:s8+$0x10E50]  }
0x86: {  	v1 =	vld [tilespmem:s8+$0x10E60]  }
0x87: {  	v0 =	vld [tilespmem:s8+$0x10E70]  }
0x88: {  	v12 =	vld [tilespmem:s8+$0x4E00]  }
0x89: {  	v13 =	vld [tilespmem:s8+$0x4E10]  }
0x8a: {  	v10 =	vld [tilespmem:s8+$0x4E20]  }
0x8b: {  	v9 =	vld [tilespmem:s8+$0x4E30]  }
0x8c: {  	v8 =	vld [tilespmem:s8+$0x4E40]  }
0x8d: {  	v6 =	vld [tilespmem:s8+$0x4E50];
	v12 =	vmul.f32 v7, v12  }
0x8e: {  	s17 =	simm.s32 $0x200;
	v11 =	vmul.f32 v11, v13;
	v7 =	vld [tilespmem:s8+$0x4E60]  }
.LBB2_4:
0x8f: {  	s9 =	sshra.s32 s17, $0x2;
	p0 =	sne.s32 s17, $0xFE00;
	[tilespmem:s8+$0x4E00] =	vst v12;
	v5 =	vmul.f32 v5, v10;
	v10 =	vld [tilespmem:s8+$0x4E70]  }
0x90: {  	v12 =	vld [tilespmem:s9+$0x10E00];
	[tilespmem:s8+$0x4E10] =	vst v11;
	v4 =	vmul.f32 v4, v9  }
0x91: {  	v11 =	vld [tilespmem:s9+$0x10E10];
	[tilespmem:s8+$0x4E20] =	vst v5;
	v3 =	vmul.f32 v3, v8  }
0x92: {  	v5 =	vld [tilespmem:s9+$0x10E20];
	[tilespmem:s8+$0x4E30] =	vst v4;
	v2 =	vmul.f32 v2, v6  }
0x93: {  	v4 =	vld [tilespmem:s9+$0x10E30];
	[tilespmem:s8+$0x4E40] =	vst v3;
	v1 =	vmul.f32 v1, v7  }
0x94: {  	v3 =	vld [tilespmem:s9+$0x10E40];
	[tilespmem:s8+$0x4E50] =	vst v2;
	v0 =	vmul.f32 v0, v10  }
0x95: {  	v2 =	vld [tilespmem:s9+$0x10E50];
	[tilespmem:s8+$0x4E60] =	vst v1  }
0x96: {  	v1 =	vld [tilespmem:s9+$0x10E60];
	[tilespmem:s8+$0x4E70] =	vst v0;
	s8 =	smov.u32 s9  }
0x97: {  	v0 =	vld [tilespmem:s8+$0x10E70]  }
0x98: {  	v6 =	vld [tilespmem:s8+$0x4E00]  }
0x99: {  	v7 =	vld [tilespmem:s8+$0x4E10]  }
.Ltmp1:
0x9a: {  	v10 =	vld [tilespmem:s8+$0x4E20];
	(pc) =	sbr.rel @p0 .LBB2_4-.Ltmp1, $4  }
0x9b: {  	v9 =	vld [tilespmem:s8+$0x4E30]  }
0x9c: {  	v8 =	vld [tilespmem:s8+$0x4E40]  }
0x9d: {  	v12 =	vmul.f32 v12, v6;
	v6 =	vld [tilespmem:s8+$0x4E50]  }
0x9e: {  	s17 =	sadd.s32 $0x200, s17;
	v11 =	vmul.f32 v11, v7;
	v7 =	vld [tilespmem:s8+$0x4E60]  }
0x9f: {  	[tilespmem:s8+$0x4E00] =	vst v12;
	v5 =	vmul.f32 v5, v10;
	v10 =	vld [tilespmem:s8+$0x4E70]  }
0xa0: {  	[tilespmem:s8+$0x4E10] =	vst v11;
	v4 =	vmul.f32 v4, v9  }
0xa1: {  	[tilespmem:s8+$0x4E20] =	vst v5;
	v3 =	vmul.f32 v3, v8  }
0xa2: {  	[tilespmem:s8+$0x4E30] =	vst v4;
	v2 =	vmul.f32 v2, v6  }
0xa3: {  	[tilespmem:s8+$0x4E40] =	vst v3;
	v1 =	vmul.f32 v1, v7  }
0xa4: {  	[tilespmem:s8+$0x4E50] =	vst v2;
	v0 =	vmul.f32 v0, v10  }
0xa5: {  	[tilespmem:s8+$0x4E60] =	vst v1  }
0xa6: {  	s17 =	simm.s32 $0x0;
	[tilespmem:s8+$0x4E70] =	vst v0  }
0xa7: {  	[hbm4b:s12+s17] =	stream.linear.scatter [tilespmem:s30], [sflag:$0x5], $0x4000, $0x38;
	[tilespmem:$0x18E00] =	vst v63  }
0xa8: {  	_ =	swait.ge [sflag:s18], $0x4000  }
0xa9: {  	[sflag:s18] =	ssyncset.done $0x0  }
0xaa: {  	[sflag:s18] =	ssyncadd.s32 $0xFFFFC000  }
0xab: {  	_ =	swait.ge [sflag:s25], $0x4000  }
0xac: {  	[sflag:s25] =	ssyncset.done $0x0  }
0xad: {  	s8 =	simm.s32 $0x0;
	[sflag:s25] =	ssyncadd.s32 $0xFFFFC000  }
0xae: {  	v7 =	vld [tilespmem:s8+$0x14E00]  }
0xaf: {  	v11 =	vld [tilespmem:s8+$0x14E10]  }
0xb0: {  	v5 =	vld [tilespmem:s8+$0x14E20]  }
0xb1: {  	v4 =	vld [tilespmem:s8+$0x14E30]  }
0xb2: {  	v3 =	vld [tilespmem:s8+$0x14E40]  }
0xb3: {  	v2 =	vld [tilespmem:s8+$0x14E50]  }
0xb4: {  	v1 =	vld [tilespmem:s8+$0x14E60]  }
0xb5: {  	v0 =	vld [tilespmem:s8+$0x14E70]  }
0xb6: {  	v12 =	vld [tilespmem:s8+$0x8E00]  }
0xb7: {  	v13 =	vld [tilespmem:s8+$0x8E10]  }
0xb8: {  	v10 =	vld [tilespmem:s8+$0x8E20]  }
0xb9: {  	v9 =	vld [tilespmem:s8+$0x8E30]  }
0xba: {  	v8 =	vld [tilespmem:s8+$0x8E40]  }
0xbb: {  	v6 =	vld [tilespmem:s8+$0x8E50];
	v12 =	vmul.f32 v7, v12  }
0xbc: {  	s17 =	simm.s32 $0x200;
	v11 =	vmul.f32 v11, v13;
	v7 =	vld [tilespmem:s8+$0x8E60]  }
.LBB2_6:
0xbd: {  	s9 =	sshra.s32 s17, $0x2;
	p0 =	sne.s32 s17, $0xFE00;
	[tilespmem:s8+$0x8E00] =	vst v12;
	v5 =	vmul.f32 v5, v10;
	v10 =	vld [tilespmem:s8+$0x8E70]  }
0xbe: {  	v12 =	vld [tilespmem:s9+$0x14E00];
	[tilespmem:s8+$0x8E10] =	vst v11;
	v4 =	vmul.f32 v4, v9  }
0xbf: {  	v11 =	vld [tilespmem:s9+$0x14E10];
	[tilespmem:s8+$0x8E20] =	vst v5;
	v3 =	vmul.f32 v3, v8  }
0xc0: {  	v5 =	vld [tilespmem:s9+$0x14E20];
	[tilespmem:s8+$0x8E30] =	vst v4;
	v2 =	vmul.f32 v2, v6  }
0xc1: {  	v4 =	vld [tilespmem:s9+$0x14E30];
	[tilespmem:s8+$0x8E40] =	vst v3;
	v1 =	vmul.f32 v1, v7  }
0xc2: {  	v3 =	vld [tilespmem:s9+$0x14E40];
	[tilespmem:s8+$0x8E50] =	vst v2;
	v0 =	vmul.f32 v0, v10  }
0xc3: {  	v2 =	vld [tilespmem:s9+$0x14E50];
	[tilespmem:s8+$0x8E60] =	vst v1  }
0xc4: {  	v1 =	vld [tilespmem:s9+$0x14E60];
	[tilespmem:s8+$0x8E70] =	vst v0;
	s8 =	smov.u32 s9  }
0xc5: {  	v0 =	vld [tilespmem:s8+$0x14E70]  }
0xc6: {  	v6 =	vld [tilespmem:s8+$0x8E00]  }
0xc7: {  	v7 =	vld [tilespmem:s8+$0x8E10]  }
.Ltmp2:
0xc8: {  	v10 =	vld [tilespmem:s8+$0x8E20];
	(pc) =	sbr.rel @p0 .LBB2_6-.Ltmp2, $4  }
0xc9: {  	v9 =	vld [tilespmem:s8+$0x8E30]  }
0xca: {  	v8 =	vld [tilespmem:s8+$0x8E40]  }
0xcb: {  	v12 =	vmul.f32 v12, v6;
	v6 =	vld [tilespmem:s8+$0x8E50]  }
0xcc: {  	s17 =	sadd.s32 $0x200, s17;
	v11 =	vmul.f32 v11, v7;
	v7 =	vld [tilespmem:s8+$0x8E60]  }
0xcd: {  	[tilespmem:s8+$0x8E00] =	vst v12;
	v5 =	vmul.f32 v5, v10;
	v10 =	vld [tilespmem:s8+$0x8E70]  }
0xce: {  	[tilespmem:s8+$0x8E10] =	vst v11;
	v4 =	vmul.f32 v4, v9  }
0xcf: {  	[tilespmem:s8+$0x8E20] =	vst v5;
	v3 =	vmul.f32 v3, v8  }
0xd0: {  	[tilespmem:s8+$0x8E30] =	vst v4;
	v2 =	vmul.f32 v2, v6  }
0xd1: {  	[tilespmem:s8+$0x8E40] =	vst v3;
	v1 =	vmul.f32 v1, v7  }
0xd2: {  	[tilespmem:s8+$0x8E50] =	vst v2;
	v0 =	vmul.f32 v0, v10  }
0xd3: {  	[tilespmem:s8+$0x8E60] =	vst v1  }
0xd4: {  	s17 =	simm.s32 $0x0;
	[tilespmem:s8+$0x8E70] =	vst v0  }
0xd5: {  	[hbm4b:s13+s17] =	stream.linear.scatter [tilespmem:s26], [sflag:$0x6], $0x4000, $0x38;
	[tilespmem:$0x18E00] =	vst v63  }
0xd6: {  	_ =	swait.ge [sflag:s18], $0x4000  }
0xd7: {  	[sflag:s18] =	ssyncset.done $0x0  }
0xd8: {  	[sflag:s18] =	ssyncadd.s32 $0xFFFFC000  }
0xd9: {  	_ =	swait.ge [sflag:s25], $0x4000  }
0xda: {  	[sflag:s25] =	ssyncset.done $0x0  }
0xdb: {  	s8 =	simm.s32 $0x0;
	[sflag:s25] =	ssyncadd.s32 $0xFFFFC000  }
0xdc: {  	v7 =	vld [tilespmem:s8+$0xCE00]  }
0xdd: {  	v11 =	vld [tilespmem:s8+$0xCE10]  }
0xde: {  	v5 =	vld [tilespmem:s8+$0xCE20]  }
0xdf: {  	v4 =	vld [tilespmem:s8+$0xCE30]  }
0xe0: {  	v3 =	vld [tilespmem:s8+$0xCE40]  }
0xe1: {  	v2 =	vld [tilespmem:s8+$0xCE50]  }
0xe2: {  	v1 =	vld [tilespmem:s8+$0xCE60]  }
0xe3: {  	v0 =	vld [tilespmem:s8+$0xCE70]  }
0xe4: {  	v12 =	vld [tilespmem:s8+$0xE00]  }
0xe5: {  	v13 =	vld [tilespmem:s8+$0xE10]  }
0xe6: {  	v10 =	vld [tilespmem:s8+$0xE20]  }
0xe7: {  	v9 =	vld [tilespmem:s8+$0xE30]  }
0xe8: {  	v8 =	vld [tilespmem:s8+$0xE40]  }
0xe9: {  	v6 =	vld [tilespmem:s8+$0xE50];
	v12 =	vmul.f32 v7, v12  }
0xea: {  	s17 =	simm.s32 $0x200;
	v11 =	vmul.f32 v11, v13;
	v7 =	vld [tilespmem:s8+$0xE60]  }
.LBB2_8:
0xeb: {  	s9 =	sshra.s32 s17, $0x2;
	p0 =	sne.s32 s17, $0xFE00;
	[tilespmem:s8+$0xE00] =	vst v12;
	v5 =	vmul.f32 v5, v10;
	v10 =	vld [tilespmem:s8+$0xE70]  }
0xec: {  	v12 =	vld [tilespmem:s9+$0xCE00];
	[tilespmem:s8+$0xE10] =	vst v11;
	v4 =	vmul.f32 v4, v9  }
0xed: {  	v11 =	vld [tilespmem:s9+$0xCE10];
	[tilespmem:s8+$0xE20] =	vst v5;
	v3 =	vmul.f32 v3, v8  }
0xee: {  	v5 =	vld [tilespmem:s9+$0xCE20];
	[tilespmem:s8+$0xE30] =	vst v4;
	v2 =	vmul.f32 v2, v6  }
0xef: {  	v4 =	vld [tilespmem:s9+$0xCE30];
	[tilespmem:s8+$0xE40] =	vst v3;
	v1 =	vmul.f32 v1, v7  }
0xf0: {  	v3 =	vld [tilespmem:s9+$0xCE40];
	[tilespmem:s8+$0xE50] =	vst v2;
	v0 =	vmul.f32 v0, v10  }
0xf1: {  	v2 =	vld [tilespmem:s9+$0xCE50];
	[tilespmem:s8+$0xE60] =	vst v1  }
0xf2: {  	v1 =	vld [tilespmem:s9+$0xCE60];
	[tilespmem:s8+$0xE70] =	vst v0;
	s8 =	smov.u32 s9  }
0xf3: {  	v0 =	vld [tilespmem:s8+$0xCE70]  }
0xf4: {  	v6 =	vld [tilespmem:s8+$0xE00]  }
0xf5: {  	v7 =	vld [tilespmem:s8+$0xE10]  }
.Ltmp3:
0xf6: {  	v10 =	vld [tilespmem:s8+$0xE20];
	(pc) =	sbr.rel @p0 .LBB2_8-.Ltmp3, $4  }
0xf7: {  	v9 =	vld [tilespmem:s8+$0xE30]  }
0xf8: {  	v8 =	vld [tilespmem:s8+$0xE40]  }
0xf9: {  	v12 =	vmul.f32 v12, v6;
	v6 =	vld [tilespmem:s8+$0xE50]  }
0xfa: {  	s17 =	sadd.s32 $0x200, s17;
	v11 =	vmul.f32 v11, v7;
	v7 =	vld [tilespmem:s8+$0xE60]  }
0xfb: {  	[tilespmem:s8+$0xE00] =	vst v12;
	v5 =	vmul.f32 v5, v10;
	v63 =	vld [tilespmem:s8+$0xE70]  }
0xfc: {  	[tilespmem:s8+$0xE10] =	vst v11;
	v4 =	vmul.f32 v4, v9  }
0xfd: {  	[tilespmem:s8+$0xE20] =	vst v5;
	v3 =	vmul.f32 v3, v8  }
0xfe: {  	[tilespmem:s8+$0xE30] =	vst v4;
	v2 =	vmul.f32 v2, v6  }
0xff: {  	[tilespmem:s8+$0xE40] =	vst v3;
	v1 =	vmul.f32 v1, v7  }
0x100: {  	[tilespmem:s8+$0xE50] =	vst v2;
	v0 =	vmul.f32 v0, v63  }
0x101: {  	[tilespmem:s8+$0xE60] =	vst v1  }
0x102: {  	s17 =	simm.s32 $0x0;
	[tilespmem:s8+$0xE70] =	vst v0  }
0x103: {  	[hbm4b:s14+s17] =	stream.linear.scatter [tilespmem:s22], [sflag:$0x4], $0x4000, $0x38;
	[tilespmem:$0x18E00] =	vst v63  }
0x104: {  	_ =	swait.ge [sflag:s28], $0x80  }
0x105: {  	[sflag:s28] =	ssyncset.done $0x0  }
0x106: {  	[sflag:s28] =	ssyncadd.s32 $0xFFFFFF80  }
0x107: {  	_ =	swait.ge [sflag:s28], $0x80  }
0x108: {  	[sflag:s28] =	ssyncset.done $0x0  }
0x109: {  	[sflag:s28] =	ssyncadd.s32 $0xFFFFFF80  }
0x10a: {  	_ =	swait.ge [sflag:s28], $0x80  }
0x10b: {  	[sflag:s28] =	ssyncset.done $0x0  }
0x10c: {  	[sflag:s28] =	ssyncadd.s32 $0xFFFFFF80  }
0x10d: {  	_ =	swait.ge [sflag:s28], $0x80  }
0x10e: {  	[sflag:s28] =	ssyncset.done $0x0  }
0x10f: {  	[sflag:s28] =	ssyncadd.s32 $0xFFFFFF80  }
0x110: {  	_ =	swait.ge [sflag:s28], $0x80  }
0x111: {  	[sflag:s28] =	ssyncset.done $0x0  }
0x112: {  	[sflag:s28] =	ssyncadd.s32 $0xFFFFFF80  }
0x113: {  	_ =	swait.ge [sflag:s28], $0x80  }
0x114: {  	[sflag:s28] =	ssyncset.done $0x0  }
0x115: {  	[sflag:s28] =	ssyncadd.s32 $0xFFFFFF80  }
0x116: {  	_ =	swait.ge [sflag:s28], $0x80  }
0x117: {  	[sflag:s28] =	ssyncset.done $0x0  }
0x118: {  	[sflag:s28] =	ssyncadd.s32 $0xFFFFFF80  }
0x119: {  	_ =	swait.ge [sflag:s28], $0x80  }
0x11a: {  	[sflag:s28] =	ssyncset.done $0x0  }
0x11b: {  	[sflag:s28] =	ssyncadd.s32 $0xFFFFFF80  }
0x11c: {  	_ =	swait.ge [sflag:s28], $0x80  }
0x11d: {  	[sflag:s28] =	ssyncset.done $0x0  }
0x11e: {  	[sflag:s28] =	ssyncadd.s32 $0xFFFFFF80  }
0x11f: {  	_ =	swait.ge [sflag:s28], $0x80  }
0x120: {  	[sflag:s28] =	ssyncset.done $0x0  }
0x121: {  	[sflag:s28] =	ssyncadd.s32 $0xFFFFFF80  }
0x122: {  	_ =	swait.ge [sflag:s28], $0x80  }
0x123: {  	[sflag:s28] =	ssyncset.done $0x0  }
0x124: {  	[sflag:s28] =	ssyncadd.s32 $0xFFFFFF80  }
0x125: {  	_ =	swait.ge [sflag:s28], $0x80  }
0x126: {  	[sflag:s28] =	ssyncset.done $0x0  }
0x127: {  	s8 =	simm.s32 $0x0;
	[sflag:s28] =	ssyncadd.s32 $0xFFFFFF80  }
0x128: {  	v0 =	vld [tilespmem:s8+$0x800]  }
0x129: {  	v1 =	vld [tilespmem:s8+$0x400]  }
0x12a: {  	v2 =	vld [tilespmem:s8+$0xA00]  }
0x12b: {  	s17 =	simm.s32 $0x40;
	v3 =	vld [tilespmem:s8+$0x600]  }
.LBB2_10:
0x12c: {  	p0 =	sne.s32 s17, $0x7C0  }
.Ltmp4:
0x12d: {  	s9 =	sshra.s32 s17, $0x2;
	v4 =	vmov v0;
	(pc) =	sbr.rel @p0 .LBB2_10-.Ltmp4, $4  }
0x12e: {  	s17 =	sadd.s32 $0x40, s17;
	v0 =	vld [tilespmem:s9+$0x800];
	vm0 =	veq.s32 v1, $0x1  }
0x12f: {  	vm1 =	veq.s32 v1, $0x0;
	v1 =	vld [tilespmem:s9+$0x400];
	v4 =	vsel vm0, v4, v2  }
0x130: {  	v2 =	vld [tilespmem:s9+$0xA00];
	v4 =	vsel vm1, v3, v4  }
0x131: {  	v3 =	vld [tilespmem:s9+$0x600];
	[tilespmem:s8+$0xC00] =	vst v4;
	s8 =	smov.u32 s9  }
0x132: {  	_ =	sdelay $0x1  }
0x133: {  	vm0 =	veq.s32 v1, $0x1  }
0x134: {  	vm1 =	veq.s32 v1, $0x0;
	v0 =	vsel vm0, v0, v2  }
0x135: {  	v0 =	vsel vm1, v3, v0  }
0x136: {  	s17 =	simm.s32 $0xC00;
	[tilespmem:s8+$0xC00] =	vst v0  }
0x137: {  	[hbm4b:s15+s4] =	stream.linear.scatter [tilespmem:s17], [sflag:$0x7], $0x200, $0x38;
	[tilespmem:$0x18E00] =	vst v63  }
0x138: {  	_ =	swait.ge [sflag:s20], $0x4000  }
0x139: {  	[sflag:s20] =	ssyncset.done $0x0  }
0x13a: {  	[sflag:s20] =	ssyncadd.s32 $0xFFFFC000  }
0x13b: {  	_ =	swait.ge [sflag:s3], $0x4000  }
0x13c: {  	[sflag:s3] =	ssyncset.done $0x0  }
0x13d: {  	s0 =	sadd.s32 $0x1, s0;
	[sflag:s3] =	ssyncadd.s32 $0xFFFFC000  }
0x13e: {  	p0 =	sne.s32 s0, s16;
	_ =	swait.ge [sflag:s19], $0x4000  }
.Ltmp5:
0x13f: {  	[sflag:s19] =	ssyncset.done $0x0;
	(pc) =	sbr.rel @p0 .LBB2_1-.Ltmp5, $4  }
0x140: {  	[sflag:s19] =	ssyncadd.s32 $0xFFFFC000  }
0x141: {  	_ =	swait.ge [sflag:s29], $0x200  }
0x142: {  	[sflag:s29] =	ssyncset.done $0x0  }
0x143: {  	[sflag:s29] =	ssyncadd.s32 $0xFFFFFE00  }
0x144: {  	_ =	sfence.sel $0x180000  }
0x145: {  	[bflag:$0x0] =	sbarrier.arrive $0xFFFF  }
0x146: {  	_ =	strace $0x90000047  }
0x147: {  	s0 =	stileid.u32;
	[bflag:$0x2] =	sbarrier.arrive $0xFFFF  }
0x148: {  	p0 =	sne.s32 s0, $0x0;
	s0 =	rddreg [dreg:$0x7]  }
0x149: {  	s0 =	sadd.s32 @!p0 $0x100000, s0  }
0x14a: {  	[sflag:s0] =	ssyncadd.tile.s32 @!p0 $0x1;
	_ =	shalt  }
.Lfunc_end2:
_tile_overlayer_lowered:
.L_overlay_start_2:
0x14b: {  	(tag) =	ssettag $0x2  }
0x14c: {  	s0 =	rddreg [dreg:$0x0];
	s2 =	stileid.u32  }
0x14d: {  	s1 =	rddreg [dreg:$0x1];
	p0 =	sne.s32 s2, $0x0  }
0x14e: {  	s3 =	rddreg [dreg:$0x2];
	[bflag:$0x3] =	sbarrier.arrive $0xFFFF;
	s2 =	simm.s32 @!p0 $0x1C08  }
0x14f: {  	[timem:s3], [sflag:s2] =	dma.local @!p0 [hbm:s0], s1  }
0x150: {  	s0 =	simm.s32 @!p0 $0x8  }
0x151: {  	_ =	swait.ge @!p0 [sflag:s0], s1  }
0x152: {  	s1 =	ssub.s32 @!p0 $0x0, s1;
	[sflag:s0] =	ssyncset.done @!p0 $0x0  }
0x153: {  	[sflag:s0] =	ssyncadd.s32 @!p0 s1  }
0x154: {  	[bflag:$0x3] =	sbarrier.arrive $0xFFFF  }
0x155: {  	_ =	shalt  }

</sc_bundles>
